<compile_context>
chip_gen: v7x
topology: tpu7x:2x2x1
jax: 0.10.2.dev20260603
libtpu: 0.0.44.dev20260713+nightly
codegen_flags: <defaults>
</compile_context>

<pallas_src>
import functools

import jax
import jax.numpy as jnp
from jax import lax
from jax.experimental import pallas as pl
from jax.experimental.pallas import tpu as pltpu
from jax.experimental.pallas import tpu_sc as plsc

N = 10000
E = 320000
D = 128
H = 128
B = 64
NCL = 1000
CED = 64
LAT = 978

NW = 32
NP = 10240
EW = 10240
EP = NW * EW
CHUNK = 64
NSET = 4
NCHUNK = EW // CHUNK
NIROW = EW // 128
DCHUNK = 512
DNCHUNK = EW // DCHUNK
DNI = DNCHUNK // 2
TROWS = NP // 16
RB = 2048
NTB = NP // RB
LATP = 1024

_mesh = plsc.VectorSubcoreMesh(core_axis_name="c", subcore_axis_name="s")



@functools.partial(
    pl.kernel,
    out_type=[
        jax.ShapeDtypeStruct((NW, NP), jnp.float32),
        jax.ShapeDtypeStruct((B, H), jnp.float32),
    ],
    mesh=_mesh,
    scratch_types=[
        pltpu.VMEM((NP,), jnp.float32),
        pltpu.VMEM((DCHUNK,), jnp.int32),
        pltpu.VMEM((DCHUNK,), jnp.int32),
        pltpu.VMEM((B,), jnp.int32),
        pltpu.VMEM((B, H), jnp.float32),
        [pltpu.SemaphoreType.DMA for _ in range(3)],
    ],
    compiler_params=pltpu.CompilerParams(needs_layout_passes=False),
)
def _sc_degree(cols_hbm, emb_hbm, cl_hbm, deg_hbm, ce_hbm,
               histo, idxA, idxB, cl_v, ce_v, sems):
    c = lax.axis_index("c")
    s = lax.axis_index("s")
    w = c * 16 + s
    semA, semB, semE = sems

    def cstart(j, buf, sem):
        pltpu.async_copy(cols_hbm.at[pl.ds(w * EW + j * DCHUNK, DCHUNK)],
                         buf, sem)

    def cwait(buf, sem):
        pltpu.make_async_copy(cols_hbm.at[pl.ds(0, DCHUNK)], buf, sem).wait()

    cstart(0, idxA, semA)
    cstart(1, idxB, semB)

    def _zero(i, carry):
        histo[pl.ds(i * 16, 16)] = jnp.zeros((16,), jnp.float32)
        return carry
    lax.fori_loop(0, NP // 16, _zero, 0)

    ones16 = jnp.ones((16,), jnp.float32)

    def _step(i, carry):
        cwait(idxA, semA)
        for t in range(DCHUNK // 16):
            plsc.addupdate_scatter(histo, [idxA[pl.ds(t * 16, 16)]], ones16)

        @pl.when(i < DNI - 1)
        def _():
            cstart(2 * i + 2, idxA, semA)
        cwait(idxB, semB)
        for t in range(DCHUNK // 16):
            plsc.addupdate_scatter(histo, [idxB[pl.ds(t * 16, 16)]], ones16)

        @pl.when(i < DNI - 1)
        def _():
            cstart(2 * i + 3, idxB, semB)
        return carry
    lax.fori_loop(0, DNI, _step, 0)

    pltpu.sync_copy(histo, deg_hbm.at[w])

    @pl.when(w == 0)
    def _():
        pltpu.sync_copy(cl_hbm, cl_v)
        pltpu.async_copy(emb_hbm.at[cl_v], ce_v, semE).wait()
        pltpu.sync_copy(ce_v, ce_hbm)


NI = NCHUNK // NSET


@functools.partial(
    pl.kernel,
    out_type=jax.ShapeDtypeStruct((2, NP, H), jnp.float32),
    mesh=_mesh,
    scratch_types=[
        pltpu.VMEM_SHARED((NP, H), jnp.float32),
        pltpu.VMEM((NIROW, 128), jnp.int32),
        [pltpu.VMEM((CHUNK,), jnp.int32) for _ in range(NSET)],
        [pltpu.VMEM((CHUNK, H), jnp.float32) for _ in range(NSET)],
        [pltpu.SemaphoreType.DMA for _ in range(3 * NSET)],
    ],
)
def _sc_edge_pass(hp_hbm, rows_hbm, cols_hbm, acc_hbm,
                  acc_sp, idx_r, cbufs, gbufs, sems):
    c = lax.axis_index("c")
    s = lax.axis_index("s")
    w = c * 16 + s
    semg, sems_, semc = sems[:NSET], sems[NSET:2 * NSET], sems[2 * NSET:]

    pltpu.sync_copy(rows_hbm.at[pl.ds(w * NIROW, NIROW)], idx_r)

    z16 = jnp.zeros((16,), jnp.float32)

    def _fill(r, carry):
        for t in range(H // 16):
            gbufs[0][r, pl.ds(t * 16, 16)] = z16
        return carry
    lax.fori_loop(0, CHUNK, _fill, 0)

    def _zero(m, carry):
        pltpu.sync_copy(gbufs[0],
                        acc_sp.at[pl.ds(s * TROWS + m * CHUNK, CHUNK)])
        return carry
    lax.fori_loop(0, TROWS // CHUNK, _zero, 0)

    plsc.subcore_barrier()

    def gidx(i, b):
        row = (NSET * CHUNK // 128) * i + (b * CHUNK) // 128
        return idx_r.at[row, pl.ds((b * CHUNK) % 128, CHUNK)]

    def gstart(i, b):
        pltpu.async_copy(hp_hbm.at[gidx(i, b)], gbufs[b], semg[b])

    def gwait(b):
        pltpu.make_async_copy(hp_hbm.at[gidx(0, 0)], gbufs[b],
                              semg[b]).wait()

    def sstart(b):
        pltpu.async_copy(gbufs[b], acc_sp.at[cbufs[b]], sems_[b], add=True)

    def swait(b):
        pltpu.make_async_copy(gbufs[b], acc_sp.at[cbufs[b]], sems_[b]).wait()

    def cstart(i, b):
        k = NSET * i + b
        pltpu.async_copy(cols_hbm.at[pl.ds(w * EW + k * CHUNK, CHUNK)],
                         cbufs[b], semc[b])

    def cwait(b):
        pltpu.make_async_copy(cols_hbm.at[pl.ds(0, CHUNK)], cbufs[b],
                              semc[b]).wait()

    for b in range(NSET - 1):
        cstart(0, b)
        gstart(0, b)

    def _body(i, carry):
        for b in range(NSET):
            gwait(b)
            cwait(b)
            sstart(b)
            if b == 0:
                @pl.when(i > 0)
                def _():
                    swait(NSET - 1)
                cstart(i, NSET - 1)
                gstart(i, NSET - 1)
            else:
                swait(b - 1)

                @pl.when(i < NI - 1)
                def _(b=b):
                    cstart(i + 1, b - 1)
                    gstart(i + 1, b - 1)
        return carry
    lax.fori_loop(0, NI, _body, 0)
    swait(NSET - 1)

    plsc.subcore_barrier()
    pltpu.sync_copy(acc_sp.at[pl.ds(s * TROWS, TROWS)],
                    acc_hbm.at[c, pl.ds(s * TROWS, TROWS)])



def _dinvb(degt_ref):
    deg = jnp.sum(degt_ref[...], axis=1, keepdims=True) + 1.0
    return jnp.broadcast_to(lax.rsqrt(deg), (RB, H))


def _tc_scale_in(x_ref, degt_ref, w1_ref, hp_ref):
    z = jnp.dot(x_ref[...], w1_ref[...], preferred_element_type=jnp.float32)
    hp_ref[...] = _dinvb(degt_ref) * z


def _tc_combine_mm(acc_ref, hp_ref, degt_ref, b_ref, w2_ref, hp2_ref):
    dinvb = _dinvb(degt_ref)
    u = jnp.maximum(
        dinvb * (acc_ref[0] + acc_ref[1] + hp_ref[...]) + b_ref[...], 0.0)
    hp2_ref[...] = dinvb * jnp.dot(u, w2_ref[...],
                                   preferred_element_type=jnp.float32)


def _ln(x, w, b, eps=1e-5):
    mu = jnp.mean(x, axis=-1, keepdims=True)
    var = jnp.mean((x - mu) ** 2, axis=-1, keepdims=True)
    return (x - mu) / jnp.sqrt(var + eps) * w + b


def _tc_pool_head(acc_ref, hp_ref, degt_ref, b_ref, batchb_ref, cep_ref,
                  combA_ref, combB_ref, comb_b_ref, lnc_w_ref, lnc_b_ref,
                  fc1_W_ref, fc1_b_ref, ln1_w_ref, ln1_b_ref, fc2_W_ref,
                  fc2_b_ref, out_ref, g_ref):
    h2 = jnp.maximum(
        _dinvb(degt_ref) * (acc_ref[0] + acc_ref[1] + hp_ref[...])
        + b_ref[...], 0.0)
    onehot = (batchb_ref[...] ==
              lax.broadcasted_iota(jnp.int32, (RB, B), 1)).astype(jnp.float32)
    part = lax.dot_general(onehot, h2, (((0,), (0,)), ((), ())),
                           preferred_element_type=jnp.float32)

    @pl.when(pl.program_id(0) == 0)
    def _():
        g_ref[...] = jnp.zeros_like(g_ref)
    g_ref[...] += part

    @pl.when(pl.program_id(0) == NTB - 1)
    def _():
        v = (jnp.dot(g_ref[...], combA_ref[...],
                     preferred_element_type=jnp.float32)
             + jnp.dot(cep_ref[...], combB_ref[...],
                       preferred_element_type=jnp.float32)
             + comb_b_ref[...])
        c1 = jnp.maximum(_ln(v, lnc_w_ref[...], lnc_b_ref[...]), 0.0)
        o = jnp.maximum(
            jnp.dot(c1, fc1_W_ref[...], preferred_element_type=jnp.float32)
            + fc1_b_ref[...], 0.0)
        o = _ln(o, ln1_w_ref[...], ln1_b_ref[...])
        out_ref[...] = (jnp.dot(o, fc2_W_ref[...],
                                preferred_element_type=jnp.float32)
                        + fc2_b_ref[...])


def _row_spec(nd=H):
    return pl.BlockSpec((RB, nd), lambda i: (i, 0))


def _rep_spec(shape):
    n = len(shape)
    return pl.BlockSpec(shape, lambda i, _n=n: (0,) * _n)


def kernel(x, edge_index, batch, cell_lines, gcn1_W, gcn1_b, gcn2_W, gcn2_b,
           emb, comb_W, comb_b, lnc_w, lnc_b, fc1_W, fc1_b, ln1_w, ln1_b,
           fc2_W, fc2_b):
    f32 = jnp.float32
    xp = jnp.pad(x, ((0, NP - N), (0, 0)))
    pad_idx = N + jnp.arange(EP - E, dtype=jnp.int32) % (NP - N)
    rows = jnp.concatenate([edge_index[0], pad_idx]).reshape(NW * NIROW, 128)
    cols1 = jnp.concatenate([edge_index[1], pad_idx])
    batchp = jnp.concatenate([batch, jnp.full((NP - N,), B, jnp.int32)])
    batchb = jnp.broadcast_to(batchp[:, None], (NP, B))

    embp = jnp.pad(emb, ((0, 0), (0, H - CED)))
    degp, cep = _sc_degree(cols1, embp, cell_lines)
    degt = degp.T

    degt_spec = pl.BlockSpec((RB, NW), lambda i: (i, 0))
    hp1 = pl.pallas_call(
        _tc_scale_in,
        grid=(NTB,),
        in_specs=[_row_spec(), degt_spec, _rep_spec((D, H))],
        out_specs=_row_spec(),
        out_shape=jax.ShapeDtypeStruct((NP, H), f32),
    )(xp, degt, gcn1_W)

    acc1 = _sc_edge_pass(hp1, rows, cols1)

    hp2 = pl.pallas_call(
        _tc_combine_mm,
        grid=(NTB,),
        in_specs=[pl.BlockSpec((2, RB, H), lambda i: (0, i, 0)),
                  _row_spec(), degt_spec, _rep_spec((1, H)),
                  _rep_spec((H, H))],
        out_specs=_row_spec(),
        out_shape=jax.ShapeDtypeStruct((NP, H), f32),
    )(acc1, hp1, degt, gcn1_b[None, :], gcn2_W)

    acc2 = _sc_edge_pass(hp2, rows, cols1)

    combA = comb_W[:H]
    combB = jnp.pad(comb_W[H:], ((0, H - CED), (0, 0)))
    fc2_Wp = jnp.pad(fc2_W, ((0, 0), (0, LATP - LAT)))
    fc2_bp = jnp.pad(fc2_b, ((0, LATP - LAT),))

    out = pl.pallas_call(
        _tc_pool_head,
        grid=(NTB,),
        in_specs=[pl.BlockSpec((2, RB, H), lambda i: (0, i, 0)),
                  _row_spec(), degt_spec, _rep_spec((1, H)),
                  pl.BlockSpec((RB, B), lambda i: (i, 0))] +
                 [_rep_spec(s) for s in
                  [(B, H), (H, H), (H, H), (1, H), (1, H), (1, H),
                   (H, H), (1, H), (1, H), (1, H), (H, LATP), (1, LATP)]],
        out_specs=pl.BlockSpec((B, LATP), lambda i: (0, 0)),
        out_shape=jax.ShapeDtypeStruct((B, LATP), f32),
        scratch_shapes=[pltpu.VMEM((B, H), f32)],
    )(acc2, hp2, degt, gcn2_b[None, :], batchb, cep, combA, combB,
      comb_b[None, :], lnc_w[None, :], lnc_b[None, :], fc1_W, fc1_b[None, :],
      ln1_w[None, :], ln1_b[None, :], fc2_Wp, fc2_bp[None, :])

    return out[:, :LAT]

# --- scband reference (transcript-rebuilt; emitter-appended) ---
"""Pipeline reference for scband-latent-gene-expression-gnn-63660005261872 (READ-ONLY COPY).

The authoritative reference and input builder live on the scoring server;
editing this copy changes nothing except your own understanding.
"""

import jax, jax.numpy as jnp
import numpy as np

N = 10000
E = 320000
D = 128
H = 128
B = 64
NCL = 1000
CED = 64
LAT = 978


def setup_inputs(seed: int = 0):
    key = jax.random.key(seed)
    ks = jax.random.split(key, 20)
    x = jax.random.normal(ks[0], (N, D), dtype=jnp.float32)
    edge_index = jax.random.randint(ks[1], (2, E), 0, N, dtype=jnp.int32)
    batch = jnp.sort(jax.random.randint(ks[2], (N,), 0, B, dtype=jnp.int32))
    cell_lines = jax.random.randint(ks[3], (B,), 0, NCL, dtype=jnp.int32)
    def lin(k, fan_in, fan_out):
        bound = np.sqrt(6.0 / fan_in)
        return jax.random.uniform(k, (fan_in, fan_out), jnp.float32, -bound, bound)
    return {
        'x': x,
        'edge_index': edge_index,
        'batch': batch,
        'cell_lines': cell_lines,
        'gcn1_W': lin(ks[4], D, H),
        'gcn1_b': jnp.zeros((H,), jnp.float32),
        'gcn2_W': lin(ks[5], H, H),
        'gcn2_b': jnp.zeros((H,), jnp.float32),
        'emb': jax.random.normal(ks[6], (NCL, CED), dtype=jnp.float32),
        'comb_W': lin(ks[7], H + CED, H),
        'comb_b': jnp.zeros((H,), jnp.float32),
        'lnc_w': jnp.ones((H,), jnp.float32),
        'lnc_b': jnp.zeros((H,), jnp.float32),
        'fc1_W': lin(ks[8], H, H),
        'fc1_b': jnp.zeros((H,), jnp.float32),
        'ln1_w': jnp.ones((H,), jnp.float32),
        'ln1_b': jnp.zeros((H,), jnp.float32),
        'fc2_W': lin(ks[9], H, LAT),
        'fc2_b': jnp.zeros((LAT,), jnp.float32),
    }


def _gcn_conv(x, edge_index, W, b):
    h = x @ W
    loop = jnp.arange(N, dtype=edge_index.dtype)
    row = jnp.concatenate([edge_index[0], loop])
    col = jnp.concatenate([edge_index[1], loop])
    deg = jnp.zeros((N,), h.dtype).at[col].add(1.0)
    dinv = jnp.where(deg > 0, 1.0 / jnp.sqrt(deg), 0.0)
    norm = dinv[row] * dinv[col]
    out = jnp.zeros((N, h.shape[1]), h.dtype).at[col].add(h[row] * norm[:, None])
    return out + b


def _layer_norm(x, w, b, eps=1e-5):
    mu = jnp.mean(x, axis=-1, keepdims=True)
    var = jnp.mean((x - mu) ** 2, axis=-1, keepdims=True)
    return (x - mu) / jnp.sqrt(var + eps) * w + b


def reference(x, edge_index, batch, cell_lines, gcn1_W, gcn1_b, gcn2_W, gcn2_b, emb, comb_W, comb_b, lnc_w, lnc_b, fc1_W, fc1_b, ln1_w, ln1_b, fc2_W, fc2_b):
    h = jax.nn.relu(_gcn_conv(x, edge_index, gcn1_W, gcn1_b))
    h = jax.nn.relu(_gcn_conv(h, edge_index, gcn2_W, gcn2_b))
    g = jax.ops.segment_sum(h, batch, num_segments=B)
    ce = emb[cell_lines]
    c = jnp.concatenate([g, ce], axis=1)
    c = jax.nn.relu(_layer_norm(c @ comb_W + comb_b, lnc_w, lnc_b))
    o = jax.nn.relu(c @ fc1_W + fc1_b)
    o = _layer_norm(o, ln1_w, ln1_b)
    return o @ fc2_W + fc2_b

if __name__ == "__main__":
    import jax
    _d = setup_inputs()
    print(jax.jit(kernel)(*tuple(_d.values())))

</pallas_src>

<mosaic_0001>
#map = affine_map<(d0, d1) -> (0)>
#map1 = affine_map<(d0, d1) -> (0, 0)>
module attributes {stable_mosaic.version = 14 : i64} {
  func.func @_sc_degree(%arg0: i32, %arg1: i32, %arg2: memref<327680xi32, #tpu.memory_space<hbm>>, %arg3: memref<1000x128xf32, #tpu.memory_space<hbm>>, %arg4: memref<64xi32, #tpu.memory_space<hbm>>, %arg5: memref<32x10240xf32, #tpu.memory_space<hbm>>, %arg6: memref<64x128xf32, #tpu.memory_space<hbm>>, %arg7: memref<10240xf32, #tpu.memory_space<vmem>>, %arg8: memref<512xi32, #tpu.memory_space<vmem>>, %arg9: memref<512xi32, #tpu.memory_space<vmem>>, %arg10: memref<64xi32, #tpu.memory_space<vmem>>, %arg11: memref<64x128xf32, #tpu.memory_space<vmem>>, %arg12: memref<!tpu.dma_semaphore, #tpu.memory_space<semaphore_mem>>, %arg13: memref<!tpu.dma_semaphore, #tpu.memory_space<semaphore_mem>>, %arg14: memref<!tpu.dma_semaphore, #tpu.memory_space<semaphore_mem>>) attributes {dimension_semantics = [#tpu.dimension_semantics<core_parallel>, #tpu.dimension_semantics<subcore_parallel>], iteration_bounds = array<i64: 2, 16>, scalar_prefetch = 0 : i64, scratch_operands = 8 : i64, tpu.core_type = #tpu.core_type<sc_vector_subcore>, window_params = [{transform_indices = #map}, {transform_indices = #map1}, {transform_indices = #map}, {transform_indices = #map1}, {transform_indices = #map1}]} {
    %mul3A = arith.constant 16 : i32
    %mul3A_0 = arith.muli %arg0, %mul3A : i32
    %add3A = arith.addi %mul3A_0, %arg1 : i32
    %mul3A_1 = arith.constant 10240 : i32
    %mul3A_2 = arith.muli %add3A, %mul3A_1 : i32
    %add3A_3 = arith.constant 0 : i32
    %add3A_4 = arith.addi %mul3A_2, %add3A_3 : i32
    %dma_start3A = tpu.memref_slice %arg2[%add3A_4] : memref<327680xi32, #tpu.memory_space<hbm>> -> memref<512xi32, #tpu.memory_space<hbm>>
    %dma_start3A_5 = tpu.memref_slice %arg2[%add3A_4] : memref<327680xi32, #tpu.memory_space<hbm>> -> memref<512xi32, #tpu.memory_space<hbm>>
    tpu.enqueue_dma source(%dma_start3A_5 : memref<512xi32, #tpu.memory_space<hbm>>) target(%arg8 : memref<512xi32, #tpu.memory_space<vmem>>) target_semaphore(%arg12 : memref<!tpu.dma_semaphore, #tpu.memory_space<semaphore_mem>>)
    %mul3A_6 = arith.constant 10240 : i32
    %mul3A_7 = arith.muli %add3A, %mul3A_6 : i32
    %add3A_8 = arith.constant 512 : i32
    %add3A_9 = arith.addi %mul3A_7, %add3A_8 : i32
    %dma_start3A_10 = tpu.memref_slice %arg2[%add3A_9] : memref<327680xi32, #tpu.memory_space<hbm>> -> memref<512xi32, #tpu.memory_space<hbm>>
    %dma_start3A_11 = tpu.memref_slice %arg2[%add3A_9] : memref<327680xi32, #tpu.memory_space<hbm>> -> memref<512xi32, #tpu.memory_space<hbm>>
    tpu.enqueue_dma source(%dma_start3A_11 : memref<512xi32, #tpu.memory_space<hbm>>) target(%arg9 : memref<512xi32, #tpu.memory_space<vmem>>) target_semaphore(%arg13 : memref<!tpu.dma_semaphore, #tpu.memory_space<semaphore_mem>>)
    %scan3A = arith.constant 0 : i32
    %scan3A_12 = arith.constant 0 : i32
    %scan3A_13 = arith.constant 640 : i32
    %scan3A_14 = arith.addi %scan3A_12, %scan3A_13 : i32
    %scan3A_15 = arith.constant 1 : i32
    scf.for %scan3A_26 = %scan3A_12 to %scan3A_14 step %scan3A_15  : i32 {
      %broadcast_in_dim3A_27 = arith.constant 0.000000e+00 : f32
      %broadcast_in_dim3A_28 = vector.broadcast %broadcast_in_dim3A_27 : f32 to vector<16xf32>
      %mul3A_29 = arith.constant 16 : i32
      %mul3A_30 = arith.muli %scan3A_26, %mul3A_29 : i32
      %swap3A = arith.index_cast %mul3A_30 : i32 to index
      %swap3A_31 = tpu.vector_load %arg7[%swap3A] {strides = array<i32>} : memref<10240xf32, #tpu.memory_space<vmem>>, vector<16xf32>,
      tpu.vector_store %arg7[%swap3A], %broadcast_in_dim3A_28 {strides = array<i32>} : memref<10240xf32, #tpu.memory_space<vmem>>, vector<16xf32>,
    }
    %scan3A_16 = arith.constant 640 : i32
    %broadcast_in_dim3A = arith.constant 1.000000e+00 : f32
    %broadcast_in_dim3A_17 = vector.broadcast %broadcast_in_dim3A : f32 to vector<16xf32>
    %scan3A_18 = arith.constant 0 : i32
    %scan3A_19 = arith.constant 0 : i32
    %scan3A_20 = arith.constant 10 : i32
    %scan3A_21 = arith.addi %scan3A_19, %scan3A_20 : i32
    %scan3A_22 = arith.constant 1 : i32
    scf.for %scan3A_26 = %scan3A_19 to %scan3A_21 step %scan3A_22  : i32 {
      %dma_wait3A = arith.constant 0 : i32
      %dma_wait3A_27 = tpu.memref_slice %arg2[%dma_wait3A] : memref<327680xi32, #tpu.memory_space<hbm>> -> memref<512xi32, #tpu.memory_space<hbm>>
      %dma_wait3A_28 = arith.constant 0 : i32
      %dma_wait3A_29 = tpu.memref_slice %arg2[%dma_wait3A_28] : memref<327680xi32, #tpu.memory_space<hbm>> -> memref<512xi32, #tpu.memory_space<hbm>>
      tpu.wait_dma2 semaphore(%arg12 : memref<!tpu.dma_semaphore, #tpu.memory_space<semaphore_mem>>) src(%dma_wait3A_29 : memref<512xi32, #tpu.memory_space<hbm>>) dst(%arg8 : memref<512xi32, #tpu.memory_space<vmem>>)
      %get3A = arith.constant 0 : index
      %get3A_30 = tpu.vector_load %arg8[%get3A] {strides = array<i32>} : memref<512xi32, #tpu.memory_space<vmem>>, vector<16xi32>,
      tpu.vector_store_idx %arg7[%get3A_30], %broadcast_in_dim3A_17 {add = true} : memref<10240xf32, #tpu.memory_space<vmem>>[vector<16xi32>], vector<16xf32>,
      %get3A_31 = arith.constant 16 : index
      %get3A_32 = tpu.vector_load %arg8[%get3A_31] {strides = array<i32>} : memref<512xi32, #tpu.memory_space<vmem>>, vector<16xi32>,
      tpu.vector_store_idx %arg7[%get3A_32], %broadcast_in_dim3A_17 {add = true} : memref<10240xf32, #tpu.memory_space<vmem>>[vector<16xi32>], vector<16xf32>,
      %get3A_33 = arith.constant 32 : index
      %get3A_34 = tpu.vector_load %arg8[%get3A_33] {strides = array<i32>} : memref<512xi32, #tpu.memory_space<vmem>>, vector<16xi32>,
      tpu.vector_store_idx %arg7[%get3A_34], %broadcast_in_dim3A_17 {add = true} : memref<10240xf32, #tpu.memory_space<vmem>>[vector<16xi32>], vector<16xf32>,
      %get3A_35 = arith.constant 48 : index
      %get3A_36 = tpu.vector_load %arg8[%get3A_35] {strides = array<i32>} : memref<512xi32, #tpu.memory_space<vmem>>, vector<16xi32>,
      tpu.vector_store_idx %arg7[%get3A_36], %broadcast_in_dim3A_17 {add = true} : memref<10240xf32, #tpu.memory_space<vmem>>[vector<16xi32>], vector<16xf32>,
      %get3A_37 = arith.constant 64 : index
      %get3A_38 = tpu.vector_load %arg8[%get3A_37] {strides = array<i32>} : memref<512xi32, #tpu.memory_space<vmem>>, vector<16xi32>,
      tpu.vector_store_idx %arg7[%get3A_38], %broadcast_in_dim3A_17 {add = true} : memref<10240xf32, #tpu.memory_space<vmem>>[vector<16xi32>], vector<16xf32>,
      %get3A_39 = arith.constant 80 : index
      %get3A_40 = tpu.vector_load %arg8[%get3A_39] {strides = array<i32>} : memref<512xi32, #tpu.memory_space<vmem>>, vector<16xi32>,
      tpu.vector_store_idx %arg7[%get3A_40], %broadcast_in_dim3A_17 {add = true} : memref<10240xf32, #tpu.memory_space<vmem>>[vector<16xi32>], vector<16xf32>,
      %get3A_41 = arith.constant 96 : index
      %get3A_42 = tpu.vector_load %arg8[%get3A_41] {strides = array<i32>} : memref<512xi32, #tpu.memory_space<vmem>>, vector<16xi32>,
      tpu.vector_store_idx %arg7[%get3A_42], %broadcast_in_dim3A_17 {add = true} : memref<10240xf32, #tpu.memory_space<vmem>>[vector<16xi32>], vector<16xf32>,
      %get3A_43 = arith.constant 112 : index
      %get3A_44 = tpu.vector_load %arg8[%get3A_43] {strides = array<i32>} : memref<512xi32, #tpu.memory_space<vmem>>, vector<16xi32>,
      tpu.vector_store_idx %arg7[%get3A_44], %broadcast_in_dim3A_17 {add = true} : memref<10240xf32, #tpu.memory_space<vmem>>[vector<16xi32>], vector<16xf32>,
      %get3A_45 = arith.constant 128 : index
      %get3A_46 = tpu.vector_load %arg8[%get3A_45] {strides = array<i32>} : memref<512xi32, #tpu.memory_space<vmem>>, vector<16xi32>,
      tpu.vector_store_idx %arg7[%get3A_46], %broadcast_in_dim3A_17 {add = true} : memref<10240xf32, #tpu.memory_space<vmem>>[vector<16xi32>], vector<16xf32>,
      %get3A_47 = arith.constant 144 : index
      %get3A_48 = tpu.vector_load %arg8[%get3A_47] {strides = array<i32>} : memref<512xi32, #tpu.memory_space<vmem>>, vector<16xi32>,
      tpu.vector_store_idx %arg7[%get3A_48], %broadcast_in_dim3A_17 {add = true} : memref<10240xf32, #tpu.memory_space<vmem>>[vector<16xi32>], vector<16xf32>,
      %get3A_49 = arith.constant 160 : index
      %get3A_50 = tpu.vector_load %arg8[%get3A_49] {strides = array<i32>} : memref<512xi32, #tpu.memory_space<vmem>>, vector<16xi32>,
      tpu.vector_store_idx %arg7[%get3A_50], %broadcast_in_dim3A_17 {add = true} : memref<10240xf32, #tpu.memory_space<vmem>>[vector<16xi32>], vector<16xf32>,
      %get3A_51 = arith.constant 176 : index
      %get3A_52 = tpu.vector_load %arg8[%get3A_51] {strides = array<i32>} : memref<512xi32, #tpu.memory_space<vmem>>, vector<16xi32>,
      tpu.vector_store_idx %arg7[%get3A_52], %broadcast_in_dim3A_17 {add = true} : memref<10240xf32, #tpu.memory_space<vmem>>[vector<16xi32>], vector<16xf32>,
      %get3A_53 = arith.constant 192 : index
      %get3A_54 = tpu.vector_load %arg8[%get3A_53] {strides = array<i32>} : memref<512xi32, #tpu.memory_space<vmem>>, vector<16xi32>,
      tpu.vector_store_idx %arg7[%get3A_54], %broadcast_in_dim3A_17 {add = true} : memref<10240xf32, #tpu.memory_space<vmem>>[vector<16xi32>], vector<16xf32>,
      %get3A_55 = arith.constant 208 : index
      %get3A_56 = tpu.vector_load %arg8[%get3A_55] {strides = array<i32>} : memref<512xi32, #tpu.memory_space<vmem>>, vector<16xi32>,
      tpu.vector_store_idx %arg7[%get3A_56], %broadcast_in_dim3A_17 {add = true} : memref<10240xf32, #tpu.memory_space<vmem>>[vector<16xi32>], vector<16xf32>,
      %get3A_57 = arith.constant 224 : index
      %get3A_58 = tpu.vector_load %arg8[%get3A_57] {strides = array<i32>} : memref<512xi32, #tpu.memory_space<vmem>>, vector<16xi32>,
      tpu.vector_store_idx %arg7[%get3A_58], %broadcast_in_dim3A_17 {add = true} : memref<10240xf32, #tpu.memory_space<vmem>>[vector<16xi32>], vector<16xf32>,
      %get3A_59 = arith.constant 240 : index
      %get3A_60 = tpu.vector_load %arg8[%get3A_59] {strides = array<i32>} : memref<512xi32, #tpu.memory_space<vmem>>, vector<16xi32>,
      tpu.vector_store_idx %arg7[%get3A_60], %broadcast_in_dim3A_17 {add = true} : memref<10240xf32, #tpu.memory_space<vmem>>[vector<16xi32>], vector<16xf32>,
      %get3A_61 = arith.constant 256 : index
      %get3A_62 = tpu.vector_load %arg8[%get3A_61] {strides = array<i32>} : memref<512xi32, #tpu.memory_space<vmem>>, vector<16xi32>,
      tpu.vector_store_idx %arg7[%get3A_62], %broadcast_in_dim3A_17 {add = true} : memref<10240xf32, #tpu.memory_space<vmem>>[vector<16xi32>], vector<16xf32>,
      %get3A_63 = arith.constant 272 : index
      %get3A_64 = tpu.vector_load %arg8[%get3A_63] {strides = array<i32>} : memref<512xi32, #tpu.memory_space<vmem>>, vector<16xi32>,
      tpu.vector_store_idx %arg7[%get3A_64], %broadcast_in_dim3A_17 {add = true} : memref<10240xf32, #tpu.memory_space<vmem>>[vector<16xi32>], vector<16xf32>,
      %get3A_65 = arith.constant 288 : index
      %get3A_66 = tpu.vector_load %arg8[%get3A_65] {strides = array<i32>} : memref<512xi32, #tpu.memory_space<vmem>>, vector<16xi32>,
      tpu.vector_store_idx %arg7[%get3A_66], %broadcast_in_dim3A_17 {add = true} : memref<10240xf32, #tpu.memory_space<vmem>>[vector<16xi32>], vector<16xf32>,
      %get3A_67 = arith.constant 304 : index
      %get3A_68 = tpu.vector_load %arg8[%get3A_67] {strides = array<i32>} : memref<512xi32, #tpu.memory_space<vmem>>, vector<16xi32>,
      tpu.vector_store_idx %arg7[%get3A_68], %broadcast_in_dim3A_17 {add = true} : memref<10240xf32, #tpu.memory_space<vmem>>[vector<16xi32>], vector<16xf32>,
      %get3A_69 = arith.constant 320 : index
      %get3A_70 = tpu.vector_load %arg8[%get3A_69] {strides = array<i32>} : memref<512xi32, #tpu.memory_space<vmem>>, vector<16xi32>,
      tpu.vector_store_idx %arg7[%get3A_70], %broadcast_in_dim3A_17 {add = true} : memref<10240xf32, #tpu.memory_space<vmem>>[vector<16xi32>], vector<16xf32>,
      %get3A_71 = arith.constant 336 : index
      %get3A_72 = tpu.vector_load %arg8[%get3A_71] {strides = array<i32>} : memref<512xi32, #tpu.memory_space<vmem>>, vector<16xi32>,
      tpu.vector_store_idx %arg7[%get3A_72], %broadcast_in_dim3A_17 {add = true} : memref<10240xf32, #tpu.memory_space<vmem>>[vector<16xi32>], vector<16xf32>,
      %get3A_73 = arith.constant 352 : index
      %get3A_74 = tpu.vector_load %arg8[%get3A_73] {strides = array<i32>} : memref<512xi32, #tpu.memory_space<vmem>>, vector<16xi32>,
      tpu.vector_store_idx %arg7[%get3A_74], %broadcast_in_dim3A_17 {add = true} : memref<10240xf32, #tpu.memory_space<vmem>>[vector<16xi32>], vector<16xf32>,
      %get3A_75 = arith.constant 368 : index
      %get3A_76 = tpu.vector_load %arg8[%get3A_75] {strides = array<i32>} : memref<512xi32, #tpu.memory_space<vmem>>, vector<16xi32>,
      tpu.vector_store_idx %arg7[%get3A_76], %broadcast_in_dim3A_17 {add = true} : memref<10240xf32, #tpu.memory_space<vmem>>[vector<16xi32>], vector<16xf32>,
      %get3A_77 = arith.constant 384 : index
      %get3A_78 = tpu.vector_load %arg8[%get3A_77] {strides = array<i32>} : memref<512xi32, #tpu.memory_space<vmem>>, vector<16xi32>,
      tpu.vector_store_idx %arg7[%get3A_78], %broadcast_in_dim3A_17 {add = true} : memref<10240xf32, #tpu.memory_space<vmem>>[vector<16xi32>], vector<16xf32>,
      %get3A_79 = arith.constant 400 : index
      %get3A_80 = tpu.vector_load %arg8[%get3A_79] {strides = array<i32>} : memref<512xi32, #tpu.memory_space<vmem>>, vector<16xi32>,
      tpu.vector_store_idx %arg7[%get3A_80], %broadcast_in_dim3A_17 {add = true} : memref<10240xf32, #tpu.memory_space<vmem>>[vector<16xi32>], vector<16xf32>,
      %get3A_81 = arith.constant 416 : index
      %get3A_82 = tpu.vector_load %arg8[%get3A_81] {strides = array<i32>} : memref<512xi32, #tpu.memory_space<vmem>>, vector<16xi32>,
      tpu.vector_store_idx %arg7[%get3A_82], %broadcast_in_dim3A_17 {add = true} : memref<10240xf32, #tpu.memory_space<vmem>>[vector<16xi32>], vector<16xf32>,
      %get3A_83 = arith.constant 432 : index
      %get3A_84 = tpu.vector_load %arg8[%get3A_83] {strides = array<i32>} : memref<512xi32, #tpu.memory_space<vmem>>, vector<16xi32>,
      tpu.vector_store_idx %arg7[%get3A_84], %broadcast_in_dim3A_17 {add = true} : memref<10240xf32, #tpu.memory_space<vmem>>[vector<16xi32>], vector<16xf32>,
      %get3A_85 = arith.constant 448 : index
      %get3A_86 = tpu.vector_load %arg8[%get3A_85] {strides = array<i32>} : memref<512xi32, #tpu.memory_space<vmem>>, vector<16xi32>,
      tpu.vector_store_idx %arg7[%get3A_86], %broadcast_in_dim3A_17 {add = true} : memref<10240xf32, #tpu.memory_space<vmem>>[vector<16xi32>], vector<16xf32>,
      %get3A_87 = arith.constant 464 : index
      %get3A_88 = tpu.vector_load %arg8[%get3A_87] {strides = array<i32>} : memref<512xi32, #tpu.memory_space<vmem>>, vector<16xi32>,
      tpu.vector_store_idx %arg7[%get3A_88], %broadcast_in_dim3A_17 {add = true} : memref<10240xf32, #tpu.memory_space<vmem>>[vector<16xi32>], vector<16xf32>,
      %get3A_89 = arith.constant 480 : index
      %get3A_90 = tpu.vector_load %arg8[%get3A_89] {strides = array<i32>} : memref<512xi32, #tpu.memory_space<vmem>>, vector<16xi32>,
      tpu.vector_store_idx %arg7[%get3A_90], %broadcast_in_dim3A_17 {add = true} : memref<10240xf32, #tpu.memory_space<vmem>>[vector<16xi32>], vector<16xf32>,
      %get3A_91 = arith.constant 496 : index
      %get3A_92 = tpu.vector_load %arg8[%get3A_91] {strides = array<i32>} : memref<512xi32, #tpu.memory_space<vmem>>, vector<16xi32>,
      tpu.vector_store_idx %arg7[%get3A_92], %broadcast_in_dim3A_17 {add = true} : memref<10240xf32, #tpu.memory_space<vmem>>[vector<16xi32>], vector<16xf32>,
      %lt3A = arith.constant 9 : i32
      %lt3A_93 = arith.cmpi slt, %scan3A_26, %lt3A : i32
      %convert_element_type3A_94 = arith.extui %lt3A_93 : i1 to i32
      %cond3A_95 = arith.constant 0 : i32
      %cond3A_96 = arith.cmpi ne, %convert_element_type3A_94, %cond3A_95 : i32
      scf.if %cond3A_96 {
        %mul3A_170 = arith.constant 2 : i32
        %mul3A_171 = arith.muli %mul3A_170, %scan3A_26 : i32
        %add3A_172 = arith.constant 2 : i32
        %add3A_173 = arith.addi %mul3A_171, %add3A_172 : i32
        %mul3A_174 = arith.constant 10240 : i32
        %mul3A_175 = arith.muli %add3A, %mul3A_174 : i32
        %mul3A_176 = arith.constant 512 : i32
        %mul3A_177 = arith.muli %add3A_173, %mul3A_176 : i32
        %add3A_178 = arith.addi %mul3A_175, %mul3A_177 : i32
        %dma_start3A_179 = tpu.memref_slice %arg2[%add3A_178] : memref<327680xi32, #tpu.memory_space<hbm>> -> memref<512xi32, #tpu.memory_space<hbm>>
        %dma_start3A_180 = tpu.memref_slice %arg2[%add3A_178] : memref<327680xi32, #tpu.memory_space<hbm>> -> memref<512xi32, #tpu.memory_space<hbm>>
        tpu.enqueue_dma source(%dma_start3A_180 : memref<512xi32, #tpu.memory_space<hbm>>) target(%arg8 : memref<512xi32, #tpu.memory_space<vmem>>) target_semaphore(%arg12 : memref<!tpu.dma_semaphore, #tpu.memory_space<semaphore_mem>>)
      } else {
      }
      %dma_wait3A_97 = arith.constant 0 : i32
      %dma_wait3A_98 = tpu.memref_slice %arg2[%dma_wait3A_97] : memref<327680xi32, #tpu.memory_space<hbm>> -> memref<512xi32, #tpu.memory_space<hbm>>
      %dma_wait3A_99 = arith.constant 0 : i32
      %dma_wait3A_100 = tpu.memref_slice %arg2[%dma_wait3A_99] : memref<327680xi32, #tpu.memory_space<hbm>> -> memref<512xi32, #tpu.memory_space<hbm>>
      tpu.wait_dma2 semaphore(%arg13 : memref<!tpu.dma_semaphore, #tpu.memory_space<semaphore_mem>>) src(%dma_wait3A_100 : memref<512xi32, #tpu.memory_space<hbm>>) dst(%arg9 : memref<512xi32, #tpu.memory_space<vmem>>)
      %get3A_101 = arith.constant 0 : index
      %get3A_102 = tpu.vector_load %arg9[%get3A_101] {strides = array<i32>} : memref<512xi32, #tpu.memory_space<vmem>>, vector<16xi32>,
      tpu.vector_store_idx %arg7[%get3A_102], %broadcast_in_dim3A_17 {add = true} : memref<10240xf32, #tpu.memory_space<vmem>>[vector<16xi32>], vector<16xf32>,
      %get3A_103 = arith.constant 16 : index
      %get3A_104 = tpu.vector_load %arg9[%get3A_103] {strides = array<i32>} : memref<512xi32, #tpu.memory_space<vmem>>, vector<16xi32>,
      tpu.vector_store_idx %arg7[%get3A_104], %broadcast_in_dim3A_17 {add = true} : memref<10240xf32, #tpu.memory_space<vmem>>[vector<16xi32>], vector<16xf32>,
      %get3A_105 = arith.constant 32 : index
      %get3A_106 = tpu.vector_load %arg9[%get3A_105] {strides = array<i32>} : memref<512xi32, #tpu.memory_space<vmem>>, vector<16xi32>,
      tpu.vector_store_idx %arg7[%get3A_106], %broadcast_in_dim3A_17 {add = true} : memref<10240xf32, #tpu.memory_space<vmem>>[vector<16xi32>], vector<16xf32>,
      %get3A_107 = arith.constant 48 : index
      %get3A_108 = tpu.vector_load %arg9[%get3A_107] {strides = array<i32>} : memref<512xi32, #tpu.memory_space<vmem>>, vector<16xi32>,
      tpu.vector_store_idx %arg7[%get3A_108], %broadcast_in_dim3A_17 {add = true} : memref<10240xf32, #tpu.memory_space<vmem>>[vector<16xi32>], vector<16xf32>,
      %get3A_109 = arith.constant 64 : index
      %get3A_110 = tpu.vector_load %arg9[%get3A_109] {strides = array<i32>} : memref<512xi32, #tpu.memory_space<vmem>>, vector<16xi32>,
      tpu.vector_store_idx %arg7[%get3A_110], %broadcast_in_dim3A_17 {add = true} : memref<10240xf32, #tpu.memory_space<vmem>>[vector<16xi32>], vector<16xf32>,
      %get3A_111 = arith.constant 80 : index
      %get3A_112 = tpu.vector_load %arg9[%get3A_111] {strides = array<i32>} : memref<512xi32, #tpu.memory_space<vmem>>, vector<16xi32>,
      tpu.vector_store_idx %arg7[%get3A_112], %broadcast_in_dim3A_17 {add = true} : memref<10240xf32, #tpu.memory_space<vmem>>[vector<16xi32>], vector<16xf32>,
      %get3A_113 = arith.constant 96 : index
      %get3A_114 = tpu.vector_load %arg9[%get3A_113] {strides = array<i32>} : memref<512xi32, #tpu.memory_space<vmem>>, vector<16xi32>,
      tpu.vector_store_idx %arg7[%get3A_114], %broadcast_in_dim3A_17 {add = true} : memref<10240xf32, #tpu.memory_space<vmem>>[vector<16xi32>], vector<16xf32>,
      %get3A_115 = arith.constant 112 : index
      %get3A_116 = tpu.vector_load %arg9[%get3A_115] {strides = array<i32>} : memref<512xi32, #tpu.memory_space<vmem>>, vector<16xi32>,
      tpu.vector_store_idx %arg7[%get3A_116], %broadcast_in_dim3A_17 {add = true} : memref<10240xf32, #tpu.memory_space<vmem>>[vector<16xi32>], vector<16xf32>,
      %get3A_117 = arith.constant 128 : index
      %get3A_118 = tpu.vector_load %arg9[%get3A_117] {strides = array<i32>} : memref<512xi32, #tpu.memory_space<vmem>>, vector<16xi32>,
      tpu.vector_store_idx %arg7[%get3A_118], %broadcast_in_dim3A_17 {add = true} : memref<10240xf32, #tpu.memory_space<vmem>>[vector<16xi32>], vector<16xf32>,
      %get3A_119 = arith.constant 144 : index
      %get3A_120 = tpu.vector_load %arg9[%get3A_119] {strides = array<i32>} : memref<512xi32, #tpu.memory_space<vmem>>, vector<16xi32>,
      tpu.vector_store_idx %arg7[%get3A_120], %broadcast_in_dim3A_17 {add = true} : memref<10240xf32, #tpu.memory_space<vmem>>[vector<16xi32>], vector<16xf32>,
      %get3A_121 = arith.constant 160 : index
      %get3A_122 = tpu.vector_load %arg9[%get3A_121] {strides = array<i32>} : memref<512xi32, #tpu.memory_space<vmem>>, vector<16xi32>,
      tpu.vector_store_idx %arg7[%get3A_122], %broadcast_in_dim3A_17 {add = true} : memref<10240xf32, #tpu.memory_space<vmem>>[vector<16xi32>], vector<16xf32>,
      %get3A_123 = arith.constant 176 : index
      %get3A_124 = tpu.vector_load %arg9[%get3A_123] {strides = array<i32>} : memref<512xi32, #tpu.memory_space<vmem>>, vector<16xi32>,
      tpu.vector_store_idx %arg7[%get3A_124], %broadcast_in_dim3A_17 {add = true} : memref<10240xf32, #tpu.memory_space<vmem>>[vector<16xi32>], vector<16xf32>,
      %get3A_125 = arith.constant 192 : index
      %get3A_126 = tpu.vector_load %arg9[%get3A_125] {strides = array<i32>} : memref<512xi32, #tpu.memory_space<vmem>>, vector<16xi32>,
      tpu.vector_store_idx %arg7[%get3A_126], %broadcast_in_dim3A_17 {add = true} : memref<10240xf32, #tpu.memory_space<vmem>>[vector<16xi32>], vector<16xf32>,
      %get3A_127 = arith.constant 208 : index
      %get3A_128 = tpu.vector_load %arg9[%get3A_127] {strides = array<i32>} : memref<512xi32, #tpu.memory_space<vmem>>, vector<16xi32>,
      tpu.vector_store_idx %arg7[%get3A_128], %broadcast_in_dim3A_17 {add = true} : memref<10240xf32, #tpu.memory_space<vmem>>[vector<16xi32>], vector<16xf32>,
      %get3A_129 = arith.constant 224 : index
      %get3A_130 = tpu.vector_load %arg9[%get3A_129] {strides = array<i32>} : memref<512xi32, #tpu.memory_space<vmem>>, vector<16xi32>,
      tpu.vector_store_idx %arg7[%get3A_130], %broadcast_in_dim3A_17 {add = true} : memref<10240xf32, #tpu.memory_space<vmem>>[vector<16xi32>], vector<16xf32>,
      %get3A_131 = arith.constant 240 : index
      %get3A_132 = tpu.vector_load %arg9[%get3A_131] {strides = array<i32>} : memref<512xi32, #tpu.memory_space<vmem>>, vector<16xi32>,
      tpu.vector_store_idx %arg7[%get3A_132], %broadcast_in_dim3A_17 {add = true} : memref<10240xf32, #tpu.memory_space<vmem>>[vector<16xi32>], vector<16xf32>,
      %get3A_133 = arith.constant 256 : index
      %get3A_134 = tpu.vector_load %arg9[%get3A_133] {strides = array<i32>} : memref<512xi32, #tpu.memory_space<vmem>>, vector<16xi32>,
      tpu.vector_store_idx %arg7[%get3A_134], %broadcast_in_dim3A_17 {add = true} : memref<10240xf32, #tpu.memory_space<vmem>>[vector<16xi32>], vector<16xf32>,
      %get3A_135 = arith.constant 272 : index
      %get3A_136 = tpu.vector_load %arg9[%get3A_135] {strides = array<i32>} : memref<512xi32, #tpu.memory_space<vmem>>, vector<16xi32>,
      tpu.vector_store_idx %arg7[%get3A_136], %broadcast_in_dim3A_17 {add = true} : memref<10240xf32, #tpu.memory_space<vmem>>[vector<16xi32>], vector<16xf32>,
      %get3A_137 = arith.constant 288 : index
      %get3A_138 = tpu.vector_load %arg9[%get3A_137] {strides = array<i32>} : memref<512xi32, #tpu.memory_space<vmem>>, vector<16xi32>,
      tpu.vector_store_idx %arg7[%get3A_138], %broadcast_in_dim3A_17 {add = true} : memref<10240xf32, #tpu.memory_space<vmem>>[vector<16xi32>], vector<16xf32>,
      %get3A_139 = arith.constant 304 : index
      %get3A_140 = tpu.vector_load %arg9[%get3A_139] {strides = array<i32>} : memref<512xi32, #tpu.memory_space<vmem>>, vector<16xi32>,
      tpu.vector_store_idx %arg7[%get3A_140], %broadcast_in_dim3A_17 {add = true} : memref<10240xf32, #tpu.memory_space<vmem>>[vector<16xi32>], vector<16xf32>,
      %get3A_141 = arith.constant 320 : index
      %get3A_142 = tpu.vector_load %arg9[%get3A_141] {strides = array<i32>} : memref<512xi32, #tpu.memory_space<vmem>>, vector<16xi32>,
      tpu.vector_store_idx %arg7[%get3A_142], %broadcast_in_dim3A_17 {add = true} : memref<10240xf32, #tpu.memory_space<vmem>>[vector<16xi32>], vector<16xf32>,
      %get3A_143 = arith.constant 336 : index
      %get3A_144 = tpu.vector_load %arg9[%get3A_143] {strides = array<i32>} : memref<512xi32, #tpu.memory_space<vmem>>, vector<16xi32>,
      tpu.vector_store_idx %arg7[%get3A_144], %broadcast_in_dim3A_17 {add = true} : memref<10240xf32, #tpu.memory_space<vmem>>[vector<16xi32>], vector<16xf32>,
      %get3A_145 = arith.constant 352 : index
      %get3A_146 = tpu.vector_load %arg9[%get3A_145] {strides = array<i32>} : memref<512xi32, #tpu.memory_space<vmem>>, vector<16xi32>,
      tpu.vector_store_idx %arg7[%get3A_146], %broadcast_in_dim3A_17 {add = true} : memref<10240xf32, #tpu.memory_space<vmem>>[vector<16xi32>], vector<16xf32>,
      %get3A_147 = arith.constant 368 : index
      %get3A_148 = tpu.vector_load %arg9[%get3A_147] {strides = array<i32>} : memref<512xi32, #tpu.memory_space<vmem>>, vector<16xi32>,
      tpu.vector_store_idx %arg7[%get3A_148], %broadcast_in_dim3A_17 {add = true} : memref<10240xf32, #tpu.memory_space<vmem>>[vector<16xi32>], vector<16xf32>,
      %get3A_149 = arith.constant 384 : index
      %get3A_150 = tpu.vector_load %arg9[%get3A_149] {strides = array<i32>} : memref<512xi32, #tpu.memory_space<vmem>>, vector<16xi32>,
      tpu.vector_store_idx %arg7[%get3A_150], %broadcast_in_dim3A_17 {add = true} : memref<10240xf32, #tpu.memory_space<vmem>>[vector<16xi32>], vector<16xf32>,
      %get3A_151 = arith.constant 400 : index
      %get3A_152 = tpu.vector_load %arg9[%get3A_151] {strides = array<i32>} : memref<512xi32, #tpu.memory_space<vmem>>, vector<16xi32>,
      tpu.vector_store_idx %arg7[%get3A_152], %broadcast_in_dim3A_17 {add = true} : memref<10240xf32, #tpu.memory_space<vmem>>[vector<16xi32>], vector<16xf32>,
      %get3A_153 = arith.constant 416 : index
      %get3A_154 = tpu.vector_load %arg9[%get3A_153] {strides = array<i32>} : memref<512xi32, #tpu.memory_space<vmem>>, vector<16xi32>,
      tpu.vector_store_idx %arg7[%get3A_154], %broadcast_in_dim3A_17 {add = true} : memref<10240xf32, #tpu.memory_space<vmem>>[vector<16xi32>], vector<16xf32>,
      %get3A_155 = arith.constant 432 : index
      %get3A_156 = tpu.vector_load %arg9[%get3A_155] {strides = array<i32>} : memref<512xi32, #tpu.memory_space<vmem>>, vector<16xi32>,
      tpu.vector_store_idx %arg7[%get3A_156], %broadcast_in_dim3A_17 {add = true} : memref<10240xf32, #tpu.memory_space<vmem>>[vector<16xi32>], vector<16xf32>,
      %get3A_157 = arith.constant 448 : index
      %get3A_158 = tpu.vector_load %arg9[%get3A_157] {strides = array<i32>} : memref<512xi32, #tpu.memory_space<vmem>>, vector<16xi32>,
      tpu.vector_store_idx %arg7[%get3A_158], %broadcast_in_dim3A_17 {add = true} : memref<10240xf32, #tpu.memory_space<vmem>>[vector<16xi32>], vector<16xf32>,
      %get3A_159 = arith.constant 464 : index
      %get3A_160 = tpu.vector_load %arg9[%get3A_159] {strides = array<i32>} : memref<512xi32, #tpu.memory_space<vmem>>, vector<16xi32>,
      tpu.vector_store_idx %arg7[%get3A_160], %broadcast_in_dim3A_17 {add = true} : memref<10240xf32, #tpu.memory_space<vmem>>[vector<16xi32>], vector<16xf32>,
      %get3A_161 = arith.constant 480 : index
      %get3A_162 = tpu.vector_load %arg9[%get3A_161] {strides = array<i32>} : memref<512xi32, #tpu.memory_space<vmem>>, vector<16xi32>,
      tpu.vector_store_idx %arg7[%get3A_162], %broadcast_in_dim3A_17 {add = true} : memref<10240xf32, #tpu.memory_space<vmem>>[vector<16xi32>], vector<16xf32>,
      %get3A_163 = arith.constant 496 : index
      %get3A_164 = tpu.vector_load %arg9[%get3A_163] {strides = array<i32>} : memref<512xi32, #tpu.memory_space<vmem>>, vector<16xi32>,
      tpu.vector_store_idx %arg7[%get3A_164], %broadcast_in_dim3A_17 {add = true} : memref<10240xf32, #tpu.memory_space<vmem>>[vector<16xi32>], vector<16xf32>,
      %lt3A_165 = arith.constant 9 : i32
      %lt3A_166 = arith.cmpi slt, %scan3A_26, %lt3A_165 : i32
      %convert_element_type3A_167 = arith.extui %lt3A_166 : i1 to i32
      %cond3A_168 = arith.constant 0 : i32
      %cond3A_169 = arith.cmpi ne, %convert_element_type3A_167, %cond3A_168 : i32
      scf.if %cond3A_169 {
        %mul3A_170 = arith.constant 2 : i32
        %mul3A_171 = arith.muli %mul3A_170, %scan3A_26 : i32
        %add3A_172 = arith.constant 3 : i32
        %add3A_173 = arith.addi %mul3A_171, %add3A_172 : i32
        %mul3A_174 = arith.constant 10240 : i32
        %mul3A_175 = arith.muli %add3A, %mul3A_174 : i32
        %mul3A_176 = arith.constant 512 : i32
        %mul3A_177 = arith.muli %add3A_173, %mul3A_176 : i32
        %add3A_178 = arith.addi %mul3A_175, %mul3A_177 : i32
        %dma_start3A_179 = tpu.memref_slice %arg2[%add3A_178] : memref<327680xi32, #tpu.memory_space<hbm>> -> memref<512xi32, #tpu.memory_space<hbm>>
        %dma_start3A_180 = tpu.memref_slice %arg2[%add3A_178] : memref<327680xi32, #tpu.memory_space<hbm>> -> memref<512xi32, #tpu.memory_space<hbm>>
        tpu.enqueue_dma source(%dma_start3A_180 : memref<512xi32, #tpu.memory_space<hbm>>) target(%arg9 : memref<512xi32, #tpu.memory_space<vmem>>) target_semaphore(%arg13 : memref<!tpu.dma_semaphore, #tpu.memory_space<semaphore_mem>>)
      } else {
      }
    }
    %scan3A_23 = arith.constant 10 : i32
    "tpu.region"() ({
      %run_scoped3A = tpu.sem_alloc : memref<!tpu.dma_semaphore, #tpu.memory_space<semaphore_mem>>
      %dma_start3A_26 = arith.constant 0 : i32
      %dma_start3A_27 = tpu.memref_slice %arg5[%add3A, %dma_start3A_26] : memref<32x10240xf32, #tpu.memory_space<hbm>> -> memref<1x10240xf32, #tpu.memory_space<hbm>>
      %dma_start3A_28 = tpu.memref_squeeze %dma_start3A_27 : memref<1x10240xf32, #tpu.memory_space<hbm>> -> memref<10240xf32, #tpu.memory_space<hbm>>
      %dma_start3A_29 = arith.constant 0 : i32
      %dma_start3A_30 = tpu.memref_slice %arg5[%add3A, %dma_start3A_29] : memref<32x10240xf32, #tpu.memory_space<hbm>> -> memref<1x10240xf32, #tpu.memory_space<hbm>>
      %dma_start3A_31 = tpu.memref_squeeze %dma_start3A_30 : memref<1x10240xf32, #tpu.memory_space<hbm>> -> memref<10240xf32, #tpu.memory_space<hbm>>
      tpu.enqueue_dma source(%arg7 : memref<10240xf32, #tpu.memory_space<vmem>>) target(%dma_start3A_31 : memref<10240xf32, #tpu.memory_space<hbm>>) target_semaphore(%run_scoped3A : memref<!tpu.dma_semaphore, #tpu.memory_space<semaphore_mem>>)
      %dma_wait3A = arith.constant 0 : i32
      %dma_wait3A_32 = tpu.memref_slice %arg5[%add3A, %dma_wait3A] : memref<32x10240xf32, #tpu.memory_space<hbm>> -> memref<1x10240xf32, #tpu.memory_space<hbm>>
      %dma_wait3A_33 = tpu.memref_squeeze %dma_wait3A_32 : memref<1x10240xf32, #tpu.memory_space<hbm>> -> memref<10240xf32, #tpu.memory_space<hbm>>
      %dma_wait3A_34 = arith.constant 0 : i32
      %dma_wait3A_35 = tpu.memref_slice %arg5[%add3A, %dma_wait3A_34] : memref<32x10240xf32, #tpu.memory_space<hbm>> -> memref<1x10240xf32, #tpu.memory_space<hbm>>
      %dma_wait3A_36 = tpu.memref_squeeze %dma_wait3A_35 : memref<1x10240xf32, #tpu.memory_space<hbm>> -> memref<10240xf32, #tpu.memory_space<hbm>>
      tpu.wait_dma2 semaphore(%run_scoped3A : memref<!tpu.dma_semaphore, #tpu.memory_space<semaphore_mem>>) src(%arg7 : memref<10240xf32, #tpu.memory_space<vmem>>) dst(%dma_wait3A_36 : memref<10240xf32, #tpu.memory_space<hbm>>)
      tpu.yield
    }) : () -> ()
    %eq3A = arith.constant 0 : i32
    %eq3A_24 = arith.cmpi eq, %add3A, %eq3A : i32
    %convert_element_type3A = arith.extui %eq3A_24 : i1 to i32
    %cond3A = arith.constant 0 : i32
    %cond3A_25 = arith.cmpi ne, %convert_element_type3A, %cond3A : i32
    scf.if %cond3A_25 {
      "tpu.region"() ({
        %run_scoped3A = tpu.sem_alloc : memref<!tpu.dma_semaphore, #tpu.memory_space<semaphore_mem>>
        tpu.enqueue_dma source(%arg4 : memref<64xi32, #tpu.memory_space<hbm>>) target(%arg10 : memref<64xi32, #tpu.memory_space<vmem>>) target_semaphore(%run_scoped3A : memref<!tpu.dma_semaphore, #tpu.memory_space<semaphore_mem>>)
        tpu.wait_dma2 semaphore(%run_scoped3A : memref<!tpu.dma_semaphore, #tpu.memory_space<semaphore_mem>>) src(%arg4 : memref<64xi32, #tpu.memory_space<hbm>>) dst(%arg10 : memref<64xi32, #tpu.memory_space<vmem>>)
        tpu.yield
      }) : () -> ()
      %dma_start3A_26 = arith.constant 0 : i32
      %dma_start3A_27 = arith.constant 0 : i32
      %dma_start3A_28 = tpu.memref_slice %arg3[%dma_start3A_26, %dma_start3A_27] : memref<1000x128xf32, #tpu.memory_space<hbm>> -> memref<1000x128xf32, #tpu.memory_space<hbm>>
      tpu.enqueue_indirect_dma source(%dma_start3A_28 : memref<1000x128xf32, #tpu.memory_space<hbm>>) target(%arg11 : memref<64x128xf32, #tpu.memory_space<vmem>>) offsets(%arg10 : memref<64xi32, #tpu.memory_space<vmem>>) semaphore(%arg14 : memref<!tpu.dma_semaphore, #tpu.memory_space<semaphore_mem>>)
      %dma_wait3A = arith.constant 0 : i32
      %dma_wait3A_29 = arith.constant 0 : i32
      %dma_wait3A_30 = tpu.memref_slice %arg3[%dma_wait3A, %dma_wait3A_29] : memref<1000x128xf32, #tpu.memory_space<hbm>> -> memref<1000x128xf32, #tpu.memory_space<hbm>>
      tpu.wait_indirect_dma semaphore(%arg14 : memref<!tpu.dma_semaphore, #tpu.memory_space<semaphore_mem>>) src(%dma_wait3A_30 : memref<1000x128xf32, #tpu.memory_space<hbm>>) dst(%arg11 : memref<64x128xf32, #tpu.memory_space<vmem>>)
      "tpu.region"() ({
        %run_scoped3A = tpu.sem_alloc : memref<!tpu.dma_semaphore, #tpu.memory_space<semaphore_mem>>
        tpu.enqueue_dma source(%arg11 : memref<64x128xf32, #tpu.memory_space<vmem>>) target(%arg6 : memref<64x128xf32, #tpu.memory_space<hbm>>) target_semaphore(%run_scoped3A : memref<!tpu.dma_semaphore, #tpu.memory_space<semaphore_mem>>)
        tpu.wait_dma2 semaphore(%run_scoped3A : memref<!tpu.dma_semaphore, #tpu.memory_space<semaphore_mem>>) src(%arg11 : memref<64x128xf32, #tpu.memory_space<vmem>>) dst(%arg6 : memref<64x128xf32, #tpu.memory_space<hbm>>)
        tpu.yield
      }) : () -> ()
    } else {
    }
    return
  }
}

#map = affine_map<(d0, d1) -> (0, 0)>
#map1 = affine_map<(d0, d1) -> (0)>
#map2 = affine_map<(d0, d1) -> (0, 0, 0)>
module attributes {stable_mosaic.version = 14 : i64} {
  func.func @_sc_edge_pass(%arg0: i32, %arg1: i32, %arg2: memref<10240x128xf32, #tpu.memory_space<hbm>>, %arg3: memref<2560x128xi32, #tpu.memory_space<hbm>>, %arg4: memref<327680xi32, #tpu.memory_space<hbm>>, %arg5: memref<2x10240x128xf32, #tpu.memory_space<hbm>>, %arg6: memref<10240x128xf32, #tpu.memory_space<vmem_shared>>, %arg7: memref<80x128xi32, #tpu.memory_space<vmem>>, %arg8: memref<64xi32, #tpu.memory_space<vmem>>, %arg9: memref<64xi32, #tpu.memory_space<vmem>>, %arg10: memref<64xi32, #tpu.memory_space<vmem>>, %arg11: memref<64xi32, #tpu.memory_space<vmem>>, %arg12: memref<64x128xf32, #tpu.memory_space<vmem>>, %arg13: memref<64x128xf32, #tpu.memory_space<vmem>>, %arg14: memref<64x128xf32, #tpu.memory_space<vmem>>, %arg15: memref<64x128xf32, #tpu.memory_space<vmem>>, %arg16: memref<!tpu.dma_semaphore, #tpu.memory_space<semaphore_mem>>, %arg17: memref<!tpu.dma_semaphore, #tpu.memory_space<semaphore_mem>>, %arg18: memref<!tpu.dma_semaphore, #tpu.memory_space<semaphore_mem>>, %arg19: memref<!tpu.dma_semaphore, #tpu.memory_space<semaphore_mem>>, %arg20: memref<!tpu.dma_semaphore, #tpu.memory_space<semaphore_mem>>, %arg21: memref<!tpu.dma_semaphore, #tpu.memory_space<semaphore_mem>>, %arg22: memref<!tpu.dma_semaphore, #tpu.memory_space<semaphore_mem>>, %arg23: memref<!tpu.dma_semaphore, #tpu.memory_space<semaphore_mem>>, %arg24: memref<!tpu.dma_semaphore, #tpu.memory_space<semaphore_mem>>, %arg25: memref<!tpu.dma_semaphore, #tpu.memory_space<semaphore_mem>>, %arg26: memref<!tpu.dma_semaphore, #tpu.memory_space<semaphore_mem>>, %arg27: memref<!tpu.dma_semaphore, #tpu.memory_space<semaphore_mem>>) attributes {dimension_semantics = [#tpu.dimension_semantics<core_parallel>, #tpu.dimension_semantics<subcore_parallel>], iteration_bounds = array<i64: 2, 16>, scalar_prefetch = 0 : i64, scratch_operands = 22 : i64, tpu.core_type = #tpu.core_type<sc_vector_subcore>, window_params = [{transform_indices = #map}, {transform_indices = #map}, {transform_indices = #map1}, {transform_indices = #map2}]} {
    %mul3A = arith.constant 16 : i32
    %mul3A_0 = arith.muli %arg0, %mul3A : i32
    %add3A = arith.addi %mul3A_0, %arg1 : i32
    %mul3A_1 = arith.constant 80 : i32
    %mul3A_2 = arith.muli %add3A, %mul3A_1 : i32
    "tpu.region"() ({
      %run_scoped3A = tpu.sem_alloc : memref<!tpu.dma_semaphore, #tpu.memory_space<semaphore_mem>>
      %dma_start3A_66 = arith.constant 0 : i32
      %dma_start3A_67 = tpu.memref_slice %arg3[%mul3A_2, %dma_start3A_66] : memref<2560x128xi32, #tpu.memory_space<hbm>> -> memref<80x128xi32, #tpu.memory_space<hbm>>
      %dma_start3A_68 = arith.constant 0 : i32
      %dma_start3A_69 = tpu.memref_slice %arg3[%mul3A_2, %dma_start3A_68] : memref<2560x128xi32, #tpu.memory_space<hbm>> -> memref<80x128xi32, #tpu.memory_space<hbm>>
      tpu.enqueue_dma source(%dma_start3A_69 : memref<80x128xi32, #tpu.memory_space<hbm>>) target(%arg7 : memref<80x128xi32, #tpu.memory_space<vmem>>) target_semaphore(%run_scoped3A : memref<!tpu.dma_semaphore, #tpu.memory_space<semaphore_mem>>)
      %dma_wait3A_70 = arith.constant 0 : i32
      %dma_wait3A_71 = tpu.memref_slice %arg3[%mul3A_2, %dma_wait3A_70] : memref<2560x128xi32, #tpu.memory_space<hbm>> -> memref<80x128xi32, #tpu.memory_space<hbm>>
      %dma_wait3A_72 = arith.constant 0 : i32
      %dma_wait3A_73 = tpu.memref_slice %arg3[%mul3A_2, %dma_wait3A_72] : memref<2560x128xi32, #tpu.memory_space<hbm>> -> memref<80x128xi32, #tpu.memory_space<hbm>>
      tpu.wait_dma2 semaphore(%run_scoped3A : memref<!tpu.dma_semaphore, #tpu.memory_space<semaphore_mem>>) src(%dma_wait3A_73 : memref<80x128xi32, #tpu.memory_space<hbm>>) dst(%arg7 : memref<80x128xi32, #tpu.memory_space<vmem>>)
      tpu.yield
    }) : () -> ()
    %broadcast_in_dim3A = arith.constant 0.000000e+00 : f32
    %broadcast_in_dim3A_3 = vector.broadcast %broadcast_in_dim3A : f32 to vector<16xf32>
    %scan3A = arith.constant 0 : i32
    %scan3A_4 = arith.constant 0 : i32
    %scan3A_5 = arith.constant 64 : i32
    %scan3A_6 = arith.addi %scan3A_4, %scan3A_5 : i32
    %scan3A_7 = arith.constant 1 : i32
    scf.for %scan3A_66 = %scan3A_4 to %scan3A_6 step %scan3A_7  : i32 {
      %swap3A = arith.index_cast %scan3A_66 : i32 to index
      %swap3A_67 = arith.constant 0 : index
      %swap3A_68 = tpu.vector_load %arg12[%swap3A, %swap3A_67] {strides = array<i32>} : memref<64x128xf32, #tpu.memory_space<vmem>>, vector<1x16xf32>,
      %swap3A_69 = vector.shape_cast %swap3A_68 : vector<1x16xf32> to vector<16xf32>
      %swap3A_70 = vector.shape_cast %broadcast_in_dim3A_3 : vector<16xf32> to vector<1x16xf32>
      tpu.vector_store %arg12[%swap3A, %swap3A_67], %swap3A_70 {strides = array<i32>} : memref<64x128xf32, #tpu.memory_space<vmem>>, vector<1x16xf32>,
      %swap3A_71 = arith.index_cast %scan3A_66 : i32 to index
      %swap3A_72 = arith.constant 16 : index
      %swap3A_73 = tpu.vector_load %arg12[%swap3A_71, %swap3A_72] {strides = array<i32>} : memref<64x128xf32, #tpu.memory_space<vmem>>, vector<1x16xf32>,
      %swap3A_74 = vector.shape_cast %swap3A_73 : vector<1x16xf32> to vector<16xf32>
      %swap3A_75 = vector.shape_cast %broadcast_in_dim3A_3 : vector<16xf32> to vector<1x16xf32>
      tpu.vector_store %arg12[%swap3A_71, %swap3A_72], %swap3A_75 {strides = array<i32>} : memref<64x128xf32, #tpu.memory_space<vmem>>, vector<1x16xf32>,
      %swap3A_76 = arith.index_cast %scan3A_66 : i32 to index
      %swap3A_77 = arith.constant 32 : index
      %swap3A_78 = tpu.vector_load %arg12[%swap3A_76, %swap3A_77] {strides = array<i32>} : memref<64x128xf32, #tpu.memory_space<vmem>>, vector<1x16xf32>,
      %swap3A_79 = vector.shape_cast %swap3A_78 : vector<1x16xf32> to vector<16xf32>
      %swap3A_80 = vector.shape_cast %broadcast_in_dim3A_3 : vector<16xf32> to vector<1x16xf32>
      tpu.vector_store %arg12[%swap3A_76, %swap3A_77], %swap3A_80 {strides = array<i32>} : memref<64x128xf32, #tpu.memory_space<vmem>>, vector<1x16xf32>,
      %swap3A_81 = arith.index_cast %scan3A_66 : i32 to index
      %swap3A_82 = arith.constant 48 : index
      %swap3A_83 = tpu.vector_load %arg12[%swap3A_81, %swap3A_82] {strides = array<i32>} : memref<64x128xf32, #tpu.memory_space<vmem>>, vector<1x16xf32>,
      %swap3A_84 = vector.shape_cast %swap3A_83 : vector<1x16xf32> to vector<16xf32>
      %swap3A_85 = vector.shape_cast %broadcast_in_dim3A_3 : vector<16xf32> to vector<1x16xf32>
      tpu.vector_store %arg12[%swap3A_81, %swap3A_82], %swap3A_85 {strides = array<i32>} : memref<64x128xf32, #tpu.memory_space<vmem>>, vector<1x16xf32>,
      %swap3A_86 = arith.index_cast %scan3A_66 : i32 to index
      %swap3A_87 = arith.constant 64 : index
      %swap3A_88 = tpu.vector_load %arg12[%swap3A_86, %swap3A_87] {strides = array<i32>} : memref<64x128xf32, #tpu.memory_space<vmem>>, vector<1x16xf32>,
      %swap3A_89 = vector.shape_cast %swap3A_88 : vector<1x16xf32> to vector<16xf32>
      %swap3A_90 = vector.shape_cast %broadcast_in_dim3A_3 : vector<16xf32> to vector<1x16xf32>
      tpu.vector_store %arg12[%swap3A_86, %swap3A_87], %swap3A_90 {strides = array<i32>} : memref<64x128xf32, #tpu.memory_space<vmem>>, vector<1x16xf32>,
      %swap3A_91 = arith.index_cast %scan3A_66 : i32 to index
      %swap3A_92 = arith.constant 80 : index
      %swap3A_93 = tpu.vector_load %arg12[%swap3A_91, %swap3A_92] {strides = array<i32>} : memref<64x128xf32, #tpu.memory_space<vmem>>, vector<1x16xf32>,
      %swap3A_94 = vector.shape_cast %swap3A_93 : vector<1x16xf32> to vector<16xf32>
      %swap3A_95 = vector.shape_cast %broadcast_in_dim3A_3 : vector<16xf32> to vector<1x16xf32>
      tpu.vector_store %arg12[%swap3A_91, %swap3A_92], %swap3A_95 {strides = array<i32>} : memref<64x128xf32, #tpu.memory_space<vmem>>, vector<1x16xf32>,
      %swap3A_96 = arith.index_cast %scan3A_66 : i32 to index
      %swap3A_97 = arith.constant 96 : index
      %swap3A_98 = tpu.vector_load %arg12[%swap3A_96, %swap3A_97] {strides = array<i32>} : memref<64x128xf32, #tpu.memory_space<vmem>>, vector<1x16xf32>,
      %swap3A_99 = vector.shape_cast %swap3A_98 : vector<1x16xf32> to vector<16xf32>
      %swap3A_100 = vector.shape_cast %broadcast_in_dim3A_3 : vector<16xf32> to vector<1x16xf32>
      tpu.vector_store %arg12[%swap3A_96, %swap3A_97], %swap3A_100 {strides = array<i32>} : memref<64x128xf32, #tpu.memory_space<vmem>>, vector<1x16xf32>,
      %swap3A_101 = arith.index_cast %scan3A_66 : i32 to index
      %swap3A_102 = arith.constant 112 : index
      %swap3A_103 = tpu.vector_load %arg12[%swap3A_101, %swap3A_102] {strides = array<i32>} : memref<64x128xf32, #tpu.memory_space<vmem>>, vector<1x16xf32>,
      %swap3A_104 = vector.shape_cast %swap3A_103 : vector<1x16xf32> to vector<16xf32>
      %swap3A_105 = vector.shape_cast %broadcast_in_dim3A_3 : vector<16xf32> to vector<1x16xf32>
      tpu.vector_store %arg12[%swap3A_101, %swap3A_102], %swap3A_105 {strides = array<i32>} : memref<64x128xf32, #tpu.memory_space<vmem>>, vector<1x16xf32>,
    }
    %scan3A_8 = arith.constant 64 : i32
    %scan3A_9 = arith.constant 0 : i32
    %scan3A_10 = arith.constant 0 : i32
    %scan3A_11 = arith.constant 10 : i32
    %scan3A_12 = arith.addi %scan3A_10, %scan3A_11 : i32
    %scan3A_13 = arith.constant 1 : i32
    scf.for %scan3A_66 = %scan3A_10 to %scan3A_12 step %scan3A_13  : i32 {
      %mul3A_67 = arith.constant 640 : i32
      %mul3A_68 = arith.muli %arg1, %mul3A_67 : i32
      %mul3A_69 = arith.constant 64 : i32
      %mul3A_70 = arith.muli %scan3A_66, %mul3A_69 : i32
      %add3A_71 = arith.addi %mul3A_68, %mul3A_70 : i32
      "tpu.region"() ({
        %run_scoped3A = tpu.sem_alloc : memref<!tpu.dma_semaphore, #tpu.memory_space<semaphore_mem>>
        %dma_start3A_72 = arith.constant 0 : i32
        %dma_start3A_73 = tpu.memref_slice %arg6[%add3A_71, %dma_start3A_72] : memref<10240x128xf32, #tpu.memory_space<vmem_shared>> -> memref<64x128xf32, #tpu.memory_space<vmem_shared>>
        %dma_start3A_74 = arith.constant 0 : i32
        %dma_start3A_75 = tpu.memref_slice %arg6[%add3A_71, %dma_start3A_74] : memref<10240x128xf32, #tpu.memory_space<vmem_shared>> -> memref<64x128xf32, #tpu.memory_space<vmem_shared>>
        tpu.enqueue_dma source(%arg12 : memref<64x128xf32, #tpu.memory_space<vmem>>) target(%dma_start3A_75 : memref<64x128xf32, #tpu.memory_space<vmem_shared>>) target_semaphore(%run_scoped3A : memref<!tpu.dma_semaphore, #tpu.memory_space<semaphore_mem>>)
        %dma_wait3A_76 = arith.constant 0 : i32
        %dma_wait3A_77 = tpu.memref_slice %arg6[%add3A_71, %dma_wait3A_76] : memref<10240x128xf32, #tpu.memory_space<vmem_shared>> -> memref<64x128xf32, #tpu.memory_space<vmem_shared>>
        %dma_wait3A_78 = arith.constant 0 : i32
        %dma_wait3A_79 = tpu.memref_slice %arg6[%add3A_71, %dma_wait3A_78] : memref<10240x128xf32, #tpu.memory_space<vmem_shared>> -> memref<64x128xf32, #tpu.memory_space<vmem_shared>>
        tpu.wait_dma2 semaphore(%run_scoped3A : memref<!tpu.dma_semaphore, #tpu.memory_space<semaphore_mem>>) src(%arg12 : memref<64x128xf32, #tpu.memory_space<vmem>>) dst(%dma_wait3A_79 : memref<64x128xf32, #tpu.memory_space<vmem_shared>>)
        tpu.yield
      }) : () -> ()
    }
    %scan3A_14 = arith.constant 10 : i32
    %barrier3A = arith.constant 0 : index
    tpu.barrier barrier_id(%barrier3A)
    %mul3A_15 = arith.constant 10240 : i32
    %mul3A_16 = arith.muli %add3A, %mul3A_15 : i32
    %add3A_17 = arith.constant 0 : i32
    %add3A_18 = arith.addi %mul3A_16, %add3A_17 : i32
    %dma_start3A = tpu.memref_slice %arg4[%add3A_18] : memref<327680xi32, #tpu.memory_space<hbm>> -> memref<64xi32, #tpu.memory_space<hbm>>
    %dma_start3A_19 = tpu.memref_slice %arg4[%add3A_18] : memref<327680xi32, #tpu.memory_space<hbm>> -> memref<64xi32, #tpu.memory_space<hbm>>
    tpu.enqueue_dma source(%dma_start3A_19 : memref<64xi32, #tpu.memory_space<hbm>>) target(%arg8 : memref<64xi32, #tpu.memory_space<vmem>>) target_semaphore(%arg24 : memref<!tpu.dma_semaphore, #tpu.memory_space<semaphore_mem>>)
    %dma_start3A_20 = arith.constant 0 : i32
    %dma_start3A_21 = arith.constant 0 : i32
    %dma_start3A_22 = tpu.memref_slice %arg7[%dma_start3A_20, %dma_start3A_21] : memref<80x128xi32, #tpu.memory_space<vmem>> -> memref<1x64xi32, #tpu.memory_space<vmem>>
    %dma_start3A_23 = tpu.memref_squeeze %dma_start3A_22 : memref<1x64xi32, #tpu.memory_space<vmem>> -> memref<64xi32, #tpu.memory_space<vmem>>
    %dma_start3A_24 = arith.constant 0 : i32
    %dma_start3A_25 = arith.constant 0 : i32
    %dma_start3A_26 = tpu.memref_slice %arg2[%dma_start3A_24, %dma_start3A_25] : memref<10240x128xf32, #tpu.memory_space<hbm>> -> memref<10240x128xf32, #tpu.memory_space<hbm>>
    tpu.enqueue_indirect_dma source(%dma_start3A_26 : memref<10240x128xf32, #tpu.memory_space<hbm>>) target(%arg12 : memref<64x128xf32, #tpu.memory_space<vmem>>) offsets(%dma_start3A_23 : memref<64xi32, #tpu.memory_space<vmem>>) semaphore(%arg16 : memref<!tpu.dma_semaphore, #tpu.memory_space<semaphore_mem>>)
    %mul3A_27 = arith.constant 10240 : i32
    %mul3A_28 = arith.muli %add3A, %mul3A_27 : i32
    %add3A_29 = arith.constant 64 : i32
    %add3A_30 = arith.addi %mul3A_28, %add3A_29 : i32
    %dma_start3A_31 = tpu.memref_slice %arg4[%add3A_30] : memref<327680xi32, #tpu.memory_space<hbm>> -> memref<64xi32, #tpu.memory_space<hbm>>
    %dma_start3A_32 = tpu.memref_slice %arg4[%add3A_30] : memref<327680xi32, #tpu.memory_space<hbm>> -> memref<64xi32, #tpu.memory_space<hbm>>
    tpu.enqueue_dma source(%dma_start3A_32 : memref<64xi32, #tpu.memory_space<hbm>>) target(%arg9 : memref<64xi32, #tpu.memory_space<vmem>>) target_semaphore(%arg25 : memref<!tpu.dma_semaphore, #tpu.memory_space<semaphore_mem>>)
    %dma_start3A_33 = arith.constant 0 : i32
    %dma_start3A_34 = arith.constant 64 : i32
    %dma_start3A_35 = tpu.memref_slice %arg7[%dma_start3A_33, %dma_start3A_34] : memref<80x128xi32, #tpu.memory_space<vmem>> -> memref<1x64xi32, #tpu.memory_space<vmem>>
    %dma_start3A_36 = tpu.memref_squeeze %dma_start3A_35 : memref<1x64xi32, #tpu.memory_space<vmem>> -> memref<64xi32, #tpu.memory_space<vmem>>
    %dma_start3A_37 = arith.constant 0 : i32
    %dma_start3A_38 = arith.constant 0 : i32
    %dma_start3A_39 = tpu.memref_slice %arg2[%dma_start3A_37, %dma_start3A_38] : memref<10240x128xf32, #tpu.memory_space<hbm>> -> memref<10240x128xf32, #tpu.memory_space<hbm>>
    tpu.enqueue_indirect_dma source(%dma_start3A_39 : memref<10240x128xf32, #tpu.memory_space<hbm>>) target(%arg13 : memref<64x128xf32, #tpu.memory_space<vmem>>) offsets(%dma_start3A_36 : memref<64xi32, #tpu.memory_space<vmem>>) semaphore(%arg17 : memref<!tpu.dma_semaphore, #tpu.memory_space<semaphore_mem>>)
    %mul3A_40 = arith.constant 10240 : i32
    %mul3A_41 = arith.muli %add3A, %mul3A_40 : i32
    %add3A_42 = arith.constant 128 : i32
    %add3A_43 = arith.addi %mul3A_41, %add3A_42 : i32
    %dma_start3A_44 = tpu.memref_slice %arg4[%add3A_43] : memref<327680xi32, #tpu.memory_space<hbm>> -> memref<64xi32, #tpu.memory_space<hbm>>
    %dma_start3A_45 = tpu.memref_slice %arg4[%add3A_43] : memref<327680xi32, #tpu.memory_space<hbm>> -> memref<64xi32, #tpu.memory_space<hbm>>
    tpu.enqueue_dma source(%dma_start3A_45 : memref<64xi32, #tpu.memory_space<hbm>>) target(%arg10 : memref<64xi32, #tpu.memory_space<vmem>>) target_semaphore(%arg26 : memref<!tpu.dma_semaphore, #tpu.memory_space<semaphore_mem>>)
    %dma_start3A_46 = arith.constant 1 : i32
    %dma_start3A_47 = arith.constant 0 : i32
    %dma_start3A_48 = tpu.memref_slice %arg7[%dma_start3A_46, %dma_start3A_47] : memref<80x128xi32, #tpu.memory_space<vmem>> -> memref<1x64xi32, #tpu.memory_space<vmem>>
    %dma_start3A_49 = tpu.memref_squeeze %dma_start3A_48 : memref<1x64xi32, #tpu.memory_space<vmem>> -> memref<64xi32, #tpu.memory_space<vmem>>
    %dma_start3A_50 = arith.constant 0 : i32
    %dma_start3A_51 = arith.constant 0 : i32
    %dma_start3A_52 = tpu.memref_slice %arg2[%dma_start3A_50, %dma_start3A_51] : memref<10240x128xf32, #tpu.memory_space<hbm>> -> memref<10240x128xf32, #tpu.memory_space<hbm>>
    tpu.enqueue_indirect_dma source(%dma_start3A_52 : memref<10240x128xf32, #tpu.memory_space<hbm>>) target(%arg14 : memref<64x128xf32, #tpu.memory_space<vmem>>) offsets(%dma_start3A_49 : memref<64xi32, #tpu.memory_space<vmem>>) semaphore(%arg18 : memref<!tpu.dma_semaphore, #tpu.memory_space<semaphore_mem>>)
    %scan3A_53 = arith.constant 0 : i32
    %scan3A_54 = arith.constant 0 : i32
    %scan3A_55 = arith.constant 40 : i32
    %scan3A_56 = arith.addi %scan3A_54, %scan3A_55 : i32
    %scan3A_57 = arith.constant 1 : i32
    scf.for %scan3A_66 = %scan3A_54 to %scan3A_56 step %scan3A_57  : i32 {
      %dma_wait3A_67 = arith.constant 0 : i32
      %dma_wait3A_68 = arith.constant 0 : i32
      %dma_wait3A_69 = tpu.memref_slice %arg7[%dma_wait3A_67, %dma_wait3A_68] : memref<80x128xi32, #tpu.memory_space<vmem>> -> memref<1x64xi32, #tpu.memory_space<vmem>>
      %dma_wait3A_70 = tpu.memref_squeeze %dma_wait3A_69 : memref<1x64xi32, #tpu.memory_space<vmem>> -> memref<64xi32, #tpu.memory_space<vmem>>
      %dma_wait3A_71 = arith.constant 0 : i32
      %dma_wait3A_72 = arith.constant 0 : i32
      %dma_wait3A_73 = tpu.memref_slice %arg2[%dma_wait3A_71, %dma_wait3A_72] : memref<10240x128xf32, #tpu.memory_space<hbm>> -> memref<10240x128xf32, #tpu.memory_space<hbm>>
      tpu.wait_indirect_dma semaphore(%arg16 : memref<!tpu.dma_semaphore, #tpu.memory_space<semaphore_mem>>) src(%dma_wait3A_73 : memref<10240x128xf32, #tpu.memory_space<hbm>>) dst(%arg12 : memref<64x128xf32, #tpu.memory_space<vmem>>)
      %dma_wait3A_74 = arith.constant 0 : i32
      %dma_wait3A_75 = tpu.memref_slice %arg4[%dma_wait3A_74] : memref<327680xi32, #tpu.memory_space<hbm>> -> memref<64xi32, #tpu.memory_space<hbm>>
      %dma_wait3A_76 = arith.constant 0 : i32
      %dma_wait3A_77 = tpu.memref_slice %arg4[%dma_wait3A_76] : memref<327680xi32, #tpu.memory_space<hbm>> -> memref<64xi32, #tpu.memory_space<hbm>>
      tpu.wait_dma2 semaphore(%arg24 : memref<!tpu.dma_semaphore, #tpu.memory_space<semaphore_mem>>) src(%dma_wait3A_77 : memref<64xi32, #tpu.memory_space<hbm>>) dst(%arg8 : memref<64xi32, #tpu.memory_space<vmem>>)
      %dma_start3A_78 = arith.constant 0 : i32
      %dma_start3A_79 = arith.constant 0 : i32
      %dma_start3A_80 = tpu.memref_slice %arg6[%dma_start3A_78, %dma_start3A_79] : memref<10240x128xf32, #tpu.memory_space<vmem_shared>> -> memref<10240x128xf32, #tpu.memory_space<vmem_shared>>
      tpu.enqueue_indirect_dma source(%arg12 : memref<64x128xf32, #tpu.memory_space<vmem>>) target(%dma_start3A_80 : memref<10240x128xf32, #tpu.memory_space<vmem_shared>>) offsets(%arg8 : memref<64xi32, #tpu.memory_space<vmem>>) semaphore(%arg20 : memref<!tpu.dma_semaphore, #tpu.memory_space<semaphore_mem>>) {add = true}
      %gt3A = arith.constant 0 : i32
      %gt3A_81 = arith.cmpi sgt, %scan3A_66, %gt3A : i32
      %convert_element_type3A = arith.extui %gt3A_81 : i1 to i32
      %cond3A = arith.constant 0 : i32
      %cond3A_82 = arith.cmpi ne, %convert_element_type3A, %cond3A : i32
      scf.if %cond3A_82 {
        %dma_wait3A_169 = arith.constant 0 : i32
        %dma_wait3A_170 = arith.constant 0 : i32
        %dma_wait3A_171 = tpu.memref_slice %arg6[%dma_wait3A_169, %dma_wait3A_170] : memref<10240x128xf32, #tpu.memory_space<vmem_shared>> -> memref<10240x128xf32, #tpu.memory_space<vmem_shared>>
        tpu.wait_indirect_dma semaphore(%arg23 : memref<!tpu.dma_semaphore, #tpu.memory_space<semaphore_mem>>) src(%arg15 : memref<64x128xf32, #tpu.memory_space<vmem>>) dst(%dma_wait3A_171 : memref<10240x128xf32, #tpu.memory_space<vmem_shared>>)
      } else {
      }
      %mul3A_83 = arith.constant 4 : i32
      %mul3A_84 = arith.muli %mul3A_83, %scan3A_66 : i32
      %add3A_85 = arith.constant 3 : i32
      %add3A_86 = arith.addi %mul3A_84, %add3A_85 : i32
      %mul3A_87 = arith.constant 10240 : i32
      %mul3A_88 = arith.muli %add3A, %mul3A_87 : i32
      %mul3A_89 = arith.constant 64 : i32
      %mul3A_90 = arith.muli %add3A_86, %mul3A_89 : i32
      %add3A_91 = arith.addi %mul3A_88, %mul3A_90 : i32
      %dma_start3A_92 = tpu.memref_slice %arg4[%add3A_91] : memref<327680xi32, #tpu.memory_space<hbm>> -> memref<64xi32, #tpu.memory_space<hbm>>
      %dma_start3A_93 = tpu.memref_slice %arg4[%add3A_91] : memref<327680xi32, #tpu.memory_space<hbm>> -> memref<64xi32, #tpu.memory_space<hbm>>
      tpu.enqueue_dma source(%dma_start3A_93 : memref<64xi32, #tpu.memory_space<hbm>>) target(%arg11 : memref<64xi32, #tpu.memory_space<vmem>>) target_semaphore(%arg27 : memref<!tpu.dma_semaphore, #tpu.memory_space<semaphore_mem>>)
      %mul3A_94 = arith.constant 2 : i32
      %mul3A_95 = arith.muli %mul3A_94, %scan3A_66 : i32
      %add3A_96 = arith.constant 1 : i32
      %add3A_97 = arith.addi %mul3A_95, %add3A_96 : i32
      %dma_start3A_98 = arith.constant 64 : i32
      %dma_start3A_99 = tpu.memref_slice %arg7[%add3A_97, %dma_start3A_98] : memref<80x128xi32, #tpu.memory_space<vmem>> -> memref<1x64xi32, #tpu.memory_space<vmem>>
      %dma_start3A_100 = tpu.memref_squeeze %dma_start3A_99 : memref<1x64xi32, #tpu.memory_space<vmem>> -> memref<64xi32, #tpu.memory_space<vmem>>
      %dma_start3A_101 = arith.constant 0 : i32
      %dma_start3A_102 = arith.constant 0 : i32
      %dma_start3A_103 = tpu.memref_slice %arg2[%dma_start3A_101, %dma_start3A_102] : memref<10240x128xf32, #tpu.memory_space<hbm>> -> memref<10240x128xf32, #tpu.memory_space<hbm>>
      tpu.enqueue_indirect_dma source(%dma_start3A_103 : memref<10240x128xf32, #tpu.memory_space<hbm>>) target(%arg15 : memref<64x128xf32, #tpu.memory_space<vmem>>) offsets(%dma_start3A_100 : memref<64xi32, #tpu.memory_space<vmem>>) semaphore(%arg19 : memref<!tpu.dma_semaphore, #tpu.memory_space<semaphore_mem>>)
      %dma_wait3A_104 = arith.constant 0 : i32
      %dma_wait3A_105 = arith.constant 0 : i32
      %dma_wait3A_106 = tpu.memref_slice %arg7[%dma_wait3A_104, %dma_wait3A_105] : memref<80x128xi32, #tpu.memory_space<vmem>> -> memref<1x64xi32, #tpu.memory_space<vmem>>
      %dma_wait3A_107 = tpu.memref_squeeze %dma_wait3A_106 : memref<1x64xi32, #tpu.memory_space<vmem>> -> memref<64xi32, #tpu.memory_space<vmem>>
      %dma_wait3A_108 = arith.constant 0 : i32
      %dma_wait3A_109 = arith.constant 0 : i32
      %dma_wait3A_110 = tpu.memref_slice %arg2[%dma_wait3A_108, %dma_wait3A_109] : memref<10240x128xf32, #tpu.memory_space<hbm>> -> memref<10240x128xf32, #tpu.memory_space<hbm>>
      tpu.wait_indirect_dma semaphore(%arg17 : memref<!tpu.dma_semaphore, #tpu.memory_space<semaphore_mem>>) src(%dma_wait3A_110 : memref<10240x128xf32, #tpu.memory_space<hbm>>) dst(%arg13 : memref<64x128xf32, #tpu.memory_space<vmem>>)
      %dma_wait3A_111 = arith.constant 0 : i32
      %dma_wait3A_112 = tpu.memref_slice %arg4[%dma_wait3A_111] : memref<327680xi32, #tpu.memory_space<hbm>> -> memref<64xi32, #tpu.memory_space<hbm>>
      %dma_wait3A_113 = arith.constant 0 : i32
      %dma_wait3A_114 = tpu.memref_slice %arg4[%dma_wait3A_113] : memref<327680xi32, #tpu.memory_space<hbm>> -> memref<64xi32, #tpu.memory_space<hbm>>
      tpu.wait_dma2 semaphore(%arg25 : memref<!tpu.dma_semaphore, #tpu.memory_space<semaphore_mem>>) src(%dma_wait3A_114 : memref<64xi32, #tpu.memory_space<hbm>>) dst(%arg9 : memref<64xi32, #tpu.memory_space<vmem>>)
      %dma_start3A_115 = arith.constant 0 : i32
      %dma_start3A_116 = arith.constant 0 : i32
      %dma_start3A_117 = tpu.memref_slice %arg6[%dma_start3A_115, %dma_start3A_116] : memref<10240x128xf32, #tpu.memory_space<vmem_shared>> -> memref<10240x128xf32, #tpu.memory_space<vmem_shared>>
      tpu.enqueue_indirect_dma source(%arg13 : memref<64x128xf32, #tpu.memory_space<vmem>>) target(%dma_start3A_117 : memref<10240x128xf32, #tpu.memory_space<vmem_shared>>) offsets(%arg9 : memref<64xi32, #tpu.memory_space<vmem>>) semaphore(%arg21 : memref<!tpu.dma_semaphore, #tpu.memory_space<semaphore_mem>>) {add = true}
      %dma_wait3A_118 = arith.constant 0 : i32
      %dma_wait3A_119 = arith.constant 0 : i32
      %dma_wait3A_120 = tpu.memref_slice %arg6[%dma_wait3A_118, %dma_wait3A_119] : memref<10240x128xf32, #tpu.memory_space<vmem_shared>> -> memref<10240x128xf32, #tpu.memory_space<vmem_shared>>
      tpu.wait_indirect_dma semaphore(%arg20 : memref<!tpu.dma_semaphore, #tpu.memory_space<semaphore_mem>>) src(%arg12 : memref<64x128xf32, #tpu.memory_space<vmem>>) dst(%dma_wait3A_120 : memref<10240x128xf32, #tpu.memory_space<vmem_shared>>)
      %lt3A = arith.constant 39 : i32
      %lt3A_121 = arith.cmpi slt, %scan3A_66, %lt3A : i32
      %convert_element_type3A_122 = arith.extui %lt3A_121 : i1 to i32
      %cond3A_123 = arith.constant 0 : i32
      %cond3A_124 = arith.cmpi ne, %convert_element_type3A_122, %cond3A_123 : i32
      scf.if %cond3A_124 {
        %add3A_169 = arith.constant 1 : i32
        %add3A_170 = arith.addi %scan3A_66, %add3A_169 : i32
        %mul3A_171 = arith.constant 4 : i32
        %mul3A_172 = arith.muli %mul3A_171, %add3A_170 : i32
        %add3A_173 = arith.constant 0 : i32
        %add3A_174 = arith.addi %mul3A_172, %add3A_173 : i32
        %mul3A_175 = arith.constant 10240 : i32
        %mul3A_176 = arith.muli %add3A, %mul3A_175 : i32
        %mul3A_177 = arith.constant 64 : i32
        %mul3A_178 = arith.muli %add3A_174, %mul3A_177 : i32
        %add3A_179 = arith.addi %mul3A_176, %mul3A_178 : i32
        %dma_start3A_180 = tpu.memref_slice %arg4[%add3A_179] : memref<327680xi32, #tpu.memory_space<hbm>> -> memref<64xi32, #tpu.memory_space<hbm>>
        %dma_start3A_181 = tpu.memref_slice %arg4[%add3A_179] : memref<327680xi32, #tpu.memory_space<hbm>> -> memref<64xi32, #tpu.memory_space<hbm>>
        tpu.enqueue_dma source(%dma_start3A_181 : memref<64xi32, #tpu.memory_space<hbm>>) target(%arg8 : memref<64xi32, #tpu.memory_space<vmem>>) target_semaphore(%arg24 : memref<!tpu.dma_semaphore, #tpu.memory_space<semaphore_mem>>)
        %add3A_182 = arith.constant 1 : i32
        %add3A_183 = arith.addi %scan3A_66, %add3A_182 : i32
        %mul3A_184 = arith.constant 2 : i32
        %mul3A_185 = arith.muli %mul3A_184, %add3A_183 : i32
        %add3A_186 = arith.constant 0 : i32
        %add3A_187 = arith.addi %mul3A_185, %add3A_186 : i32
        %dma_start3A_188 = arith.constant 0 : i32
        %dma_start3A_189 = tpu.memref_slice %arg7[%add3A_187, %dma_start3A_188] : memref<80x128xi32, #tpu.memory_space<vmem>> -> memref<1x64xi32, #tpu.memory_space<vmem>>
        %dma_start3A_190 = tpu.memref_squeeze %dma_start3A_189 : memref<1x64xi32, #tpu.memory_space<vmem>> -> memref<64xi32, #tpu.memory_space<vmem>>
        %dma_start3A_191 = arith.constant 0 : i32
        %dma_start3A_192 = arith.constant 0 : i32
        %dma_start3A_193 = tpu.memref_slice %arg2[%dma_start3A_191, %dma_start3A_192] : memref<10240x128xf32, #tpu.memory_space<hbm>> -> memref<10240x128xf32, #tpu.memory_space<hbm>>
        tpu.enqueue_indirect_dma source(%dma_start3A_193 : memref<10240x128xf32, #tpu.memory_space<hbm>>) target(%arg12 : memref<64x128xf32, #tpu.memory_space<vmem>>) offsets(%dma_start3A_190 : memref<64xi32, #tpu.memory_space<vmem>>) semaphore(%arg16 : memref<!tpu.dma_semaphore, #tpu.memory_space<semaphore_mem>>)
      } else {
      }
      %dma_wait3A_125 = arith.constant 0 : i32
      %dma_wait3A_126 = arith.constant 0 : i32
      %dma_wait3A_127 = tpu.memref_slice %arg7[%dma_wait3A_125, %dma_wait3A_126] : memref<80x128xi32, #tpu.memory_space<vmem>> -> memref<1x64xi32, #tpu.memory_space<vmem>>
      %dma_wait3A_128 = tpu.memref_squeeze %dma_wait3A_127 : memref<1x64xi32, #tpu.memory_space<vmem>> -> memref<64xi32, #tpu.memory_space<vmem>>
      %dma_wait3A_129 = arith.constant 0 : i32
      %dma_wait3A_130 = arith.constant 0 : i32
      %dma_wait3A_131 = tpu.memref_slice %arg2[%dma_wait3A_129, %dma_wait3A_130] : memref<10240x128xf32, #tpu.memory_space<hbm>> -> memref<10240x128xf32, #tpu.memory_space<hbm>>
      tpu.wait_indirect_dma semaphore(%arg18 : memref<!tpu.dma_semaphore, #tpu.memory_space<semaphore_mem>>) src(%dma_wait3A_131 : memref<10240x128xf32, #tpu.memory_space<hbm>>) dst(%arg14 : memref<64x128xf32, #tpu.memory_space<vmem>>)
      %dma_wait3A_132 = arith.constant 0 : i32
      %dma_wait3A_133 = tpu.memref_slice %arg4[%dma_wait3A_132] : memref<327680xi32, #tpu.memory_space<hbm>> -> memref<64xi32, #tpu.memory_space<hbm>>
      %dma_wait3A_134 = arith.constant 0 : i32
      %dma_wait3A_135 = tpu.memref_slice %arg4[%dma_wait3A_134] : memref<327680xi32, #tpu.memory_space<hbm>> -> memref<64xi32, #tpu.memory_space<hbm>>
      tpu.wait_dma2 semaphore(%arg26 : memref<!tpu.dma_semaphore, #tpu.memory_space<semaphore_mem>>) src(%dma_wait3A_135 : memref<64xi32, #tpu.memory_space<hbm>>) dst(%arg10 : memref<64xi32, #tpu.memory_space<vmem>>)
      %dma_start3A_136 = arith.constant 0 : i32
      %dma_start3A_137 = arith.constant 0 : i32
      %dma_start3A_138 = tpu.memref_slice %arg6[%dma_start3A_136, %dma_start3A_137] : memref<10240x128xf32, #tpu.memory_space<vmem_shared>> -> memref<10240x128xf32, #tpu.memory_space<vmem_shared>>
      tpu.enqueue_indirect_dma source(%arg14 : memref<64x128xf32, #tpu.memory_space<vmem>>) target(%dma_start3A_138 : memref<10240x128xf32, #tpu.memory_space<vmem_shared>>) offsets(%arg10 : memref<64xi32, #tpu.memory_space<vmem>>) semaphore(%arg22 : memref<!tpu.dma_semaphore, #tpu.memory_space<semaphore_mem>>) {add = true}
      %dma_wait3A_139 = arith.constant 0 : i32
      %dma_wait3A_140 = arith.constant 0 : i32
      %dma_wait3A_141 = tpu.memref_slice %arg6[%dma_wait3A_139, %dma_wait3A_140] : memref<10240x128xf32, #tpu.memory_space<vmem_shared>> -> memref<10240x128xf32, #tpu.memory_space<vmem_shared>>
      tpu.wait_indirect_dma semaphore(%arg21 : memref<!tpu.dma_semaphore, #tpu.memory_space<semaphore_mem>>) src(%arg13 : memref<64x128xf32, #tpu.memory_space<vmem>>) dst(%dma_wait3A_141 : memref<10240x128xf32, #tpu.memory_space<vmem_shared>>)
      %lt3A_142 = arith.constant 39 : i32
      %lt3A_143 = arith.cmpi slt, %scan3A_66, %lt3A_142 : i32
      %convert_element_type3A_144 = arith.extui %lt3A_143 : i1 to i32
      %cond3A_145 = arith.constant 0 : i32
      %cond3A_146 = arith.cmpi ne, %convert_element_type3A_144, %cond3A_145 : i32
      scf.if %cond3A_146 {
        %add3A_169 = arith.constant 1 : i32
        %add3A_170 = arith.addi %scan3A_66, %add3A_169 : i32
        %mul3A_171 = arith.constant 4 : i32
        %mul3A_172 = arith.muli %mul3A_171, %add3A_170 : i32
        %add3A_173 = arith.constant 1 : i32
        %add3A_174 = arith.addi %mul3A_172, %add3A_173 : i32
        %mul3A_175 = arith.constant 10240 : i32
        %mul3A_176 = arith.muli %add3A, %mul3A_175 : i32
        %mul3A_177 = arith.constant 64 : i32
        %mul3A_178 = arith.muli %add3A_174, %mul3A_177 : i32
        %add3A_179 = arith.addi %mul3A_176, %mul3A_178 : i32
        %dma_start3A_180 = tpu.memref_slice %arg4[%add3A_179] : memref<327680xi32, #tpu.memory_space<hbm>> -> memref<64xi32, #tpu.memory_space<hbm>>
        %dma_start3A_181 = tpu.memref_slice %arg4[%add3A_179] : memref<327680xi32, #tpu.memory_space<hbm>> -> memref<64xi32, #tpu.memory_space<hbm>>
        tpu.enqueue_dma source(%dma_start3A_181 : memref<64xi32, #tpu.memory_space<hbm>>) target(%arg9 : memref<64xi32, #tpu.memory_space<vmem>>) target_semaphore(%arg25 : memref<!tpu.dma_semaphore, #tpu.memory_space<semaphore_mem>>)
        %add3A_182 = arith.constant 1 : i32
        %add3A_183 = arith.addi %scan3A_66, %add3A_182 : i32
        %mul3A_184 = arith.constant 2 : i32
        %mul3A_185 = arith.muli %mul3A_184, %add3A_183 : i32
        %add3A_186 = arith.constant 0 : i32
        %add3A_187 = arith.addi %mul3A_185, %add3A_186 : i32
        %dma_start3A_188 = arith.constant 64 : i32
        %dma_start3A_189 = tpu.memref_slice %arg7[%add3A_187, %dma_start3A_188] : memref<80x128xi32, #tpu.memory_space<vmem>> -> memref<1x64xi32, #tpu.memory_space<vmem>>
        %dma_start3A_190 = tpu.memref_squeeze %dma_start3A_189 : memref<1x64xi32, #tpu.memory_space<vmem>> -> memref<64xi32, #tpu.memory_space<vmem>>
        %dma_start3A_191 = arith.constant 0 : i32
        %dma_start3A_192 = arith.constant 0 : i32
        %dma_start3A_193 = tpu.memref_slice %arg2[%dma_start3A_191, %dma_start3A_192] : memref<10240x128xf32, #tpu.memory_space<hbm>> -> memref<10240x128xf32, #tpu.memory_space<hbm>>
        tpu.enqueue_indirect_dma source(%dma_start3A_193 : memref<10240x128xf32, #tpu.memory_space<hbm>>) target(%arg13 : memref<64x128xf32, #tpu.memory_space<vmem>>) offsets(%dma_start3A_190 : memref<64xi32, #tpu.memory_space<vmem>>) semaphore(%arg17 : memref<!tpu.dma_semaphore, #tpu.memory_space<semaphore_mem>>)
      } else {
      }
      %dma_wait3A_147 = arith.constant 0 : i32
      %dma_wait3A_148 = arith.constant 0 : i32
      %dma_wait3A_149 = tpu.memref_slice %arg7[%dma_wait3A_147, %dma_wait3A_148] : memref<80x128xi32, #tpu.memory_space<vmem>> -> memref<1x64xi32, #tpu.memory_space<vmem>>
      %dma_wait3A_150 = tpu.memref_squeeze %dma_wait3A_149 : memref<1x64xi32, #tpu.memory_space<vmem>> -> memref<64xi32, #tpu.memory_space<vmem>>
      %dma_wait3A_151 = arith.constant 0 : i32
      %dma_wait3A_152 = arith.constant 0 : i32
      %dma_wait3A_153 = tpu.memref_slice %arg2[%dma_wait3A_151, %dma_wait3A_152] : memref<10240x128xf32, #tpu.memory_space<hbm>> -> memref<10240x128xf32, #tpu.memory_space<hbm>>
      tpu.wait_indirect_dma semaphore(%arg19 : memref<!tpu.dma_semaphore, #tpu.memory_space<semaphore_mem>>) src(%dma_wait3A_153 : memref<10240x128xf32, #tpu.memory_space<hbm>>) dst(%arg15 : memref<64x128xf32, #tpu.memory_space<vmem>>)
      %dma_wait3A_154 = arith.constant 0 : i32
      %dma_wait3A_155 = tpu.memref_slice %arg4[%dma_wait3A_154] : memref<327680xi32, #tpu.memory_space<hbm>> -> memref<64xi32, #tpu.memory_space<hbm>>
      %dma_wait3A_156 = arith.constant 0 : i32
      %dma_wait3A_157 = tpu.memref_slice %arg4[%dma_wait3A_156] : memref<327680xi32, #tpu.memory_space<hbm>> -> memref<64xi32, #tpu.memory_space<hbm>>
      tpu.wait_dma2 semaphore(%arg27 : memref<!tpu.dma_semaphore, #tpu.memory_space<semaphore_mem>>) src(%dma_wait3A_157 : memref<64xi32, #tpu.memory_space<hbm>>) dst(%arg11 : memref<64xi32, #tpu.memory_space<vmem>>)
      %dma_start3A_158 = arith.constant 0 : i32
      %dma_start3A_159 = arith.constant 0 : i32
      %dma_start3A_160 = tpu.memref_slice %arg6[%dma_start3A_158, %dma_start3A_159] : memref<10240x128xf32, #tpu.memory_space<vmem_shared>> -> memref<10240x128xf32, #tpu.memory_space<vmem_shared>>
      tpu.enqueue_indirect_dma source(%arg15 : memref<64x128xf32, #tpu.memory_space<vmem>>) target(%dma_start3A_160 : memref<10240x128xf32, #tpu.memory_space<vmem_shared>>) offsets(%arg11 : memref<64xi32, #tpu.memory_space<vmem>>) semaphore(%arg23 : memref<!tpu.dma_semaphore, #tpu.memory_space<semaphore_mem>>) {add = true}
      %dma_wait3A_161 = arith.constant 0 : i32
      %dma_wait3A_162 = arith.constant 0 : i32
      %dma_wait3A_163 = tpu.memref_slice %arg6[%dma_wait3A_161, %dma_wait3A_162] : memref<10240x128xf32, #tpu.memory_space<vmem_shared>> -> memref<10240x128xf32, #tpu.memory_space<vmem_shared>>
      tpu.wait_indirect_dma semaphore(%arg22 : memref<!tpu.dma_semaphore, #tpu.memory_space<semaphore_mem>>) src(%arg14 : memref<64x128xf32, #tpu.memory_space<vmem>>) dst(%dma_wait3A_163 : memref<10240x128xf32, #tpu.memory_space<vmem_shared>>)
      %lt3A_164 = arith.constant 39 : i32
      %lt3A_165 = arith.cmpi slt, %scan3A_66, %lt3A_164 : i32
      %convert_element_type3A_166 = arith.extui %lt3A_165 : i1 to i32
      %cond3A_167 = arith.constant 0 : i32
      %cond3A_168 = arith.cmpi ne, %convert_element_type3A_166, %cond3A_167 : i32
      scf.if %cond3A_168 {
        %add3A_169 = arith.constant 1 : i32
        %add3A_170 = arith.addi %scan3A_66, %add3A_169 : i32
        %mul3A_171 = arith.constant 4 : i32
        %mul3A_172 = arith.muli %mul3A_171, %add3A_170 : i32
        %add3A_173 = arith.constant 2 : i32
        %add3A_174 = arith.addi %mul3A_172, %add3A_173 : i32
        %mul3A_175 = arith.constant 10240 : i32
        %mul3A_176 = arith.muli %add3A, %mul3A_175 : i32
        %mul3A_177 = arith.constant 64 : i32
        %mul3A_178 = arith.muli %add3A_174, %mul3A_177 : i32
        %add3A_179 = arith.addi %mul3A_176, %mul3A_178 : i32
        %dma_start3A_180 = tpu.memref_slice %arg4[%add3A_179] : memref<327680xi32, #tpu.memory_space<hbm>> -> memref<64xi32, #tpu.memory_space<hbm>>
        %dma_start3A_181 = tpu.memref_slice %arg4[%add3A_179] : memref<327680xi32, #tpu.memory_space<hbm>> -> memref<64xi32, #tpu.memory_space<hbm>>
        tpu.enqueue_dma source(%dma_start3A_181 : memref<64xi32, #tpu.memory_space<hbm>>) target(%arg10 : memref<64xi32, #tpu.memory_space<vmem>>) target_semaphore(%arg26 : memref<!tpu.dma_semaphore, #tpu.memory_space<semaphore_mem>>)
        %add3A_182 = arith.constant 1 : i32
        %add3A_183 = arith.addi %scan3A_66, %add3A_182 : i32
        %mul3A_184 = arith.constant 2 : i32
        %mul3A_185 = arith.muli %mul3A_184, %add3A_183 : i32
        %add3A_186 = arith.constant 1 : i32
        %add3A_187 = arith.addi %mul3A_185, %add3A_186 : i32
        %dma_start3A_188 = arith.constant 0 : i32
        %dma_start3A_189 = tpu.memref_slice %arg7[%add3A_187, %dma_start3A_188] : memref<80x128xi32, #tpu.memory_space<vmem>> -> memref<1x64xi32, #tpu.memory_space<vmem>>
        %dma_start3A_190 = tpu.memref_squeeze %dma_start3A_189 : memref<1x64xi32, #tpu.memory_space<vmem>> -> memref<64xi32, #tpu.memory_space<vmem>>
        %dma_start3A_191 = arith.constant 0 : i32
        %dma_start3A_192 = arith.constant 0 : i32
        %dma_start3A_193 = tpu.memref_slice %arg2[%dma_start3A_191, %dma_start3A_192] : memref<10240x128xf32, #tpu.memory_space<hbm>> -> memref<10240x128xf32, #tpu.memory_space<hbm>>
        tpu.enqueue_indirect_dma source(%dma_start3A_193 : memref<10240x128xf32, #tpu.memory_space<hbm>>) target(%arg14 : memref<64x128xf32, #tpu.memory_space<vmem>>) offsets(%dma_start3A_190 : memref<64xi32, #tpu.memory_space<vmem>>) semaphore(%arg18 : memref<!tpu.dma_semaphore, #tpu.memory_space<semaphore_mem>>)
      } else {
      }
    }
    %scan3A_58 = arith.constant 40 : i32
    %dma_wait3A = arith.constant 0 : i32
    %dma_wait3A_59 = arith.constant 0 : i32
    %dma_wait3A_60 = tpu.memref_slice %arg6[%dma_wait3A, %dma_wait3A_59] : memref<10240x128xf32, #tpu.memory_space<vmem_shared>> -> memref<10240x128xf32, #tpu.memory_space<vmem_shared>>
    tpu.wait_indirect_dma semaphore(%arg23 : memref<!tpu.dma_semaphore, #tpu.memory_space<semaphore_mem>>) src(%arg15 : memref<64x128xf32, #tpu.memory_space<vmem>>) dst(%dma_wait3A_60 : memref<10240x128xf32, #tpu.memory_space<vmem_shared>>)
    %barrier3A_61 = arith.constant 0 : index
    tpu.barrier barrier_id(%barrier3A_61)
    %mul3A_62 = arith.constant 640 : i32
    %mul3A_63 = arith.muli %arg1, %mul3A_62 : i32
    %mul3A_64 = arith.constant 640 : i32
    %mul3A_65 = arith.muli %arg1, %mul3A_64 : i32
    "tpu.region"() ({
      %run_scoped3A = tpu.sem_alloc : memref<!tpu.dma_semaphore, #tpu.memory_space<semaphore_mem>>
      %dma_start3A_66 = arith.constant 0 : i32
      %dma_start3A_67 = tpu.memref_slice %arg5[%arg0, %mul3A_65, %dma_start3A_66] : memref<2x10240x128xf32, #tpu.memory_space<hbm>> -> memref<1x640x128xf32, #tpu.memory_space<hbm>>
      %dma_start3A_68 = tpu.memref_squeeze %dma_start3A_67 : memref<1x640x128xf32, #tpu.memory_space<hbm>> -> memref<640x128xf32, #tpu.memory_space<hbm>>
      %dma_start3A_69 = arith.constant 0 : i32
      %dma_start3A_70 = tpu.memref_slice %arg6[%mul3A_63, %dma_start3A_69] : memref<10240x128xf32, #tpu.memory_space<vmem_shared>> -> memref<640x128xf32, #tpu.memory_space<vmem_shared>>
      tpu.enqueue_dma source(%dma_start3A_70 : memref<640x128xf32, #tpu.memory_space<vmem_shared>>) target(%dma_start3A_68 : memref<640x128xf32, #tpu.memory_space<hbm>>) target_semaphore(%run_scoped3A : memref<!tpu.dma_semaphore, #tpu.memory_space<semaphore_mem>>)
      %dma_wait3A_71 = arith.constant 0 : i32
      %dma_wait3A_72 = tpu.memref_slice %arg5[%arg0, %mul3A_65, %dma_wait3A_71] : memref<2x10240x128xf32, #tpu.memory_space<hbm>> -> memref<1x640x128xf32, #tpu.memory_space<hbm>>
      %dma_wait3A_73 = tpu.memref_squeeze %dma_wait3A_72 : memref<1x640x128xf32, #tpu.memory_space<hbm>> -> memref<640x128xf32, #tpu.memory_space<hbm>>
      %dma_wait3A_74 = arith.constant 0 : i32
      %dma_wait3A_75 = tpu.memref_slice %arg6[%mul3A_63, %dma_wait3A_74] : memref<10240x128xf32, #tpu.memory_space<vmem_shared>> -> memref<640x128xf32, #tpu.memory_space<vmem_shared>>
      tpu.wait_dma2 semaphore(%run_scoped3A : memref<!tpu.dma_semaphore, #tpu.memory_space<semaphore_mem>>) src(%dma_wait3A_75 : memref<640x128xf32, #tpu.memory_space<vmem_shared>>) dst(%dma_wait3A_73 : memref<640x128xf32, #tpu.memory_space<hbm>>)
      tpu.yield
    }) : () -> ()
    return
  }
}

#map = affine_map<(d0, d1) -> (0, 0)>
#map1 = affine_map<(d0, d1) -> (0)>
#map2 = affine_map<(d0, d1) -> (0, 0, 0)>
module attributes {stable_mosaic.version = 14 : i64} {
  func.func @_sc_edge_pass(%arg0: i32, %arg1: i32, %arg2: memref<10240x128xf32, #tpu.memory_space<hbm>>, %arg3: memref<2560x128xi32, #tpu.memory_space<hbm>>, %arg4: memref<327680xi32, #tpu.memory_space<hbm>>, %arg5: memref<2x10240x128xf32, #tpu.memory_space<hbm>>, %arg6: memref<10240x128xf32, #tpu.memory_space<vmem_shared>>, %arg7: memref<80x128xi32, #tpu.memory_space<vmem>>, %arg8: memref<64xi32, #tpu.memory_space<vmem>>, %arg9: memref<64xi32, #tpu.memory_space<vmem>>, %arg10: memref<64xi32, #tpu.memory_space<vmem>>, %arg11: memref<64xi32, #tpu.memory_space<vmem>>, %arg12: memref<64x128xf32, #tpu.memory_space<vmem>>, %arg13: memref<64x128xf32, #tpu.memory_space<vmem>>, %arg14: memref<64x128xf32, #tpu.memory_space<vmem>>, %arg15: memref<64x128xf32, #tpu.memory_space<vmem>>, %arg16: memref<!tpu.dma_semaphore, #tpu.memory_space<semaphore_mem>>, %arg17: memref<!tpu.dma_semaphore, #tpu.memory_space<semaphore_mem>>, %arg18: memref<!tpu.dma_semaphore, #tpu.memory_space<semaphore_mem>>, %arg19: memref<!tpu.dma_semaphore, #tpu.memory_space<semaphore_mem>>, %arg20: memref<!tpu.dma_semaphore, #tpu.memory_space<semaphore_mem>>, %arg21: memref<!tpu.dma_semaphore, #tpu.memory_space<semaphore_mem>>, %arg22: memref<!tpu.dma_semaphore, #tpu.memory_space<semaphore_mem>>, %arg23: memref<!tpu.dma_semaphore, #tpu.memory_space<semaphore_mem>>, %arg24: memref<!tpu.dma_semaphore, #tpu.memory_space<semaphore_mem>>, %arg25: memref<!tpu.dma_semaphore, #tpu.memory_space<semaphore_mem>>, %arg26: memref<!tpu.dma_semaphore, #tpu.memory_space<semaphore_mem>>, %arg27: memref<!tpu.dma_semaphore, #tpu.memory_space<semaphore_mem>>) attributes {dimension_semantics = [#tpu.dimension_semantics<core_parallel>, #tpu.dimension_semantics<subcore_parallel>], iteration_bounds = array<i64: 2, 16>, scalar_prefetch = 0 : i64, scratch_operands = 22 : i64, tpu.core_type = #tpu.core_type<sc_vector_subcore>, window_params = [{transform_indices = #map}, {transform_indices = #map}, {transform_indices = #map1}, {transform_indices = #map2}]} {
    %mul3A = arith.constant 16 : i32
    %mul3A_0 = arith.muli %arg0, %mul3A : i32
    %add3A = arith.addi %mul3A_0, %arg1 : i32
    %mul3A_1 = arith.constant 80 : i32
    %mul3A_2 = arith.muli %add3A, %mul3A_1 : i32
    "tpu.region"() ({
      %run_scoped3A = tpu.sem_alloc : memref<!tpu.dma_semaphore, #tpu.memory_space<semaphore_mem>>
      %dma_start3A_66 = arith.constant 0 : i32
      %dma_start3A_67 = tpu.memref_slice %arg3[%mul3A_2, %dma_start3A_66] : memref<2560x128xi32, #tpu.memory_space<hbm>> -> memref<80x128xi32, #tpu.memory_space<hbm>>
      %dma_start3A_68 = arith.constant 0 : i32
      %dma_start3A_69 = tpu.memref_slice %arg3[%mul3A_2, %dma_start3A_68] : memref<2560x128xi32, #tpu.memory_space<hbm>> -> memref<80x128xi32, #tpu.memory_space<hbm>>
      tpu.enqueue_dma source(%dma_start3A_69 : memref<80x128xi32, #tpu.memory_space<hbm>>) target(%arg7 : memref<80x128xi32, #tpu.memory_space<vmem>>) target_semaphore(%run_scoped3A : memref<!tpu.dma_semaphore, #tpu.memory_space<semaphore_mem>>)
      %dma_wait3A_70 = arith.constant 0 : i32
      %dma_wait3A_71 = tpu.memref_slice %arg3[%mul3A_2, %dma_wait3A_70] : memref<2560x128xi32, #tpu.memory_space<hbm>> -> memref<80x128xi32, #tpu.memory_space<hbm>>
      %dma_wait3A_72 = arith.constant 0 : i32
      %dma_wait3A_73 = tpu.memref_slice %arg3[%mul3A_2, %dma_wait3A_72] : memref<2560x128xi32, #tpu.memory_space<hbm>> -> memref<80x128xi32, #tpu.memory_space<hbm>>
      tpu.wait_dma2 semaphore(%run_scoped3A : memref<!tpu.dma_semaphore, #tpu.memory_space<semaphore_mem>>) src(%dma_wait3A_73 : memref<80x128xi32, #tpu.memory_space<hbm>>) dst(%arg7 : memref<80x128xi32, #tpu.memory_space<vmem>>)
      tpu.yield
    }) : () -> ()
    %broadcast_in_dim3A = arith.constant 0.000000e+00 : f32
    %broadcast_in_dim3A_3 = vector.broadcast %broadcast_in_dim3A : f32 to vector<16xf32>
    %scan3A = arith.constant 0 : i32
    %scan3A_4 = arith.constant 0 : i32
    %scan3A_5 = arith.constant 64 : i32
    %scan3A_6 = arith.addi %scan3A_4, %scan3A_5 : i32
    %scan3A_7 = arith.constant 1 : i32
    scf.for %scan3A_66 = %scan3A_4 to %scan3A_6 step %scan3A_7  : i32 {
      %swap3A = arith.index_cast %scan3A_66 : i32 to index
      %swap3A_67 = arith.constant 0 : index
      %swap3A_68 = tpu.vector_load %arg12[%swap3A, %swap3A_67] {strides = array<i32>} : memref<64x128xf32, #tpu.memory_space<vmem>>, vector<1x16xf32>,
      %swap3A_69 = vector.shape_cast %swap3A_68 : vector<1x16xf32> to vector<16xf32>
      %swap3A_70 = vector.shape_cast %broadcast_in_dim3A_3 : vector<16xf32> to vector<1x16xf32>
      tpu.vector_store %arg12[%swap3A, %swap3A_67], %swap3A_70 {strides = array<i32>} : memref<64x128xf32, #tpu.memory_space<vmem>>, vector<1x16xf32>,
      %swap3A_71 = arith.index_cast %scan3A_66 : i32 to index
      %swap3A_72 = arith.constant 16 : index
      %swap3A_73 = tpu.vector_load %arg12[%swap3A_71, %swap3A_72] {strides = array<i32>} : memref<64x128xf32, #tpu.memory_space<vmem>>, vector<1x16xf32>,
      %swap3A_74 = vector.shape_cast %swap3A_73 : vector<1x16xf32> to vector<16xf32>
      %swap3A_75 = vector.shape_cast %broadcast_in_dim3A_3 : vector<16xf32> to vector<1x16xf32>
      tpu.vector_store %arg12[%swap3A_71, %swap3A_72], %swap3A_75 {strides = array<i32>} : memref<64x128xf32, #tpu.memory_space<vmem>>, vector<1x16xf32>,
      %swap3A_76 = arith.index_cast %scan3A_66 : i32 to index
      %swap3A_77 = arith.constant 32 : index
      %swap3A_78 = tpu.vector_load %arg12[%swap3A_76, %swap3A_77] {strides = array<i32>} : memref<64x128xf32, #tpu.memory_space<vmem>>, vector<1x16xf32>,
      %swap3A_79 = vector.shape_cast %swap3A_78 : vector<1x16xf32> to vector<16xf32>
      %swap3A_80 = vector.shape_cast %broadcast_in_dim3A_3 : vector<16xf32> to vector<1x16xf32>
      tpu.vector_store %arg12[%swap3A_76, %swap3A_77], %swap3A_80 {strides = array<i32>} : memref<64x128xf32, #tpu.memory_space<vmem>>, vector<1x16xf32>,
      %swap3A_81 = arith.index_cast %scan3A_66 : i32 to index
      %swap3A_82 = arith.constant 48 : index
      %swap3A_83 = tpu.vector_load %arg12[%swap3A_81, %swap3A_82] {strides = array<i32>} : memref<64x128xf32, #tpu.memory_space<vmem>>, vector<1x16xf32>,
      %swap3A_84 = vector.shape_cast %swap3A_83 : vector<1x16xf32> to vector<16xf32>
      %swap3A_85 = vector.shape_cast %broadcast_in_dim3A_3 : vector<16xf32> to vector<1x16xf32>
      tpu.vector_store %arg12[%swap3A_81, %swap3A_82], %swap3A_85 {strides = array<i32>} : memref<64x128xf32, #tpu.memory_space<vmem>>, vector<1x16xf32>,
      %swap3A_86 = arith.index_cast %scan3A_66 : i32 to index
      %swap3A_87 = arith.constant 64 : index
      %swap3A_88 = tpu.vector_load %arg12[%swap3A_86, %swap3A_87] {strides = array<i32>} : memref<64x128xf32, #tpu.memory_space<vmem>>, vector<1x16xf32>,
      %swap3A_89 = vector.shape_cast %swap3A_88 : vector<1x16xf32> to vector<16xf32>
      %swap3A_90 = vector.shape_cast %broadcast_in_dim3A_3 : vector<16xf32> to vector<1x16xf32>
      tpu.vector_store %arg12[%swap3A_86, %swap3A_87], %swap3A_90 {strides = array<i32>} : memref<64x128xf32, #tpu.memory_space<vmem>>, vector<1x16xf32>,
      %swap3A_91 = arith.index_cast %scan3A_66 : i32 to index
      %swap3A_92 = arith.constant 80 : index
      %swap3A_93 = tpu.vector_load %arg12[%swap3A_91, %swap3A_92] {strides = array<i32>} : memref<64x128xf32, #tpu.memory_space<vmem>>, vector<1x16xf32>,
      %swap3A_94 = vector.shape_cast %swap3A_93 : vector<1x16xf32> to vector<16xf32>
      %swap3A_95 = vector.shape_cast %broadcast_in_dim3A_3 : vector<16xf32> to vector<1x16xf32>
      tpu.vector_store %arg12[%swap3A_91, %swap3A_92], %swap3A_95 {strides = array<i32>} : memref<64x128xf32, #tpu.memory_space<vmem>>, vector<1x16xf32>,
      %swap3A_96 = arith.index_cast %scan3A_66 : i32 to index
      %swap3A_97 = arith.constant 96 : index
      %swap3A_98 = tpu.vector_load %arg12[%swap3A_96, %swap3A_97] {strides = array<i32>} : memref<64x128xf32, #tpu.memory_space<vmem>>, vector<1x16xf32>,
      %swap3A_99 = vector.shape_cast %swap3A_98 : vector<1x16xf32> to vector<16xf32>
      %swap3A_100 = vector.shape_cast %broadcast_in_dim3A_3 : vector<16xf32> to vector<1x16xf32>
      tpu.vector_store %arg12[%swap3A_96, %swap3A_97], %swap3A_100 {strides = array<i32>} : memref<64x128xf32, #tpu.memory_space<vmem>>, vector<1x16xf32>,
      %swap3A_101 = arith.index_cast %scan3A_66 : i32 to index
      %swap3A_102 = arith.constant 112 : index
      %swap3A_103 = tpu.vector_load %arg12[%swap3A_101, %swap3A_102] {strides = array<i32>} : memref<64x128xf32, #tpu.memory_space<vmem>>, vector<1x16xf32>,
      %swap3A_104 = vector.shape_cast %swap3A_103 : vector<1x16xf32> to vector<16xf32>
      %swap3A_105 = vector.shape_cast %broadcast_in_dim3A_3 : vector<16xf32> to vector<1x16xf32>
      tpu.vector_store %arg12[%swap3A_101, %swap3A_102], %swap3A_105 {strides = array<i32>} : memref<64x128xf32, #tpu.memory_space<vmem>>, vector<1x16xf32>,
    }
    %scan3A_8 = arith.constant 64 : i32
    %scan3A_9 = arith.constant 0 : i32
    %scan3A_10 = arith.constant 0 : i32
    %scan3A_11 = arith.constant 10 : i32
    %scan3A_12 = arith.addi %scan3A_10, %scan3A_11 : i32
    %scan3A_13 = arith.constant 1 : i32
    scf.for %scan3A_66 = %scan3A_10 to %scan3A_12 step %scan3A_13  : i32 {
      %mul3A_67 = arith.constant 640 : i32
      %mul3A_68 = arith.muli %arg1, %mul3A_67 : i32
      %mul3A_69 = arith.constant 64 : i32
      %mul3A_70 = arith.muli %scan3A_66, %mul3A_69 : i32
      %add3A_71 = arith.addi %mul3A_68, %mul3A_70 : i32
      "tpu.region"() ({
        %run_scoped3A = tpu.sem_alloc : memref<!tpu.dma_semaphore, #tpu.memory_space<semaphore_mem>>
        %dma_start3A_72 = arith.constant 0 : i32
        %dma_start3A_73 = tpu.memref_slice %arg6[%add3A_71, %dma_start3A_72] : memref<10240x128xf32, #tpu.memory_space<vmem_shared>> -> memref<64x128xf32, #tpu.memory_space<vmem_shared>>
        %dma_start3A_74 = arith.constant 0 : i32
        %dma_start3A_75 = tpu.memref_slice %arg6[%add3A_71, %dma_start3A_74] : memref<10240x128xf32, #tpu.memory_space<vmem_shared>> -> memref<64x128xf32, #tpu.memory_space<vmem_shared>>
        tpu.enqueue_dma source(%arg12 : memref<64x128xf32, #tpu.memory_space<vmem>>) target(%dma_start3A_75 : memref<64x128xf32, #tpu.memory_space<vmem_shared>>) target_semaphore(%run_scoped3A : memref<!tpu.dma_semaphore, #tpu.memory_space<semaphore_mem>>)
        %dma_wait3A_76 = arith.constant 0 : i32
        %dma_wait3A_77 = tpu.memref_slice %arg6[%add3A_71, %dma_wait3A_76] : memref<10240x128xf32, #tpu.memory_space<vmem_shared>> -> memref<64x128xf32, #tpu.memory_space<vmem_shared>>
        %dma_wait3A_78 = arith.constant 0 : i32
        %dma_wait3A_79 = tpu.memref_slice %arg6[%add3A_71, %dma_wait3A_78] : memref<10240x128xf32, #tpu.memory_space<vmem_shared>> -> memref<64x128xf32, #tpu.memory_space<vmem_shared>>
        tpu.wait_dma2 semaphore(%run_scoped3A : memref<!tpu.dma_semaphore, #tpu.memory_space<semaphore_mem>>) src(%arg12 : memref<64x128xf32, #tpu.memory_space<vmem>>) dst(%dma_wait3A_79 : memref<64x128xf32, #tpu.memory_space<vmem_shared>>)
        tpu.yield
      }) : () -> ()
    }
    %scan3A_14 = arith.constant 10 : i32
    %barrier3A = arith.constant 0 : index
    tpu.barrier barrier_id(%barrier3A)
    %mul3A_15 = arith.constant 10240 : i32
    %mul3A_16 = arith.muli %add3A, %mul3A_15 : i32
    %add3A_17 = arith.constant 0 : i32
    %add3A_18 = arith.addi %mul3A_16, %add3A_17 : i32
    %dma_start3A = tpu.memref_slice %arg4[%add3A_18] : memref<327680xi32, #tpu.memory_space<hbm>> -> memref<64xi32, #tpu.memory_space<hbm>>
    %dma_start3A_19 = tpu.memref_slice %arg4[%add3A_18] : memref<327680xi32, #tpu.memory_space<hbm>> -> memref<64xi32, #tpu.memory_space<hbm>>
    tpu.enqueue_dma source(%dma_start3A_19 : memref<64xi32, #tpu.memory_space<hbm>>) target(%arg8 : memref<64xi32, #tpu.memory_space<vmem>>) target_semaphore(%arg24 : memref<!tpu.dma_semaphore, #tpu.memory_space<semaphore_mem>>)
    %dma_start3A_20 = arith.constant 0 : i32
    %dma_start3A_21 = arith.constant 0 : i32
    %dma_start3A_22 = tpu.memref_slice %arg7[%dma_start3A_20, %dma_start3A_21] : memref<80x128xi32, #tpu.memory_space<vmem>> -> memref<1x64xi32, #tpu.memory_space<vmem>>
    %dma_start3A_23 = tpu.memref_squeeze %dma_start3A_22 : memref<1x64xi32, #tpu.memory_space<vmem>> -> memref<64xi32, #tpu.memory_space<vmem>>
    %dma_start3A_24 = arith.constant 0 : i32
    %dma_start3A_25 = arith.constant 0 : i32
    %dma_start3A_26 = tpu.memref_slice %arg2[%dma_start3A_24, %dma_start3A_25] : memref<10240x128xf32, #tpu.memory_space<hbm>> -> memref<10240x128xf32, #tpu.memory_space<hbm>>
    tpu.enqueue_indirect_dma source(%dma_start3A_26 : memref<10240x128xf32, #tpu.memory_space<hbm>>) target(%arg12 : memref<64x128xf32, #tpu.memory_space<vmem>>) offsets(%dma_start3A_23 : memref<64xi32, #tpu.memory_space<vmem>>) semaphore(%arg16 : memref<!tpu.dma_semaphore, #tpu.memory_space<semaphore_mem>>)
    %mul3A_27 = arith.constant 10240 : i32
    %mul3A_28 = arith.muli %add3A, %mul3A_27 : i32
    %add3A_29 = arith.constant 64 : i32
    %add3A_30 = arith.addi %mul3A_28, %add3A_29 : i32
    %dma_start3A_31 = tpu.memref_slice %arg4[%add3A_30] : memref<327680xi32, #tpu.memory_space<hbm>> -> memref<64xi32, #tpu.memory_space<hbm>>
    %dma_start3A_32 = tpu.memref_slice %arg4[%add3A_30] : memref<327680xi32, #tpu.memory_space<hbm>> -> memref<64xi32, #tpu.memory_space<hbm>>
    tpu.enqueue_dma source(%dma_start3A_32 : memref<64xi32, #tpu.memory_space<hbm>>) target(%arg9 : memref<64xi32, #tpu.memory_space<vmem>>) target_semaphore(%arg25 : memref<!tpu.dma_semaphore, #tpu.memory_space<semaphore_mem>>)
    %dma_start3A_33 = arith.constant 0 : i32
    %dma_start3A_34 = arith.constant 64 : i32
    %dma_start3A_35 = tpu.memref_slice %arg7[%dma_start3A_33, %dma_start3A_34] : memref<80x128xi32, #tpu.memory_space<vmem>> -> memref<1x64xi32, #tpu.memory_space<vmem>>
    %dma_start3A_36 = tpu.memref_squeeze %dma_start3A_35 : memref<1x64xi32, #tpu.memory_space<vmem>> -> memref<64xi32, #tpu.memory_space<vmem>>
    %dma_start3A_37 = arith.constant 0 : i32
    %dma_start3A_38 = arith.constant 0 : i32
    %dma_start3A_39 = tpu.memref_slice %arg2[%dma_start3A_37, %dma_start3A_38] : memref<10240x128xf32, #tpu.memory_space<hbm>> -> memref<10240x128xf32, #tpu.memory_space<hbm>>
    tpu.enqueue_indirect_dma source(%dma_start3A_39 : memref<10240x128xf32, #tpu.memory_space<hbm>>) target(%arg13 : memref<64x128xf32, #tpu.memory_space<vmem>>) offsets(%dma_start3A_36 : memref<64xi32, #tpu.memory_space<vmem>>) semaphore(%arg17 : memref<!tpu.dma_semaphore, #tpu.memory_space<semaphore_mem>>)
    %mul3A_40 = arith.constant 10240 : i32
    %mul3A_41 = arith.muli %add3A, %mul3A_40 : i32
    %add3A_42 = arith.constant 128 : i32
    %add3A_43 = arith.addi %mul3A_41, %add3A_42 : i32
    %dma_start3A_44 = tpu.memref_slice %arg4[%add3A_43] : memref<327680xi32, #tpu.memory_space<hbm>> -> memref<64xi32, #tpu.memory_space<hbm>>
    %dma_start3A_45 = tpu.memref_slice %arg4[%add3A_43] : memref<327680xi32, #tpu.memory_space<hbm>> -> memref<64xi32, #tpu.memory_space<hbm>>
    tpu.enqueue_dma source(%dma_start3A_45 : memref<64xi32, #tpu.memory_space<hbm>>) target(%arg10 : memref<64xi32, #tpu.memory_space<vmem>>) target_semaphore(%arg26 : memref<!tpu.dma_semaphore, #tpu.memory_space<semaphore_mem>>)
    %dma_start3A_46 = arith.constant 1 : i32
    %dma_start3A_47 = arith.constant 0 : i32
    %dma_start3A_48 = tpu.memref_slice %arg7[%dma_start3A_46, %dma_start3A_47] : memref<80x128xi32, #tpu.memory_space<vmem>> -> memref<1x64xi32, #tpu.memory_space<vmem>>
    %dma_start3A_49 = tpu.memref_squeeze %dma_start3A_48 : memref<1x64xi32, #tpu.memory_space<vmem>> -> memref<64xi32, #tpu.memory_space<vmem>>
    %dma_start3A_50 = arith.constant 0 : i32
    %dma_start3A_51 = arith.constant 0 : i32
    %dma_start3A_52 = tpu.memref_slice %arg2[%dma_start3A_50, %dma_start3A_51] : memref<10240x128xf32, #tpu.memory_space<hbm>> -> memref<10240x128xf32, #tpu.memory_space<hbm>>
    tpu.enqueue_indirect_dma source(%dma_start3A_52 : memref<10240x128xf32, #tpu.memory_space<hbm>>) target(%arg14 : memref<64x128xf32, #tpu.memory_space<vmem>>) offsets(%dma_start3A_49 : memref<64xi32, #tpu.memory_space<vmem>>) semaphore(%arg18 : memref<!tpu.dma_semaphore, #tpu.memory_space<semaphore_mem>>)
    %scan3A_53 = arith.constant 0 : i32
    %scan3A_54 = arith.constant 0 : i32
    %scan3A_55 = arith.constant 40 : i32
    %scan3A_56 = arith.addi %scan3A_54, %scan3A_55 : i32
    %scan3A_57 = arith.constant 1 : i32
    scf.for %scan3A_66 = %scan3A_54 to %scan3A_56 step %scan3A_57  : i32 {
      %dma_wait3A_67 = arith.constant 0 : i32
      %dma_wait3A_68 = arith.constant 0 : i32
      %dma_wait3A_69 = tpu.memref_slice %arg7[%dma_wait3A_67, %dma_wait3A_68] : memref<80x128xi32, #tpu.memory_space<vmem>> -> memref<1x64xi32, #tpu.memory_space<vmem>>
      %dma_wait3A_70 = tpu.memref_squeeze %dma_wait3A_69 : memref<1x64xi32, #tpu.memory_space<vmem>> -> memref<64xi32, #tpu.memory_space<vmem>>
      %dma_wait3A_71 = arith.constant 0 : i32
      %dma_wait3A_72 = arith.constant 0 : i32
      %dma_wait3A_73 = tpu.memref_slice %arg2[%dma_wait3A_71, %dma_wait3A_72] : memref<10240x128xf32, #tpu.memory_space<hbm>> -> memref<10240x128xf32, #tpu.memory_space<hbm>>
      tpu.wait_indirect_dma semaphore(%arg16 : memref<!tpu.dma_semaphore, #tpu.memory_space<semaphore_mem>>) src(%dma_wait3A_73 : memref<10240x128xf32, #tpu.memory_space<hbm>>) dst(%arg12 : memref<64x128xf32, #tpu.memory_space<vmem>>)
      %dma_wait3A_74 = arith.constant 0 : i32
      %dma_wait3A_75 = tpu.memref_slice %arg4[%dma_wait3A_74] : memref<327680xi32, #tpu.memory_space<hbm>> -> memref<64xi32, #tpu.memory_space<hbm>>
      %dma_wait3A_76 = arith.constant 0 : i32
      %dma_wait3A_77 = tpu.memref_slice %arg4[%dma_wait3A_76] : memref<327680xi32, #tpu.memory_space<hbm>> -> memref<64xi32, #tpu.memory_space<hbm>>
      tpu.wait_dma2 semaphore(%arg24 : memref<!tpu.dma_semaphore, #tpu.memory_space<semaphore_mem>>) src(%dma_wait3A_77 : memref<64xi32, #tpu.memory_space<hbm>>) dst(%arg8 : memref<64xi32, #tpu.memory_space<vmem>>)
      %dma_start3A_78 = arith.constant 0 : i32
      %dma_start3A_79 = arith.constant 0 : i32
      %dma_start3A_80 = tpu.memref_slice %arg6[%dma_start3A_78, %dma_start3A_79] : memref<10240x128xf32, #tpu.memory_space<vmem_shared>> -> memref<10240x128xf32, #tpu.memory_space<vmem_shared>>
      tpu.enqueue_indirect_dma source(%arg12 : memref<64x128xf32, #tpu.memory_space<vmem>>) target(%dma_start3A_80 : memref<10240x128xf32, #tpu.memory_space<vmem_shared>>) offsets(%arg8 : memref<64xi32, #tpu.memory_space<vmem>>) semaphore(%arg20 : memref<!tpu.dma_semaphore, #tpu.memory_space<semaphore_mem>>) {add = true}
      %gt3A = arith.constant 0 : i32
      %gt3A_81 = arith.cmpi sgt, %scan3A_66, %gt3A : i32
      %convert_element_type3A = arith.extui %gt3A_81 : i1 to i32
      %cond3A = arith.constant 0 : i32
      %cond3A_82 = arith.cmpi ne, %convert_element_type3A, %cond3A : i32
      scf.if %cond3A_82 {
        %dma_wait3A_169 = arith.constant 0 : i32
        %dma_wait3A_170 = arith.constant 0 : i32
        %dma_wait3A_171 = tpu.memref_slice %arg6[%dma_wait3A_169, %dma_wait3A_170] : memref<10240x128xf32, #tpu.memory_space<vmem_shared>> -> memref<10240x128xf32, #tpu.memory_space<vmem_shared>>
        tpu.wait_indirect_dma semaphore(%arg23 : memref<!tpu.dma_semaphore, #tpu.memory_space<semaphore_mem>>) src(%arg15 : memref<64x128xf32, #tpu.memory_space<vmem>>) dst(%dma_wait3A_171 : memref<10240x128xf32, #tpu.memory_space<vmem_shared>>)
      } else {
      }
      %mul3A_83 = arith.constant 4 : i32
      %mul3A_84 = arith.muli %mul3A_83, %scan3A_66 : i32
      %add3A_85 = arith.constant 3 : i32
      %add3A_86 = arith.addi %mul3A_84, %add3A_85 : i32
      %mul3A_87 = arith.constant 10240 : i32
      %mul3A_88 = arith.muli %add3A, %mul3A_87 : i32
      %mul3A_89 = arith.constant 64 : i32
      %mul3A_90 = arith.muli %add3A_86, %mul3A_89 : i32
      %add3A_91 = arith.addi %mul3A_88, %mul3A_90 : i32
      %dma_start3A_92 = tpu.memref_slice %arg4[%add3A_91] : memref<327680xi32, #tpu.memory_space<hbm>> -> memref<64xi32, #tpu.memory_space<hbm>>
      %dma_start3A_93 = tpu.memref_slice %arg4[%add3A_91] : memref<327680xi32, #tpu.memory_space<hbm>> -> memref<64xi32, #tpu.memory_space<hbm>>
      tpu.enqueue_dma source(%dma_start3A_93 : memref<64xi32, #tpu.memory_space<hbm>>) target(%arg11 : memref<64xi32, #tpu.memory_space<vmem>>) target_semaphore(%arg27 : memref<!tpu.dma_semaphore, #tpu.memory_space<semaphore_mem>>)
      %mul3A_94 = arith.constant 2 : i32
      %mul3A_95 = arith.muli %mul3A_94, %scan3A_66 : i32
      %add3A_96 = arith.constant 1 : i32
      %add3A_97 = arith.addi %mul3A_95, %add3A_96 : i32
      %dma_start3A_98 = arith.constant 64 : i32
      %dma_start3A_99 = tpu.memref_slice %arg7[%add3A_97, %dma_start3A_98] : memref<80x128xi32, #tpu.memory_space<vmem>> -> memref<1x64xi32, #tpu.memory_space<vmem>>
      %dma_start3A_100 = tpu.memref_squeeze %dma_start3A_99 : memref<1x64xi32, #tpu.memory_space<vmem>> -> memref<64xi32, #tpu.memory_space<vmem>>
      %dma_start3A_101 = arith.constant 0 : i32
      %dma_start3A_102 = arith.constant 0 : i32
      %dma_start3A_103 = tpu.memref_slice %arg2[%dma_start3A_101, %dma_start3A_102] : memref<10240x128xf32, #tpu.memory_space<hbm>> -> memref<10240x128xf32, #tpu.memory_space<hbm>>
      tpu.enqueue_indirect_dma source(%dma_start3A_103 : memref<10240x128xf32, #tpu.memory_space<hbm>>) target(%arg15 : memref<64x128xf32, #tpu.memory_space<vmem>>) offsets(%dma_start3A_100 : memref<64xi32, #tpu.memory_space<vmem>>) semaphore(%arg19 : memref<!tpu.dma_semaphore, #tpu.memory_space<semaphore_mem>>)
      %dma_wait3A_104 = arith.constant 0 : i32
      %dma_wait3A_105 = arith.constant 0 : i32
      %dma_wait3A_106 = tpu.memref_slice %arg7[%dma_wait3A_104, %dma_wait3A_105] : memref<80x128xi32, #tpu.memory_space<vmem>> -> memref<1x64xi32, #tpu.memory_space<vmem>>
      %dma_wait3A_107 = tpu.memref_squeeze %dma_wait3A_106 : memref<1x64xi32, #tpu.memory_space<vmem>> -> memref<64xi32, #tpu.memory_space<vmem>>
      %dma_wait3A_108 = arith.constant 0 : i32
      %dma_wait3A_109 = arith.constant 0 : i32
      %dma_wait3A_110 = tpu.memref_slice %arg2[%dma_wait3A_108, %dma_wait3A_109] : memref<10240x128xf32, #tpu.memory_space<hbm>> -> memref<10240x128xf32, #tpu.memory_space<hbm>>
      tpu.wait_indirect_dma semaphore(%arg17 : memref<!tpu.dma_semaphore, #tpu.memory_space<semaphore_mem>>) src(%dma_wait3A_110 : memref<10240x128xf32, #tpu.memory_space<hbm>>) dst(%arg13 : memref<64x128xf32, #tpu.memory_space<vmem>>)
      %dma_wait3A_111 = arith.constant 0 : i32
      %dma_wait3A_112 = tpu.memref_slice %arg4[%dma_wait3A_111] : memref<327680xi32, #tpu.memory_space<hbm>> -> memref<64xi32, #tpu.memory_space<hbm>>
      %dma_wait3A_113 = arith.constant 0 : i32
      %dma_wait3A_114 = tpu.memref_slice %arg4[%dma_wait3A_113] : memref<327680xi32, #tpu.memory_space<hbm>> -> memref<64xi32, #tpu.memory_space<hbm>>
      tpu.wait_dma2 semaphore(%arg25 : memref<!tpu.dma_semaphore, #tpu.memory_space<semaphore_mem>>) src(%dma_wait3A_114 : memref<64xi32, #tpu.memory_space<hbm>>) dst(%arg9 : memref<64xi32, #tpu.memory_space<vmem>>)
      %dma_start3A_115 = arith.constant 0 : i32
      %dma_start3A_116 = arith.constant 0 : i32
      %dma_start3A_117 = tpu.memref_slice %arg6[%dma_start3A_115, %dma_start3A_116] : memref<10240x128xf32, #tpu.memory_space<vmem_shared>> -> memref<10240x128xf32, #tpu.memory_space<vmem_shared>>
      tpu.enqueue_indirect_dma source(%arg13 : memref<64x128xf32, #tpu.memory_space<vmem>>) target(%dma_start3A_117 : memref<10240x128xf32, #tpu.memory_space<vmem_shared>>) offsets(%arg9 : memref<64xi32, #tpu.memory_space<vmem>>) semaphore(%arg21 : memref<!tpu.dma_semaphore, #tpu.memory_space<semaphore_mem>>) {add = true}
      %dma_wait3A_118 = arith.constant 0 : i32
      %dma_wait3A_119 = arith.constant 0 : i32
      %dma_wait3A_120 = tpu.memref_slice %arg6[%dma_wait3A_118, %dma_wait3A_119] : memref<10240x128xf32, #tpu.memory_space<vmem_shared>> -> memref<10240x128xf32, #tpu.memory_space<vmem_shared>>
      tpu.wait_indirect_dma semaphore(%arg20 : memref<!tpu.dma_semaphore, #tpu.memory_space<semaphore_mem>>) src(%arg12 : memref<64x128xf32, #tpu.memory_space<vmem>>) dst(%dma_wait3A_120 : memref<10240x128xf32, #tpu.memory_space<vmem_shared>>)
      %lt3A = arith.constant 39 : i32
      %lt3A_121 = arith.cmpi slt, %scan3A_66, %lt3A : i32
      %convert_element_type3A_122 = arith.extui %lt3A_121 : i1 to i32
      %cond3A_123 = arith.constant 0 : i32
      %cond3A_124 = arith.cmpi ne, %convert_element_type3A_122, %cond3A_123 : i32
      scf.if %cond3A_124 {
        %add3A_169 = arith.constant 1 : i32
        %add3A_170 = arith.addi %scan3A_66, %add3A_169 : i32
        %mul3A_171 = arith.constant 4 : i32
        %mul3A_172 = arith.muli %mul3A_171, %add3A_170 : i32
        %add3A_173 = arith.constant 0 : i32
        %add3A_174 = arith.addi %mul3A_172, %add3A_173 : i32
        %mul3A_175 = arith.constant 10240 : i32
        %mul3A_176 = arith.muli %add3A, %mul3A_175 : i32
        %mul3A_177 = arith.constant 64 : i32
        %mul3A_178 = arith.muli %add3A_174, %mul3A_177 : i32
        %add3A_179 = arith.addi %mul3A_176, %mul3A_178 : i32
        %dma_start3A_180 = tpu.memref_slice %arg4[%add3A_179] : memref<327680xi32, #tpu.memory_space<hbm>> -> memref<64xi32, #tpu.memory_space<hbm>>
        %dma_start3A_181 = tpu.memref_slice %arg4[%add3A_179] : memref<327680xi32, #tpu.memory_space<hbm>> -> memref<64xi32, #tpu.memory_space<hbm>>
        tpu.enqueue_dma source(%dma_start3A_181 : memref<64xi32, #tpu.memory_space<hbm>>) target(%arg8 : memref<64xi32, #tpu.memory_space<vmem>>) target_semaphore(%arg24 : memref<!tpu.dma_semaphore, #tpu.memory_space<semaphore_mem>>)
        %add3A_182 = arith.constant 1 : i32
        %add3A_183 = arith.addi %scan3A_66, %add3A_182 : i32
        %mul3A_184 = arith.constant 2 : i32
        %mul3A_185 = arith.muli %mul3A_184, %add3A_183 : i32
        %add3A_186 = arith.constant 0 : i32
        %add3A_187 = arith.addi %mul3A_185, %add3A_186 : i32
        %dma_start3A_188 = arith.constant 0 : i32
        %dma_start3A_189 = tpu.memref_slice %arg7[%add3A_187, %dma_start3A_188] : memref<80x128xi32, #tpu.memory_space<vmem>> -> memref<1x64xi32, #tpu.memory_space<vmem>>
        %dma_start3A_190 = tpu.memref_squeeze %dma_start3A_189 : memref<1x64xi32, #tpu.memory_space<vmem>> -> memref<64xi32, #tpu.memory_space<vmem>>
        %dma_start3A_191 = arith.constant 0 : i32
        %dma_start3A_192 = arith.constant 0 : i32
        %dma_start3A_193 = tpu.memref_slice %arg2[%dma_start3A_191, %dma_start3A_192] : memref<10240x128xf32, #tpu.memory_space<hbm>> -> memref<10240x128xf32, #tpu.memory_space<hbm>>
        tpu.enqueue_indirect_dma source(%dma_start3A_193 : memref<10240x128xf32, #tpu.memory_space<hbm>>) target(%arg12 : memref<64x128xf32, #tpu.memory_space<vmem>>) offsets(%dma_start3A_190 : memref<64xi32, #tpu.memory_space<vmem>>) semaphore(%arg16 : memref<!tpu.dma_semaphore, #tpu.memory_space<semaphore_mem>>)
      } else {
      }
      %dma_wait3A_125 = arith.constant 0 : i32
      %dma_wait3A_126 = arith.constant 0 : i32
      %dma_wait3A_127 = tpu.memref_slice %arg7[%dma_wait3A_125, %dma_wait3A_126] : memref<80x128xi32, #tpu.memory_space<vmem>> -> memref<1x64xi32, #tpu.memory_space<vmem>>
      %dma_wait3A_128 = tpu.memref_squeeze %dma_wait3A_127 : memref<1x64xi32, #tpu.memory_space<vmem>> -> memref<64xi32, #tpu.memory_space<vmem>>
      %dma_wait3A_129 = arith.constant 0 : i32
      %dma_wait3A_130 = arith.constant 0 : i32
      %dma_wait3A_131 = tpu.memref_slice %arg2[%dma_wait3A_129, %dma_wait3A_130] : memref<10240x128xf32, #tpu.memory_space<hbm>> -> memref<10240x128xf32, #tpu.memory_space<hbm>>
      tpu.wait_indirect_dma semaphore(%arg18 : memref<!tpu.dma_semaphore, #tpu.memory_space<semaphore_mem>>) src(%dma_wait3A_131 : memref<10240x128xf32, #tpu.memory_space<hbm>>) dst(%arg14 : memref<64x128xf32, #tpu.memory_space<vmem>>)
      %dma_wait3A_132 = arith.constant 0 : i32
      %dma_wait3A_133 = tpu.memref_slice %arg4[%dma_wait3A_132] : memref<327680xi32, #tpu.memory_space<hbm>> -> memref<64xi32, #tpu.memory_space<hbm>>
      %dma_wait3A_134 = arith.constant 0 : i32
      %dma_wait3A_135 = tpu.memref_slice %arg4[%dma_wait3A_134] : memref<327680xi32, #tpu.memory_space<hbm>> -> memref<64xi32, #tpu.memory_space<hbm>>
      tpu.wait_dma2 semaphore(%arg26 : memref<!tpu.dma_semaphore, #tpu.memory_space<semaphore_mem>>) src(%dma_wait3A_135 : memref<64xi32, #tpu.memory_space<hbm>>) dst(%arg10 : memref<64xi32, #tpu.memory_space<vmem>>)
      %dma_start3A_136 = arith.constant 0 : i32
      %dma_start3A_137 = arith.constant 0 : i32
      %dma_start3A_138 = tpu.memref_slice %arg6[%dma_start3A_136, %dma_start3A_137] : memref<10240x128xf32, #tpu.memory_space<vmem_shared>> -> memref<10240x128xf32, #tpu.memory_space<vmem_shared>>
      tpu.enqueue_indirect_dma source(%arg14 : memref<64x128xf32, #tpu.memory_space<vmem>>) target(%dma_start3A_138 : memref<10240x128xf32, #tpu.memory_space<vmem_shared>>) offsets(%arg10 : memref<64xi32, #tpu.memory_space<vmem>>) semaphore(%arg22 : memref<!tpu.dma_semaphore, #tpu.memory_space<semaphore_mem>>) {add = true}
      %dma_wait3A_139 = arith.constant 0 : i32
      %dma_wait3A_140 = arith.constant 0 : i32
      %dma_wait3A_141 = tpu.memref_slice %arg6[%dma_wait3A_139, %dma_wait3A_140] : memref<10240x128xf32, #tpu.memory_space<vmem_shared>> -> memref<10240x128xf32, #tpu.memory_space<vmem_shared>>
      tpu.wait_indirect_dma semaphore(%arg21 : memref<!tpu.dma_semaphore, #tpu.memory_space<semaphore_mem>>) src(%arg13 : memref<64x128xf32, #tpu.memory_space<vmem>>) dst(%dma_wait3A_141 : memref<10240x128xf32, #tpu.memory_space<vmem_shared>>)
      %lt3A_142 = arith.constant 39 : i32
      %lt3A_143 = arith.cmpi slt, %scan3A_66, %lt3A_142 : i32
      %convert_element_type3A_144 = arith.extui %lt3A_143 : i1 to i32
      %cond3A_145 = arith.constant 0 : i32
      %cond3A_146 = arith.cmpi ne, %convert_element_type3A_144, %cond3A_145 : i32
      scf.if %cond3A_146 {
        %add3A_169 = arith.constant 1 : i32
        %add3A_170 = arith.addi %scan3A_66, %add3A_169 : i32
        %mul3A_171 = arith.constant 4 : i32
        %mul3A_172 = arith.muli %mul3A_171, %add3A_170 : i32
        %add3A_173 = arith.constant 1 : i32
        %add3A_174 = arith.addi %mul3A_172, %add3A_173 : i32
        %mul3A_175 = arith.constant 10240 : i32
        %mul3A_176 = arith.muli %add3A, %mul3A_175 : i32
        %mul3A_177 = arith.constant 64 : i32
        %mul3A_178 = arith.muli %add3A_174, %mul3A_177 : i32
        %add3A_179 = arith.addi %mul3A_176, %mul3A_178 : i32
        %dma_start3A_180 = tpu.memref_slice %arg4[%add3A_179] : memref<327680xi32, #tpu.memory_space<hbm>> -> memref<64xi32, #tpu.memory_space<hbm>>
        %dma_start3A_181 = tpu.memref_slice %arg4[%add3A_179] : memref<327680xi32, #tpu.memory_space<hbm>> -> memref<64xi32, #tpu.memory_space<hbm>>
        tpu.enqueue_dma source(%dma_start3A_181 : memref<64xi32, #tpu.memory_space<hbm>>) target(%arg9 : memref<64xi32, #tpu.memory_space<vmem>>) target_semaphore(%arg25 : memref<!tpu.dma_semaphore, #tpu.memory_space<semaphore_mem>>)
        %add3A_182 = arith.constant 1 : i32
        %add3A_183 = arith.addi %scan3A_66, %add3A_182 : i32
        %mul3A_184 = arith.constant 2 : i32
        %mul3A_185 = arith.muli %mul3A_184, %add3A_183 : i32
        %add3A_186 = arith.constant 0 : i32
        %add3A_187 = arith.addi %mul3A_185, %add3A_186 : i32
        %dma_start3A_188 = arith.constant 64 : i32
        %dma_start3A_189 = tpu.memref_slice %arg7[%add3A_187, %dma_start3A_188] : memref<80x128xi32, #tpu.memory_space<vmem>> -> memref<1x64xi32, #tpu.memory_space<vmem>>
        %dma_start3A_190 = tpu.memref_squeeze %dma_start3A_189 : memref<1x64xi32, #tpu.memory_space<vmem>> -> memref<64xi32, #tpu.memory_space<vmem>>
        %dma_start3A_191 = arith.constant 0 : i32
        %dma_start3A_192 = arith.constant 0 : i32
        %dma_start3A_193 = tpu.memref_slice %arg2[%dma_start3A_191, %dma_start3A_192] : memref<10240x128xf32, #tpu.memory_space<hbm>> -> memref<10240x128xf32, #tpu.memory_space<hbm>>
        tpu.enqueue_indirect_dma source(%dma_start3A_193 : memref<10240x128xf32, #tpu.memory_space<hbm>>) target(%arg13 : memref<64x128xf32, #tpu.memory_space<vmem>>) offsets(%dma_start3A_190 : memref<64xi32, #tpu.memory_space<vmem>>) semaphore(%arg17 : memref<!tpu.dma_semaphore, #tpu.memory_space<semaphore_mem>>)
      } else {
      }
      %dma_wait3A_147 = arith.constant 0 : i32
      %dma_wait3A_148 = arith.constant 0 : i32
      %dma_wait3A_149 = tpu.memref_slice %arg7[%dma_wait3A_147, %dma_wait3A_148] : memref<80x128xi32, #tpu.memory_space<vmem>> -> memref<1x64xi32, #tpu.memory_space<vmem>>
      %dma_wait3A_150 = tpu.memref_squeeze %dma_wait3A_149 : memref<1x64xi32, #tpu.memory_space<vmem>> -> memref<64xi32, #tpu.memory_space<vmem>>
      %dma_wait3A_151 = arith.constant 0 : i32
      %dma_wait3A_152 = arith.constant 0 : i32
      %dma_wait3A_153 = tpu.memref_slice %arg2[%dma_wait3A_151, %dma_wait3A_152] : memref<10240x128xf32, #tpu.memory_space<hbm>> -> memref<10240x128xf32, #tpu.memory_space<hbm>>
      tpu.wait_indirect_dma semaphore(%arg19 : memref<!tpu.dma_semaphore, #tpu.memory_space<semaphore_mem>>) src(%dma_wait3A_153 : memref<10240x128xf32, #tpu.memory_space<hbm>>) dst(%arg15 : memref<64x128xf32, #tpu.memory_space<vmem>>)
      %dma_wait3A_154 = arith.constant 0 : i32
      %dma_wait3A_155 = tpu.memref_slice %arg4[%dma_wait3A_154] : memref<327680xi32, #tpu.memory_space<hbm>> -> memref<64xi32, #tpu.memory_space<hbm>>
      %dma_wait3A_156 = arith.constant 0 : i32
      %dma_wait3A_157 = tpu.memref_slice %arg4[%dma_wait3A_156] : memref<327680xi32, #tpu.memory_space<hbm>> -> memref<64xi32, #tpu.memory_space<hbm>>
      tpu.wait_dma2 semaphore(%arg27 : memref<!tpu.dma_semaphore, #tpu.memory_space<semaphore_mem>>) src(%dma_wait3A_157 : memref<64xi32, #tpu.memory_space<hbm>>) dst(%arg11 : memref<64xi32, #tpu.memory_space<vmem>>)
      %dma_start3A_158 = arith.constant 0 : i32
      %dma_start3A_159 = arith.constant 0 : i32
      %dma_start3A_160 = tpu.memref_slice %arg6[%dma_start3A_158, %dma_start3A_159] : memref<10240x128xf32, #tpu.memory_space<vmem_shared>> -> memref<10240x128xf32, #tpu.memory_space<vmem_shared>>
      tpu.enqueue_indirect_dma source(%arg15 : memref<64x128xf32, #tpu.memory_space<vmem>>) target(%dma_start3A_160 : memref<10240x128xf32, #tpu.memory_space<vmem_shared>>) offsets(%arg11 : memref<64xi32, #tpu.memory_space<vmem>>) semaphore(%arg23 : memref<!tpu.dma_semaphore, #tpu.memory_space<semaphore_mem>>) {add = true}
      %dma_wait3A_161 = arith.constant 0 : i32
      %dma_wait3A_162 = arith.constant 0 : i32
      %dma_wait3A_163 = tpu.memref_slice %arg6[%dma_wait3A_161, %dma_wait3A_162] : memref<10240x128xf32, #tpu.memory_space<vmem_shared>> -> memref<10240x128xf32, #tpu.memory_space<vmem_shared>>
      tpu.wait_indirect_dma semaphore(%arg22 : memref<!tpu.dma_semaphore, #tpu.memory_space<semaphore_mem>>) src(%arg14 : memref<64x128xf32, #tpu.memory_space<vmem>>) dst(%dma_wait3A_163 : memref<10240x128xf32, #tpu.memory_space<vmem_shared>>)
      %lt3A_164 = arith.constant 39 : i32
      %lt3A_165 = arith.cmpi slt, %scan3A_66, %lt3A_164 : i32
      %convert_element_type3A_166 = arith.extui %lt3A_165 : i1 to i32
      %cond3A_167 = arith.constant 0 : i32
      %cond3A_168 = arith.cmpi ne, %convert_element_type3A_166, %cond3A_167 : i32
      scf.if %cond3A_168 {
        %add3A_169 = arith.constant 1 : i32
        %add3A_170 = arith.addi %scan3A_66, %add3A_169 : i32
        %mul3A_171 = arith.constant 4 : i32
        %mul3A_172 = arith.muli %mul3A_171, %add3A_170 : i32
        %add3A_173 = arith.constant 2 : i32
        %add3A_174 = arith.addi %mul3A_172, %add3A_173 : i32
        %mul3A_175 = arith.constant 10240 : i32
        %mul3A_176 = arith.muli %add3A, %mul3A_175 : i32
        %mul3A_177 = arith.constant 64 : i32
        %mul3A_178 = arith.muli %add3A_174, %mul3A_177 : i32
        %add3A_179 = arith.addi %mul3A_176, %mul3A_178 : i32
        %dma_start3A_180 = tpu.memref_slice %arg4[%add3A_179] : memref<327680xi32, #tpu.memory_space<hbm>> -> memref<64xi32, #tpu.memory_space<hbm>>
        %dma_start3A_181 = tpu.memref_slice %arg4[%add3A_179] : memref<327680xi32, #tpu.memory_space<hbm>> -> memref<64xi32, #tpu.memory_space<hbm>>
        tpu.enqueue_dma source(%dma_start3A_181 : memref<64xi32, #tpu.memory_space<hbm>>) target(%arg10 : memref<64xi32, #tpu.memory_space<vmem>>) target_semaphore(%arg26 : memref<!tpu.dma_semaphore, #tpu.memory_space<semaphore_mem>>)
        %add3A_182 = arith.constant 1 : i32
        %add3A_183 = arith.addi %scan3A_66, %add3A_182 : i32
        %mul3A_184 = arith.constant 2 : i32
        %mul3A_185 = arith.muli %mul3A_184, %add3A_183 : i32
        %add3A_186 = arith.constant 1 : i32
        %add3A_187 = arith.addi %mul3A_185, %add3A_186 : i32
        %dma_start3A_188 = arith.constant 0 : i32
        %dma_start3A_189 = tpu.memref_slice %arg7[%add3A_187, %dma_start3A_188] : memref<80x128xi32, #tpu.memory_space<vmem>> -> memref<1x64xi32, #tpu.memory_space<vmem>>
        %dma_start3A_190 = tpu.memref_squeeze %dma_start3A_189 : memref<1x64xi32, #tpu.memory_space<vmem>> -> memref<64xi32, #tpu.memory_space<vmem>>
        %dma_start3A_191 = arith.constant 0 : i32
        %dma_start3A_192 = arith.constant 0 : i32
        %dma_start3A_193 = tpu.memref_slice %arg2[%dma_start3A_191, %dma_start3A_192] : memref<10240x128xf32, #tpu.memory_space<hbm>> -> memref<10240x128xf32, #tpu.memory_space<hbm>>
        tpu.enqueue_indirect_dma source(%dma_start3A_193 : memref<10240x128xf32, #tpu.memory_space<hbm>>) target(%arg14 : memref<64x128xf32, #tpu.memory_space<vmem>>) offsets(%dma_start3A_190 : memref<64xi32, #tpu.memory_space<vmem>>) semaphore(%arg18 : memref<!tpu.dma_semaphore, #tpu.memory_space<semaphore_mem>>)
      } else {
      }
    }
    %scan3A_58 = arith.constant 40 : i32
    %dma_wait3A = arith.constant 0 : i32
    %dma_wait3A_59 = arith.constant 0 : i32
    %dma_wait3A_60 = tpu.memref_slice %arg6[%dma_wait3A, %dma_wait3A_59] : memref<10240x128xf32, #tpu.memory_space<vmem_shared>> -> memref<10240x128xf32, #tpu.memory_space<vmem_shared>>
    tpu.wait_indirect_dma semaphore(%arg23 : memref<!tpu.dma_semaphore, #tpu.memory_space<semaphore_mem>>) src(%arg15 : memref<64x128xf32, #tpu.memory_space<vmem>>) dst(%dma_wait3A_60 : memref<10240x128xf32, #tpu.memory_space<vmem_shared>>)
    %barrier3A_61 = arith.constant 0 : index
    tpu.barrier barrier_id(%barrier3A_61)
    %mul3A_62 = arith.constant 640 : i32
    %mul3A_63 = arith.muli %arg1, %mul3A_62 : i32
    %mul3A_64 = arith.constant 640 : i32
    %mul3A_65 = arith.muli %arg1, %mul3A_64 : i32
    "tpu.region"() ({
      %run_scoped3A = tpu.sem_alloc : memref<!tpu.dma_semaphore, #tpu.memory_space<semaphore_mem>>
      %dma_start3A_66 = arith.constant 0 : i32
      %dma_start3A_67 = tpu.memref_slice %arg5[%arg0, %mul3A_65, %dma_start3A_66] : memref<2x10240x128xf32, #tpu.memory_space<hbm>> -> memref<1x640x128xf32, #tpu.memory_space<hbm>>
      %dma_start3A_68 = tpu.memref_squeeze %dma_start3A_67 : memref<1x640x128xf32, #tpu.memory_space<hbm>> -> memref<640x128xf32, #tpu.memory_space<hbm>>
      %dma_start3A_69 = arith.constant 0 : i32
      %dma_start3A_70 = tpu.memref_slice %arg6[%mul3A_63, %dma_start3A_69] : memref<10240x128xf32, #tpu.memory_space<vmem_shared>> -> memref<640x128xf32, #tpu.memory_space<vmem_shared>>
      tpu.enqueue_dma source(%dma_start3A_70 : memref<640x128xf32, #tpu.memory_space<vmem_shared>>) target(%dma_start3A_68 : memref<640x128xf32, #tpu.memory_space<hbm>>) target_semaphore(%run_scoped3A : memref<!tpu.dma_semaphore, #tpu.memory_space<semaphore_mem>>)
      %dma_wait3A_71 = arith.constant 0 : i32
      %dma_wait3A_72 = tpu.memref_slice %arg5[%arg0, %mul3A_65, %dma_wait3A_71] : memref<2x10240x128xf32, #tpu.memory_space<hbm>> -> memref<1x640x128xf32, #tpu.memory_space<hbm>>
      %dma_wait3A_73 = tpu.memref_squeeze %dma_wait3A_72 : memref<1x640x128xf32, #tpu.memory_space<hbm>> -> memref<640x128xf32, #tpu.memory_space<hbm>>
      %dma_wait3A_74 = arith.constant 0 : i32
      %dma_wait3A_75 = tpu.memref_slice %arg6[%mul3A_63, %dma_wait3A_74] : memref<10240x128xf32, #tpu.memory_space<vmem_shared>> -> memref<640x128xf32, #tpu.memory_space<vmem_shared>>
      tpu.wait_dma2 semaphore(%run_scoped3A : memref<!tpu.dma_semaphore, #tpu.memory_space<semaphore_mem>>) src(%dma_wait3A_75 : memref<640x128xf32, #tpu.memory_space<vmem_shared>>) dst(%dma_wait3A_73 : memref<640x128xf32, #tpu.memory_space<hbm>>)
      tpu.yield
    }) : () -> ()
    return
  }
}

module attributes {stable_mosaic.version = 14 : i64} {
  func.func @_tc_scale_in(%arg0: i32, %arg1: memref<2048x128xf32, #tpu.memory_space<vmem>>, %arg2: memref<2048x32xf32, #tpu.memory_space<vmem>>, %arg3: memref<128x128xf32, #tpu.memory_space<vmem>>, %arg4: memref<2048x128xf32, #tpu.memory_space<vmem>>) attributes {dimension_semantics = [#tpu.dimension_semantics<arbitrary>], iteration_bounds = array<i64: 5>, scalar_prefetch = 0 : i64, scratch_operands = 0 : i64, tpu.core_type = #tpu.core_type<tc>, window_params = [{transform_indices = @transform_0, window_bounds = array<i64: 2048, 128>}, {transform_indices = @transform_1, window_bounds = array<i64: 2048, 32>}, {pipeline_mode = #tpu.pipeline_mode<synchronous>, transform_indices = @transform_2, window_bounds = array<i64: 128, 128>}, {transform_indices = @transform_3, window_bounds = array<i64: 2048, 128>}]} {
    %get3A = arith.constant 0 : index
    %get3A_0 = arith.constant 0 : index
    %get3A_1 = vector.load %arg1[%get3A, %get3A_0] : memref<2048x128xf32, #tpu.memory_space<vmem>>, vector<2048x128xf32>
    %get3A_2 = arith.constant 0 : index
    %get3A_3 = arith.constant 0 : index
    %get3A_4 = vector.load %arg3[%get3A_2, %get3A_3] : memref<128x128xf32, #tpu.memory_space<vmem>>, vector<128x128xf32>
    %dot_general3A = arith.constant dense<0.000000e+00> : vector<2048x128xf32>
    %dot_general3A_5 = tpu.matmul %get3A_1, %get3A_4, %dot_general3A {dimension_numbers = #tpu.dot_dimension_numbers<[1], [0], [0], [1], [0, 0, 1, 1], [], []>, transpose_lhs_hint = false} : vector<2048x128xf32>, vector<128x128xf32>, vector<2048x128xf32> -> vector<2048x128xf32>
    %get3A_6 = arith.constant 0 : index
    %get3A_7 = arith.constant 0 : index
    %get3A_8 = vector.load %arg2[%get3A_6, %get3A_7] : memref<2048x32xf32, #tpu.memory_space<vmem>>, vector<2048x32xf32>
    %reduce_sum3A = arith.constant dense<0.000000e+00> : vector<2048xf32>
    %reduce_sum3A_9 = vector.multi_reduction <add>, %get3A_8, %reduce_sum3A [1] : vector<2048x32xf32> to vector<2048xf32>
    %broadcast_in_dim3A = vector.shape_cast %reduce_sum3A_9 : vector<2048xf32> to vector<2048x1xf32>
    %add3A = arith.constant 1.000000e+00 : f32
    %add3A_10 = vector.broadcast %add3A : f32 to vector<2048x1xf32>
    %add3A_11 = arith.addf %broadcast_in_dim3A, %add3A_10 : vector<2048x1xf32>
    %rsqrt3A = math.rsqrt %add3A_11 : vector<2048x1xf32>
    %broadcast_in_dim3A_12 = vector.shape_cast %rsqrt3A : vector<2048x1xf32> to vector<2048x1xf32>
    %broadcast_in_dim3A_13 = vector.broadcast %broadcast_in_dim3A_12 : vector<2048x1xf32> to vector<2048x128xf32>
    %mul3A = arith.mulf %broadcast_in_dim3A_13, %dot_general3A_5 : vector<2048x128xf32>
    %swap3A = arith.constant 0 : index
    %swap3A_14 = arith.constant 0 : index
    %swap3A_15 = vector.load %arg4[%swap3A, %swap3A_14] : memref<2048x128xf32, #tpu.memory_space<vmem>>, vector<2048x128xf32>
    tpu.vector_store %arg4[%swap3A, %swap3A_14], %mul3A {strides = array<i32>} : memref<2048x128xf32, #tpu.memory_space<vmem>>, vector<2048x128xf32>,
    return
  }
  func.func @transform_0(%arg0: i32) -> (i32, i32) {
    %c0_i32 = arith.constant 0 : i32
    %c0_i32_0 = arith.constant 0 : i32
    return %arg0, %c0_i32 : i32, i32
  }
  func.func @transform_1(%arg0: i32) -> (i32, i32) {
    %c0_i32 = arith.constant 0 : i32
    %c0_i32_0 = arith.constant 0 : i32
    return %arg0, %c0_i32 : i32, i32
  }
  func.func @transform_2(%arg0: i32) -> (i32, i32) {
    %c0_i32 = arith.constant 0 : i32
    %c0_i32_0 = arith.constant 0 : i32
    %c0_i32_1 = arith.constant 0 : i32
    return %c0_i32, %c0_i32_0 : i32, i32
  }
  func.func @transform_3(%arg0: i32) -> (i32, i32) {
    %c0_i32 = arith.constant 0 : i32
    %c0_i32_0 = arith.constant 0 : i32
    return %arg0, %c0_i32 : i32, i32
  }
}

module attributes {stable_mosaic.version = 14 : i64} {
  func.func @_tc_combine_mm(%arg0: i32, %arg1: memref<2x2048x128xf32, #tpu.memory_space<vmem>>, %arg2: memref<2048x128xf32, #tpu.memory_space<vmem>>, %arg3: memref<2048x32xf32, #tpu.memory_space<vmem>>, %arg4: memref<1x128xf32, #tpu.memory_space<vmem>>, %arg5: memref<128x128xf32, #tpu.memory_space<vmem>>, %arg6: memref<2048x128xf32, #tpu.memory_space<vmem>>) attributes {dimension_semantics = [#tpu.dimension_semantics<arbitrary>], iteration_bounds = array<i64: 5>, scalar_prefetch = 0 : i64, scratch_operands = 0 : i64, tpu.core_type = #tpu.core_type<tc>, window_params = [{transform_indices = @transform_0, window_bounds = array<i64: 2, 2048, 128>}, {transform_indices = @transform_1, window_bounds = array<i64: 2048, 128>}, {transform_indices = @transform_2, window_bounds = array<i64: 2048, 32>}, {pipeline_mode = #tpu.pipeline_mode<synchronous>, transform_indices = @transform_3, window_bounds = array<i64: 1, 128>}, {pipeline_mode = #tpu.pipeline_mode<synchronous>, transform_indices = @transform_4, window_bounds = array<i64: 128, 128>}, {transform_indices = @transform_5, window_bounds = array<i64: 2048, 128>}]} {
    %get3A = arith.constant 0 : index
    %get3A_0 = arith.constant 0 : index
    %get3A_1 = vector.load %arg3[%get3A, %get3A_0] : memref<2048x32xf32, #tpu.memory_space<vmem>>, vector<2048x32xf32>
    %reduce_sum3A = arith.constant dense<0.000000e+00> : vector<2048xf32>
    %reduce_sum3A_2 = vector.multi_reduction <add>, %get3A_1, %reduce_sum3A [1] : vector<2048x32xf32> to vector<2048xf32>
    %broadcast_in_dim3A = vector.shape_cast %reduce_sum3A_2 : vector<2048xf32> to vector<2048x1xf32>
    %add3A = arith.constant 1.000000e+00 : f32
    %add3A_3 = vector.broadcast %add3A : f32 to vector<2048x1xf32>
    %add3A_4 = arith.addf %broadcast_in_dim3A, %add3A_3 : vector<2048x1xf32>
    %rsqrt3A = math.rsqrt %add3A_4 : vector<2048x1xf32>
    %broadcast_in_dim3A_5 = vector.shape_cast %rsqrt3A : vector<2048x1xf32> to vector<2048x1xf32>
    %broadcast_in_dim3A_6 = vector.broadcast %broadcast_in_dim3A_5 : vector<2048x1xf32> to vector<2048x128xf32>
    %get3A_7 = arith.constant 0 : index
    %get3A_8 = arith.constant 0 : index
    %get3A_9 = arith.constant 0 : index
    %get3A_10 = vector.load %arg1[%get3A_7, %get3A_8, %get3A_9] : memref<2x2048x128xf32, #tpu.memory_space<vmem>>, vector<1x2048x128xf32>
    %get3A_11 = vector.shape_cast %get3A_10 : vector<1x2048x128xf32> to vector<2048x128xf32>
    %get3A_12 = arith.constant 1 : index
    %get3A_13 = arith.constant 0 : index
    %get3A_14 = arith.constant 0 : index
    %get3A_15 = vector.load %arg1[%get3A_12, %get3A_13, %get3A_14] : memref<2x2048x128xf32, #tpu.memory_space<vmem>>, vector<1x2048x128xf32>
    %get3A_16 = vector.shape_cast %get3A_15 : vector<1x2048x128xf32> to vector<2048x128xf32>
    %add3A_17 = arith.addf %get3A_11, %get3A_16 : vector<2048x128xf32>
    %get3A_18 = arith.constant 0 : index
    %get3A_19 = arith.constant 0 : index
    %get3A_20 = vector.load %arg2[%get3A_18, %get3A_19] : memref<2048x128xf32, #tpu.memory_space<vmem>>, vector<2048x128xf32>
    %add3A_21 = arith.addf %add3A_17, %get3A_20 : vector<2048x128xf32>
    %mul3A = arith.mulf %broadcast_in_dim3A_6, %add3A_21 : vector<2048x128xf32>
    %get3A_22 = arith.constant 0 : index
    %get3A_23 = arith.constant 0 : index
    %get3A_24 = vector.load %arg4[%get3A_22, %get3A_23] : memref<1x128xf32, #tpu.memory_space<vmem>>, vector<1x128xf32>
    %add3A_25 = vector.broadcast %get3A_24 : vector<1x128xf32> to vector<2048x128xf32>
    %add3A_26 = arith.addf %mul3A, %add3A_25 : vector<2048x128xf32>
    %max3A = arith.constant 0.000000e+00 : f32
    %max3A_27 = vector.broadcast %max3A : f32 to vector<2048x128xf32>
    %max3A_28 = arith.maximumf %add3A_26, %max3A_27 : vector<2048x128xf32>
    %get3A_29 = arith.constant 0 : index
    %get3A_30 = arith.constant 0 : index
    %get3A_31 = vector.load %arg5[%get3A_29, %get3A_30] : memref<128x128xf32, #tpu.memory_space<vmem>>, vector<128x128xf32>
    %dot_general3A = arith.constant dense<0.000000e+00> : vector<2048x128xf32>
    %dot_general3A_32 = tpu.matmul %max3A_28, %get3A_31, %dot_general3A {dimension_numbers = #tpu.dot_dimension_numbers<[1], [0], [0], [1], [0, 0, 1, 1], [], []>, transpose_lhs_hint = false} : vector<2048x128xf32>, vector<128x128xf32>, vector<2048x128xf32> -> vector<2048x128xf32>
    %mul3A_33 = arith.mulf %broadcast_in_dim3A_6, %dot_general3A_32 : vector<2048x128xf32>
    %swap3A = arith.constant 0 : index
    %swap3A_34 = arith.constant 0 : index
    %swap3A_35 = vector.load %arg6[%swap3A, %swap3A_34] : memref<2048x128xf32, #tpu.memory_space<vmem>>, vector<2048x128xf32>
    tpu.vector_store %arg6[%swap3A, %swap3A_34], %mul3A_33 {strides = array<i32>} : memref<2048x128xf32, #tpu.memory_space<vmem>>, vector<2048x128xf32>,
    return
  }
  func.func @transform_0(%arg0: i32) -> (i32, i32, i32) {
    %c0_i32 = arith.constant 0 : i32
    %c0_i32_0 = arith.constant 0 : i32
    %c0_i32_1 = arith.constant 0 : i32
    return %c0_i32, %arg0, %c0_i32_0 : i32, i32, i32
  }
  func.func @transform_1(%arg0: i32) -> (i32, i32) {
    %c0_i32 = arith.constant 0 : i32
    %c0_i32_0 = arith.constant 0 : i32
    return %arg0, %c0_i32 : i32, i32
  }
  func.func @transform_2(%arg0: i32) -> (i32, i32) {
    %c0_i32 = arith.constant 0 : i32
    %c0_i32_0 = arith.constant 0 : i32
    return %arg0, %c0_i32 : i32, i32
  }
  func.func @transform_3(%arg0: i32) -> (i32, i32) {
    %c0_i32 = arith.constant 0 : i32
    %c0_i32_0 = arith.constant 0 : i32
    %c0_i32_1 = arith.constant 0 : i32
    return %c0_i32, %c0_i32_0 : i32, i32
  }
  func.func @transform_4(%arg0: i32) -> (i32, i32) {
    %c0_i32 = arith.constant 0 : i32
    %c0_i32_0 = arith.constant 0 : i32
    %c0_i32_1 = arith.constant 0 : i32
    return %c0_i32, %c0_i32_0 : i32, i32
  }
  func.func @transform_5(%arg0: i32) -> (i32, i32) {
    %c0_i32 = arith.constant 0 : i32
    %c0_i32_0 = arith.constant 0 : i32
    return %arg0, %c0_i32 : i32, i32
  }
}

module attributes {stable_mosaic.version = 14 : i64} {
  func.func @_tc_pool_head(%arg0: i32, %arg1: memref<2x2048x128xf32, #tpu.memory_space<vmem>>, %arg2: memref<2048x128xf32, #tpu.memory_space<vmem>>, %arg3: memref<2048x32xf32, #tpu.memory_space<vmem>>, %arg4: memref<1x128xf32, #tpu.memory_space<vmem>>, %arg5: memref<2048x64xi32, #tpu.memory_space<vmem>>, %arg6: memref<64x128xf32, #tpu.memory_space<vmem>>, %arg7: memref<128x128xf32, #tpu.memory_space<vmem>>, %arg8: memref<128x128xf32, #tpu.memory_space<vmem>>, %arg9: memref<1x128xf32, #tpu.memory_space<vmem>>, %arg10: memref<1x128xf32, #tpu.memory_space<vmem>>, %arg11: memref<1x128xf32, #tpu.memory_space<vmem>>, %arg12: memref<128x128xf32, #tpu.memory_space<vmem>>, %arg13: memref<1x128xf32, #tpu.memory_space<vmem>>, %arg14: memref<1x128xf32, #tpu.memory_space<vmem>>, %arg15: memref<1x128xf32, #tpu.memory_space<vmem>>, %arg16: memref<128x1024xf32, #tpu.memory_space<vmem>>, %arg17: memref<1x1024xf32, #tpu.memory_space<vmem>>, %arg18: memref<64x1024xf32, #tpu.memory_space<vmem>>, %arg19: memref<64x128xf32, #tpu.memory_space<vmem>>) attributes {dimension_semantics = [#tpu.dimension_semantics<arbitrary>], iteration_bounds = array<i64: 5>, scalar_prefetch = 0 : i64, scratch_operands = 1 : i64, tpu.core_type = #tpu.core_type<tc>, window_params = [{transform_indices = @transform_0, window_bounds = array<i64: 2, 2048, 128>}, {transform_indices = @transform_1, window_bounds = array<i64: 2048, 128>}, {transform_indices = @transform_2, window_bounds = array<i64: 2048, 32>}, {pipeline_mode = #tpu.pipeline_mode<synchronous>, transform_indices = @transform_3, window_bounds = array<i64: 1, 128>}, {transform_indices = @transform_4, window_bounds = array<i64: 2048, 64>}, {pipeline_mode = #tpu.pipeline_mode<synchronous>, transform_indices = @transform_5, window_bounds = array<i64: 64, 128>}, {pipeline_mode = #tpu.pipeline_mode<synchronous>, transform_indices = @transform_6, window_bounds = array<i64: 128, 128>}, {pipeline_mode = #tpu.pipeline_mode<synchronous>, transform_indices = @transform_7, window_bounds = array<i64: 128, 128>}, {pipeline_mode = #tpu.pipeline_mode<synchronous>, transform_indices = @transform_8, window_bounds = array<i64: 1, 128>}, {pipeline_mode = #tpu.pipeline_mode<synchronous>, transform_indices = @transform_9, window_bounds = array<i64: 1, 128>}, {pipeline_mode = #tpu.pipeline_mode<synchronous>, transform_indices = @transform_10, window_bounds = array<i64: 1, 128>}, {pipeline_mode = #tpu.pipeline_mode<synchronous>, transform_indices = @transform_11, window_bounds = array<i64: 128, 128>}, {pipeline_mode = #tpu.pipeline_mode<synchronous>, transform_indices = @transform_12, window_bounds = array<i64: 1, 128>}, {pipeline_mode = #tpu.pipeline_mode<synchronous>, transform_indices = @transform_13, window_bounds = array<i64: 1, 128>}, {pipeline_mode = #tpu.pipeline_mode<synchronous>, transform_indices = @transform_14, window_bounds = array<i64: 1, 128>}, {pipeline_mode = #tpu.pipeline_mode<synchronous>, transform_indices = @transform_15, window_bounds = array<i64: 128, 1024>}, {pipeline_mode = #tpu.pipeline_mode<synchronous>, transform_indices = @transform_16, window_bounds = array<i64: 1, 1024>}, {pipeline_mode = #tpu.pipeline_mode<synchronous>, transform_indices = @transform_17, window_bounds = array<i64: 64, 1024>}]} {
    %get3A = arith.constant 0 : index
    %get3A_0 = arith.constant 0 : index
    %get3A_1 = vector.load %arg3[%get3A, %get3A_0] : memref<2048x32xf32, #tpu.memory_space<vmem>>, vector<2048x32xf32>
    %reduce_sum3A = arith.constant dense<0.000000e+00> : vector<2048xf32>
    %reduce_sum3A_2 = vector.multi_reduction <add>, %get3A_1, %reduce_sum3A [1] : vector<2048x32xf32> to vector<2048xf32>
    %broadcast_in_dim3A = vector.shape_cast %reduce_sum3A_2 : vector<2048xf32> to vector<2048x1xf32>
    %add3A = arith.constant 1.000000e+00 : f32
    %add3A_3 = vector.broadcast %add3A : f32 to vector<2048x1xf32>
    %add3A_4 = arith.addf %broadcast_in_dim3A, %add3A_3 : vector<2048x1xf32>
    %rsqrt3A = math.rsqrt %add3A_4 : vector<2048x1xf32>
    %broadcast_in_dim3A_5 = vector.shape_cast %rsqrt3A : vector<2048x1xf32> to vector<2048x1xf32>
    %broadcast_in_dim3A_6 = vector.broadcast %broadcast_in_dim3A_5 : vector<2048x1xf32> to vector<2048x128xf32>
    %get3A_7 = arith.constant 0 : index
    %get3A_8 = arith.constant 0 : index
    %get3A_9 = arith.constant 0 : index
    %get3A_10 = vector.load %arg1[%get3A_7, %get3A_8, %get3A_9] : memref<2x2048x128xf32, #tpu.memory_space<vmem>>, vector<1x2048x128xf32>
    %get3A_11 = vector.shape_cast %get3A_10 : vector<1x2048x128xf32> to vector<2048x128xf32>
    %get3A_12 = arith.constant 1 : index
    %get3A_13 = arith.constant 0 : index
    %get3A_14 = arith.constant 0 : index
    %get3A_15 = vector.load %arg1[%get3A_12, %get3A_13, %get3A_14] : memref<2x2048x128xf32, #tpu.memory_space<vmem>>, vector<1x2048x128xf32>
    %get3A_16 = vector.shape_cast %get3A_15 : vector<1x2048x128xf32> to vector<2048x128xf32>
    %add3A_17 = arith.addf %get3A_11, %get3A_16 : vector<2048x128xf32>
    %get3A_18 = arith.constant 0 : index
    %get3A_19 = arith.constant 0 : index
    %get3A_20 = vector.load %arg2[%get3A_18, %get3A_19] : memref<2048x128xf32, #tpu.memory_space<vmem>>, vector<2048x128xf32>
    %add3A_21 = arith.addf %add3A_17, %get3A_20 : vector<2048x128xf32>
    %mul3A = arith.mulf %broadcast_in_dim3A_6, %add3A_21 : vector<2048x128xf32>
    %get3A_22 = arith.constant 0 : index
    %get3A_23 = arith.constant 0 : index
    %get3A_24 = vector.load %arg4[%get3A_22, %get3A_23] : memref<1x128xf32, #tpu.memory_space<vmem>>, vector<1x128xf32>
    %add3A_25 = vector.broadcast %get3A_24 : vector<1x128xf32> to vector<2048x128xf32>
    %add3A_26 = arith.addf %mul3A, %add3A_25 : vector<2048x128xf32>
    %max3A = arith.constant 0.000000e+00 : f32
    %max3A_27 = vector.broadcast %max3A : f32 to vector<2048x128xf32>
    %max3A_28 = arith.maximumf %add3A_26, %max3A_27 : vector<2048x128xf32>
    %get3A_29 = arith.constant 0 : index
    %get3A_30 = arith.constant 0 : index
    %get3A_31 = vector.load %arg5[%get3A_29, %get3A_30] : memref<2048x64xi32, #tpu.memory_space<vmem>>, vector<2048x64xi32>
    %iota3A = tpu.iota {dimensions = array<i32: 1>} : vector<2048x64xi32>
    %eq3A = arith.cmpi eq, %get3A_31, %iota3A : vector<2048x64xi32>
    %convert_element_type3A = arith.extui %eq3A : vector<2048x64xi1> to vector<2048x64xi32>
    %convert_element_type3A_32 = arith.sitofp %convert_element_type3A : vector<2048x64xi32> to vector<2048x64xf32>
    %dot_general3A = arith.constant dense<0.000000e+00> : vector<64x128xf32>
    %dot_general3A_33 = tpu.matmul %convert_element_type3A_32, %max3A_28, %dot_general3A {dimension_numbers = #tpu.dot_dimension_numbers<[0], [0], [1], [1], [0, 1, 1, 1], [], []>, transpose_lhs_hint = false} : vector<2048x64xf32>, vector<2048x128xf32>, vector<64x128xf32> -> vector<64x128xf32>
    %eq3A_34 = arith.constant 0 : i32
    %eq3A_35 = arith.cmpi eq, %arg0, %eq3A_34 : i32
    %convert_element_type3A_36 = arith.extui %eq3A_35 : i1 to i32
    %cond3A = arith.constant 0 : i32
    %cond3A_37 = arith.cmpi ne, %convert_element_type3A_36, %cond3A : i32
    scf.if %cond3A_37 {
      %broadcast_in_dim3A_49 = arith.constant 0.000000e+00 : f32
      %broadcast_in_dim3A_50 = vector.broadcast %broadcast_in_dim3A_49 : f32 to vector<64x128xf32>
      %swap3A_51 = arith.constant 0 : index
      %swap3A_52 = arith.constant 0 : index
      %swap3A_53 = vector.load %arg19[%swap3A_51, %swap3A_52] : memref<64x128xf32, #tpu.memory_space<vmem>>, vector<64x128xf32>
      tpu.vector_store %arg19[%swap3A_51, %swap3A_52], %broadcast_in_dim3A_50 {strides = array<i32>} : memref<64x128xf32, #tpu.memory_space<vmem>>, vector<64x128xf32>,
    } else {
    }
    %get3A_38 = arith.constant 0 : index
    %get3A_39 = arith.constant 0 : index
    %get3A_40 = vector.load %arg19[%get3A_38, %get3A_39] : memref<64x128xf32, #tpu.memory_space<vmem>>, vector<64x128xf32>
    %add3A_41 = arith.addf %get3A_40, %dot_general3A_33 : vector<64x128xf32>
    %swap3A = arith.constant 0 : index
    %swap3A_42 = arith.constant 0 : index
    %swap3A_43 = vector.load %arg19[%swap3A, %swap3A_42] : memref<64x128xf32, #tpu.memory_space<vmem>>, vector<64x128xf32>
    tpu.vector_store %arg19[%swap3A, %swap3A_42], %add3A_41 {strides = array<i32>} : memref<64x128xf32, #tpu.memory_space<vmem>>, vector<64x128xf32>,
    %eq3A_44 = arith.constant 4 : i32
    %eq3A_45 = arith.cmpi eq, %arg0, %eq3A_44 : i32
    %convert_element_type3A_46 = arith.extui %eq3A_45 : i1 to i32
    %cond3A_47 = arith.constant 0 : i32
    %cond3A_48 = arith.cmpi ne, %convert_element_type3A_46, %cond3A_47 : i32
    scf.if %cond3A_48 {
      %get3A_49 = arith.constant 0 : index
      %get3A_50 = arith.constant 0 : index
      %get3A_51 = vector.load %arg19[%get3A_49, %get3A_50] : memref<64x128xf32, #tpu.memory_space<vmem>>, vector<64x128xf32>
      %get3A_52 = arith.constant 0 : index
      %get3A_53 = arith.constant 0 : index
      %get3A_54 = vector.load %arg7[%get3A_52, %get3A_53] : memref<128x128xf32, #tpu.memory_space<vmem>>, vector<128x128xf32>
      %dot_general3A_55 = arith.constant dense<0.000000e+00> : vector<64x128xf32>
      %dot_general3A_56 = tpu.matmul %get3A_51, %get3A_54, %dot_general3A_55 {dimension_numbers = #tpu.dot_dimension_numbers<[1], [0], [0], [1], [0, 0, 1, 1], [], []>, transpose_lhs_hint = false} : vector<64x128xf32>, vector<128x128xf32>, vector<64x128xf32> -> vector<64x128xf32>
      %get3A_57 = arith.constant 0 : index
      %get3A_58 = arith.constant 0 : index
      %get3A_59 = vector.load %arg6[%get3A_57, %get3A_58] : memref<64x128xf32, #tpu.memory_space<vmem>>, vector<64x128xf32>
      %get3A_60 = arith.constant 0 : index
      %get3A_61 = arith.constant 0 : index
      %get3A_62 = vector.load %arg8[%get3A_60, %get3A_61] : memref<128x128xf32, #tpu.memory_space<vmem>>, vector<128x128xf32>
      %dot_general3A_63 = arith.constant dense<0.000000e+00> : vector<64x128xf32>
      %dot_general3A_64 = tpu.matmul %get3A_59, %get3A_62, %dot_general3A_63 {dimension_numbers = #tpu.dot_dimension_numbers<[1], [0], [0], [1], [0, 0, 1, 1], [], []>, transpose_lhs_hint = false} : vector<64x128xf32>, vector<128x128xf32>, vector<64x128xf32> -> vector<64x128xf32>
      %add3A_65 = arith.addf %dot_general3A_56, %dot_general3A_64 : vector<64x128xf32>
      %get3A_66 = arith.constant 0 : index
      %get3A_67 = arith.constant 0 : index
      %get3A_68 = vector.load %arg9[%get3A_66, %get3A_67] : memref<1x128xf32, #tpu.memory_space<vmem>>, vector<1x128xf32>
      %add3A_69 = vector.broadcast %get3A_68 : vector<1x128xf32> to vector<64x128xf32>
      %add3A_70 = arith.addf %add3A_65, %add3A_69 : vector<64x128xf32>
      %get3A_71 = arith.constant 0 : index
      %get3A_72 = arith.constant 0 : index
      %get3A_73 = vector.load %arg10[%get3A_71, %get3A_72] : memref<1x128xf32, #tpu.memory_space<vmem>>, vector<1x128xf32>
      %get3A_74 = arith.constant 0 : index
      %get3A_75 = arith.constant 0 : index
      %get3A_76 = vector.load %arg11[%get3A_74, %get3A_75] : memref<1x128xf32, #tpu.memory_space<vmem>>, vector<1x128xf32>
      %reduce_sum3A_77 = arith.constant dense<0.000000e+00> : vector<64xf32>
      %reduce_sum3A_78 = vector.multi_reduction <add>, %add3A_70, %reduce_sum3A_77 [1] : vector<64x128xf32> to vector<64xf32>
      %broadcast_in_dim3A_79 = vector.shape_cast %reduce_sum3A_78 : vector<64xf32> to vector<64x1xf32>
      %div3A = arith.constant 1.280000e+02 : f32
      %div3A_80 = vector.broadcast %div3A : f32 to vector<64x1xf32>
      %div3A_81 = arith.divf %broadcast_in_dim3A_79, %div3A_80 : vector<64x1xf32>
      %sub3A = vector.broadcast %div3A_81 : vector<64x1xf32> to vector<64x128xf32>
      %sub3A_82 = arith.subf %add3A_70, %sub3A : vector<64x128xf32>
      %integer_pow3A = arith.mulf %sub3A_82, %sub3A_82 : vector<64x128xf32>
      %reduce_sum3A_83 = arith.constant dense<0.000000e+00> : vector<64xf32>
      %reduce_sum3A_84 = vector.multi_reduction <add>, %integer_pow3A, %reduce_sum3A_83 [1] : vector<64x128xf32> to vector<64xf32>
      %broadcast_in_dim3A_85 = vector.shape_cast %reduce_sum3A_84 : vector<64xf32> to vector<64x1xf32>
      %div3A_86 = arith.constant 1.280000e+02 : f32
      %div3A_87 = vector.broadcast %div3A_86 : f32 to vector<64x1xf32>
      %div3A_88 = arith.divf %broadcast_in_dim3A_85, %div3A_87 : vector<64x1xf32>
      %sub3A_89 = vector.broadcast %div3A_81 : vector<64x1xf32> to vector<64x128xf32>
      %sub3A_90 = arith.subf %add3A_70, %sub3A_89 : vector<64x128xf32>
      %add3A_91 = arith.constant 9.99999974E-6 : f32
      %add3A_92 = vector.broadcast %add3A_91 : f32 to vector<64x1xf32>
      %add3A_93 = arith.addf %div3A_88, %add3A_92 : vector<64x1xf32>
      %sqrt3A = math.sqrt %add3A_93 : vector<64x1xf32>
      %div3A_94 = vector.broadcast %sqrt3A : vector<64x1xf32> to vector<64x128xf32>
      %div3A_95 = arith.divf %sub3A_90, %div3A_94 : vector<64x128xf32>
      %mul3A_96 = vector.broadcast %get3A_73 : vector<1x128xf32> to vector<64x128xf32>
      %mul3A_97 = arith.mulf %div3A_95, %mul3A_96 : vector<64x128xf32>
      %add3A_98 = vector.broadcast %get3A_76 : vector<1x128xf32> to vector<64x128xf32>
      %add3A_99 = arith.addf %mul3A_97, %add3A_98 : vector<64x128xf32>
      %max3A_100 = arith.constant 0.000000e+00 : f32
      %max3A_101 = vector.broadcast %max3A_100 : f32 to vector<64x128xf32>
      %max3A_102 = arith.maximumf %add3A_99, %max3A_101 : vector<64x128xf32>
      %get3A_103 = arith.constant 0 : index
      %get3A_104 = arith.constant 0 : index
      %get3A_105 = vector.load %arg12[%get3A_103, %get3A_104] : memref<128x128xf32, #tpu.memory_space<vmem>>, vector<128x128xf32>
      %dot_general3A_106 = arith.constant dense<0.000000e+00> : vector<64x128xf32>
      %dot_general3A_107 = tpu.matmul %max3A_102, %get3A_105, %dot_general3A_106 {dimension_numbers = #tpu.dot_dimension_numbers<[1], [0], [0], [1], [0, 0, 1, 1], [], []>, transpose_lhs_hint = false} : vector<64x128xf32>, vector<128x128xf32>, vector<64x128xf32> -> vector<64x128xf32>
      %get3A_108 = arith.constant 0 : index
      %get3A_109 = arith.constant 0 : index
      %get3A_110 = vector.load %arg13[%get3A_108, %get3A_109] : memref<1x128xf32, #tpu.memory_space<vmem>>, vector<1x128xf32>
      %add3A_111 = vector.broadcast %get3A_110 : vector<1x128xf32> to vector<64x128xf32>
      %add3A_112 = arith.addf %dot_general3A_107, %add3A_111 : vector<64x128xf32>
      %max3A_113 = arith.constant 0.000000e+00 : f32
      %max3A_114 = vector.broadcast %max3A_113 : f32 to vector<64x128xf32>
      %max3A_115 = arith.maximumf %add3A_112, %max3A_114 : vector<64x128xf32>
      %get3A_116 = arith.constant 0 : index
      %get3A_117 = arith.constant 0 : index
      %get3A_118 = vector.load %arg14[%get3A_116, %get3A_117] : memref<1x128xf32, #tpu.memory_space<vmem>>, vector<1x128xf32>
      %get3A_119 = arith.constant 0 : index
      %get3A_120 = arith.constant 0 : index
      %get3A_121 = vector.load %arg15[%get3A_119, %get3A_120] : memref<1x128xf32, #tpu.memory_space<vmem>>, vector<1x128xf32>
      %reduce_sum3A_122 = arith.constant dense<0.000000e+00> : vector<64xf32>
      %reduce_sum3A_123 = vector.multi_reduction <add>, %max3A_115, %reduce_sum3A_122 [1] : vector<64x128xf32> to vector<64xf32>
      %broadcast_in_dim3A_124 = vector.shape_cast %reduce_sum3A_123 : vector<64xf32> to vector<64x1xf32>
      %div3A_125 = arith.constant 1.280000e+02 : f32
      %div3A_126 = vector.broadcast %div3A_125 : f32 to vector<64x1xf32>
      %div3A_127 = arith.divf %broadcast_in_dim3A_124, %div3A_126 : vector<64x1xf32>
      %sub3A_128 = vector.broadcast %div3A_127 : vector<64x1xf32> to vector<64x128xf32>
      %sub3A_129 = arith.subf %max3A_115, %sub3A_128 : vector<64x128xf32>
      %integer_pow3A_130 = arith.mulf %sub3A_129, %sub3A_129 : vector<64x128xf32>
      %reduce_sum3A_131 = arith.constant dense<0.000000e+00> : vector<64xf32>
      %reduce_sum3A_132 = vector.multi_reduction <add>, %integer_pow3A_130, %reduce_sum3A_131 [1] : vector<64x128xf32> to vector<64xf32>
      %broadcast_in_dim3A_133 = vector.shape_cast %reduce_sum3A_132 : vector<64xf32> to vector<64x1xf32>
      %div3A_134 = arith.constant 1.280000e+02 : f32
      %div3A_135 = vector.broadcast %div3A_134 : f32 to vector<64x1xf32>
      %div3A_136 = arith.divf %broadcast_in_dim3A_133, %div3A_135 : vector<64x1xf32>
      %sub3A_137 = vector.broadcast %div3A_127 : vector<64x1xf32> to vector<64x128xf32>
      %sub3A_138 = arith.subf %max3A_115, %sub3A_137 : vector<64x128xf32>
      %add3A_139 = arith.constant 9.99999974E-6 : f32
      %add3A_140 = vector.broadcast %add3A_139 : f32 to vector<64x1xf32>
      %add3A_141 = arith.addf %div3A_136, %add3A_140 : vector<64x1xf32>
      %sqrt3A_142 = math.sqrt %add3A_141 : vector<64x1xf32>
      %div3A_143 = vector.broadcast %sqrt3A_142 : vector<64x1xf32> to vector<64x128xf32>
      %div3A_144 = arith.divf %sub3A_138, %div3A_143 : vector<64x128xf32>
      %mul3A_145 = vector.broadcast %get3A_118 : vector<1x128xf32> to vector<64x128xf32>
      %mul3A_146 = arith.mulf %div3A_144, %mul3A_145 : vector<64x128xf32>
      %add3A_147 = vector.broadcast %get3A_121 : vector<1x128xf32> to vector<64x128xf32>
      %add3A_148 = arith.addf %mul3A_146, %add3A_147 : vector<64x128xf32>
      %get3A_149 = arith.constant 0 : index
      %get3A_150 = arith.constant 0 : index
      %get3A_151 = vector.load %arg16[%get3A_149, %get3A_150] : memref<128x1024xf32, #tpu.memory_space<vmem>>, vector<128x1024xf32>
      %dot_general3A_152 = arith.constant dense<0.000000e+00> : vector<64x1024xf32>
      %dot_general3A_153 = tpu.matmul %add3A_148, %get3A_151, %dot_general3A_152 {dimension_numbers = #tpu.dot_dimension_numbers<[1], [0], [0], [1], [0, 0, 1, 1], [], []>, transpose_lhs_hint = false} : vector<64x128xf32>, vector<128x1024xf32>, vector<64x1024xf32> -> vector<64x1024xf32>
      %get3A_154 = arith.constant 0 : index
      %get3A_155 = arith.constant 0 : index
      %get3A_156 = vector.load %arg17[%get3A_154, %get3A_155] : memref<1x1024xf32, #tpu.memory_space<vmem>>, vector<1x1024xf32>
      %add3A_157 = vector.broadcast %get3A_156 : vector<1x1024xf32> to vector<64x1024xf32>
      %add3A_158 = arith.addf %dot_general3A_153, %add3A_157 : vector<64x1024xf32>
      %swap3A_159 = arith.constant 0 : index
      %swap3A_160 = arith.constant 0 : index
      %swap3A_161 = vector.load %arg18[%swap3A_159, %swap3A_160] : memref<64x1024xf32, #tpu.memory_space<vmem>>, vector<64x1024xf32>
      tpu.vector_store %arg18[%swap3A_159, %swap3A_160], %add3A_158 {strides = array<i32>} : memref<64x1024xf32, #tpu.memory_space<vmem>>, vector<64x1024xf32>,
    } else {
    }
    return
  }
  func.func @transform_0(%arg0: i32) -> (i32, i32, i32) {
    %c0_i32 = arith.constant 0 : i32
    %c0_i32_0 = arith.constant 0 : i32
    %c0_i32_1 = arith.constant 0 : i32
    return %c0_i32, %arg0, %c0_i32_0 : i32, i32, i32
  }
  func.func @transform_1(%arg0: i32) -> (i32, i32) {
    %c0_i32 = arith.constant 0 : i32
    %c0_i32_0 = arith.constant 0 : i32
    return %arg0, %c0_i32 : i32, i32
  }
  func.func @transform_2(%arg0: i32) -> (i32, i32) {
    %c0_i32 = arith.constant 0 : i32
    %c0_i32_0 = arith.constant 0 : i32
    return %arg0, %c0_i32 : i32, i32
  }
  func.func @transform_3(%arg0: i32) -> (i32, i32) {
    %c0_i32 = arith.constant 0 : i32
    %c0_i32_0 = arith.constant 0 : i32
    %c0_i32_1 = arith.constant 0 : i32
    return %c0_i32, %c0_i32_0 : i32, i32
  }
  func.func @transform_4(%arg0: i32) -> (i32, i32) {
    %c0_i32 = arith.constant 0 : i32
    %c0_i32_0 = arith.constant 0 : i32
    return %arg0, %c0_i32 : i32, i32
  }
  func.func @transform_5(%arg0: i32) -> (i32, i32) {
    %c0_i32 = arith.constant 0 : i32
    %c0_i32_0 = arith.constant 0 : i32
    %c0_i32_1 = arith.constant 0 : i32
    return %c0_i32, %c0_i32_0 : i32, i32
  }
  func.func @transform_6(%arg0: i32) -> (i32, i32) {
    %c0_i32 = arith.constant 0 : i32
    %c0_i32_0 = arith.constant 0 : i32
    %c0_i32_1 = arith.constant 0 : i32
    return %c0_i32, %c0_i32_0 : i32, i32
  }
  func.func @transform_7(%arg0: i32) -> (i32, i32) {
    %c0_i32 = arith.constant 0 : i32
    %c0_i32_0 = arith.constant 0 : i32
    %c0_i32_1 = arith.constant 0 : i32
    return %c0_i32, %c0_i32_0 : i32, i32
  }
  func.func @transform_8(%arg0: i32) -> (i32, i32) {
    %c0_i32 = arith.constant 0 : i32
    %c0_i32_0 = arith.constant 0 : i32
    %c0_i32_1 = arith.constant 0 : i32
    return %c0_i32, %c0_i32_0 : i32, i32
  }
  func.func @transform_9(%arg0: i32) -> (i32, i32) {
    %c0_i32 = arith.constant 0 : i32
    %c0_i32_0 = arith.constant 0 : i32
    %c0_i32_1 = arith.constant 0 : i32
    return %c0_i32, %c0_i32_0 : i32, i32
  }
  func.func @transform_10(%arg0: i32) -> (i32, i32) {
    %c0_i32 = arith.constant 0 : i32
    %c0_i32_0 = arith.constant 0 : i32
    %c0_i32_1 = arith.constant 0 : i32
    return %c0_i32, %c0_i32_0 : i32, i32
  }
  func.func @transform_11(%arg0: i32) -> (i32, i32) {
    %c0_i32 = arith.constant 0 : i32
    %c0_i32_0 = arith.constant 0 : i32
    %c0_i32_1 = arith.constant 0 : i32
    return %c0_i32, %c0_i32_0 : i32, i32
  }
  func.func @transform_12(%arg0: i32) -> (i32, i32) {
    %c0_i32 = arith.constant 0 : i32
    %c0_i32_0 = arith.constant 0 : i32
    %c0_i32_1 = arith.constant 0 : i32
    return %c0_i32, %c0_i32_0 : i32, i32
  }
  func.func @transform_13(%arg0: i32) -> (i32, i32) {
    %c0_i32 = arith.constant 0 : i32
    %c0_i32_0 = arith.constant 0 : i32
    %c0_i32_1 = arith.constant 0 : i32
    return %c0_i32, %c0_i32_0 : i32, i32
  }
  func.func @transform_14(%arg0: i32) -> (i32, i32) {
    %c0_i32 = arith.constant 0 : i32
    %c0_i32_0 = arith.constant 0 : i32
    %c0_i32_1 = arith.constant 0 : i32
    return %c0_i32, %c0_i32_0 : i32, i32
  }
  func.func @transform_15(%arg0: i32) -> (i32, i32) {
    %c0_i32 = arith.constant 0 : i32
    %c0_i32_0 = arith.constant 0 : i32
    %c0_i32_1 = arith.constant 0 : i32
    return %c0_i32, %c0_i32_0 : i32, i32
  }
  func.func @transform_16(%arg0: i32) -> (i32, i32) {
    %c0_i32 = arith.constant 0 : i32
    %c0_i32_0 = arith.constant 0 : i32
    %c0_i32_1 = arith.constant 0 : i32
    return %c0_i32, %c0_i32_0 : i32, i32
  }
  func.func @transform_17(%arg0: i32) -> (i32, i32) {
    %c0_i32 = arith.constant 0 : i32
    %c0_i32_0 = arith.constant 0 : i32
    %c0_i32_1 = arith.constant 0 : i32
    return %c0_i32, %c0_i32_0 : i32, i32
  }
}

</mosaic_0001>

<sc_bundles>
// kernel: kernel.11.cloned.1.call-start
scs
__scs_entry_jumppad:
0x0: {  	(pc) =	sbr.rel $0x88, $3  }
0x1: {  	(tag) =	ssettag $0x0;
	lr =	simm.s32 $0x1  }
0x2: {  	[smem:$0x3F8E] =	sst lr;
	_ =	strace $0xD0000000  }
0x3: {  	_ = 	snop  }
0x4: {  	_ = 	snop  }
0x5: {  	_ = 	snop  }
0x6: {  	_ = 	snop  }
0x7: {  	_ = 	snop  }
__scs_overlays_trampoline_lowered:
0x8: {  	[smem:$0x3F9D] =	sst s0  }
0x9: {  	[smem:$0x3F9E] =	sst s1  }
0xa: {  	[smem:$0x3F9F] =	sst s2  }
0xb: {  	[smem:$0x3FA0] =	sst s3  }
0xc: {  	[smem:$0x3FA1] =	sst s4  }
0xd: {  	[smem:$0x3FA2] =	sst s5  }
0xe: {  	[smem:$0x3FA3] =	sst s6  }
0xf: {  	[smem:$0x3FA4] =	sst s7  }
0x10: {  	[smem:$0x3FA5] =	sst s8  }
0x11: {  	[smem:$0x3FA6] =	sst s9;
	s0 =	simm.s32 @!p0 $0x0  }
0x12: {  	s1 =	sld [smem:$0x3F8C];
	s0 =	simm.s32 @p0 $0x1  }
0x13: {  	[smem:$0x3FA7] =	sst s0;
	s0 =	simm.s32 @!p1 $0x0  }
0x14: {  	s2 =	sld [smem:$0x3F8B];
	s0 =	simm.s32 @p1 $0x1  }
0x15: {  	[smem:$0x3FA8] =	sst s0;
	s0 =	simm.s32 @!p2 $0x0  }
0x16: {  	s3 =	sld [smem:$0x3FDB];
	s0 =	simm.s32 @p2 $0x1  }
0x17: {  	s4 =	simm.s32 $0x1BF5;
	[smem:$0x3FAA] =	sst s0  }
0x18: {  	s0 =	sld [smem:$0x3F8D];
	_ =	swait.ge [sflag:s4], $0x0  }
0x19: {  	s7 =	sld [smem:$0x3F8E]  }
0x1a: {  	s8 =	sadd.s32 $0xFFFFE003, lr  }
0x1b: {  	s9 =	sadd.s32 $0xFFFFFEF7, lr;
	s5 =	simm.s32 $0xFFFFFFFF;
	p2 =	slt.u32 s8, $0xFFFFF086  }
0x1c: {  	p1 =	slt.u32 s9, $0xF7A;
	s5 =	simm.s32 @!p2 $0x0  }
0x1d: {  	s5 =	simm.s32 @p1 $0x1;
	p0 =	seq.s32 s7, s2  }
0x1e: {  	s7 =	smul.u32 @!p0 $0xF7A, s2;
	p2 =	seq.s32 @!p0 s5, $0x0  }
0x1f: {  	s9 =	smul.u32 $0xF7A, s1;
	s8 =	simm.s32 @!p0 $0x1BF5;
	p2 =	por !p2, p0  }
0x20: {  	[sflag:s8] =	ssyncset.s32 @!p0 $0xFFFFF086;
	s6 =	sadd.s32 @!p0 s3, s7;
	s7 =	simm.s32 @!p0 $0x108  }
0x21: {  	s3 =	sadd.s32 s3, s9;
	s6 =	sadd.s32 @!p0 $0x88, s6;
	s7 =	simm.s32 @p2 $0x1082  }
0x22: {  	[simem:s7], [sflag:s8] =	dma.local @!p0 [hbm:s6], $0xF7A  }
0x23: {  	s9 =	sor.u32 $0xD0000000, s2;
	s6 =	simm.s32 $0x108;
	_ =	swait.ge @!p0 [sflag:s8], $0x0  }
0x24: {  	s3 =	sadd.s32 $0x88, s3;
	s6 =	simm.s32 @!p1 $0x1082;
	[sflag:s4] =	ssyncset.s32 $0xFFFFF086  }
0x25: {  	[simem:s6], [sflag:s4] =	dma.local [hbm:s3], $0xF7A  }
0x26: {  	[smem:$0x3F8E] =	sst s1;
	(tag) =	ssettag s2;
	_ =	strace s9  }
0x27: {  	s1 =	sld [smem:$0x3F9E]  }
0x28: {  	s2 =	sld [smem:$0x3F9F]  }
0x29: {  	s4 =	sld [smem:$0x3FA1]  }
0x2a: {  	p0 =	seq.s32 s5, $0x0;
	s5 =	sld [smem:$0x3FA2]  }
0x2b: {  	s6 =	sld [smem:$0x3FA3]  }
0x2c: {  	s7 =	sld [smem:$0x3FA4]  }
0x2d: {  	s3 =	simm.s32 $0x108;
	s8 =	sld [smem:$0x3FA5]  }
0x2e: {  	s3 =	simm.s32 @!p0 $0x1082;
	s9 =	sld [smem:$0x3FA6]  }
0x2f: {  	lr =	sadd.s32 s0, s3;
	s0 =	sld [smem:$0x3F9D]  }
0x30: {  	s3 =	sld [smem:$0x3FA0]  }
0x31: {  	[smem:$0x3FA9] =	sst s10  }
0x32: {  	s10 =	sld [smem:$0x3FA7];
	_ =	sdelay $0x3  }
0x33: {  	p0 =	seq.s32 s10, $0x1;
	s10 =	sld [smem:$0x3FA9];
	_ =	sdelay $0x3  }
0x34: {  	[smem:$0x3FA9] =	sst s10  }
0x35: {  	s10 =	sld [smem:$0x3FA8];
	_ =	sdelay $0x3  }
0x36: {  	p1 =	seq.s32 s10, $0x1;
	s10 =	sld [smem:$0x3FA9];
	_ =	sdelay $0x3  }
0x37: {  	[smem:$0x3FA9] =	sst s10  }
0x38: {  	s10 =	sld [smem:$0x3FAA]  }
0x39: {  	_ = 	snop;
	(pc) =	sbr.ind lr, $3  }
0x3a: {  	_ = 	snop  }
0x3b: {  	_ = 	snop  }
0x3c: {  	p2 =	seq.s32 s10, $0x1;
	s10 =	sld [smem:$0x3FA9]  }
0x3d: {  	_ =	shalt  }
0x3e: {  	_ =	shalt  }
0x3f: {  	_ =	shalt  }
0x40: {  	_ =	shalt  }
0x41: {  	_ =	shalt  }
0x42: {  	_ =	shalt  }
0x43: {  	_ =	shalt  }
0x44: {  	_ =	shalt  }
0x45: {  	_ =	shalt  }
0x46: {  	_ =	shalt  }
0x47: {  	_ =	shalt  }
0x48: {  	_ =	shalt  }
0x49: {  	_ =	shalt  }
0x4a: {  	_ =	shalt  }
0x4b: {  	_ =	shalt  }
0x4c: {  	_ =	shalt  }
0x4d: {  	_ =	shalt  }
0x4e: {  	_ =	shalt  }
0x4f: {  	_ =	shalt  }
0x50: {  	_ =	shalt  }
0x51: {  	_ =	shalt  }
0x52: {  	_ =	shalt  }
0x53: {  	_ =	shalt  }
0x54: {  	_ =	shalt  }
0x55: {  	_ =	shalt  }
0x56: {  	_ =	shalt  }
0x57: {  	_ =	shalt  }
0x58: {  	_ =	shalt  }
0x59: {  	_ =	shalt  }
0x5a: {  	_ =	shalt  }
0x5b: {  	_ =	shalt  }
0x5c: {  	_ =	shalt  }
0x5d: {  	_ =	shalt  }
0x5e: {  	_ =	shalt  }
0x5f: {  	_ =	shalt  }
0x60: {  	_ =	shalt  }
0x61: {  	_ =	shalt  }
0x62: {  	_ =	shalt  }
0x63: {  	_ =	shalt  }
0x64: {  	_ =	shalt  }
0x65: {  	_ =	shalt  }
0x66: {  	_ =	shalt  }
0x67: {  	_ =	shalt  }
0x68: {  	_ =	shalt  }
0x69: {  	_ =	shalt  }
0x6a: {  	_ =	shalt  }
0x6b: {  	_ =	shalt  }
0x6c: {  	_ =	shalt  }
0x6d: {  	_ =	shalt  }
0x6e: {  	_ =	shalt  }
0x6f: {  	_ =	shalt  }
0x70: {  	_ =	shalt  }
0x71: {  	_ =	shalt  }
0x72: {  	_ =	shalt  }
0x73: {  	_ =	shalt  }
0x74: {  	_ =	shalt  }
0x75: {  	_ =	shalt  }
0x76: {  	_ =	shalt  }
0x77: {  	_ =	shalt  }
0x78: {  	_ =	shalt  }
0x79: {  	_ =	shalt  }
0x7a: {  	_ =	shalt  }
0x7b: {  	_ =	shalt  }
0x7c: {  	_ =	shalt  }
0x7d: {  	_ =	shalt  }
0x7e: {  	_ =	shalt  }
0x7f: {  	_ =	shalt  }
0x80: {  	_ =	shalt  }
0x81: {  	_ =	shalt  }
0x82: {  	_ =	shalt  }
0x83: {  	_ =	shalt  }
0x84: {  	_ =	shalt  }
0x85: {  	_ =	shalt  }
0x86: {  	_ =	shalt  }
0x87: {  	_ =	shalt  }
.Lfunc_end0:
.L_simem_size_0:
called_computation.1_lowered:
.L_overlay_start_0:
0x88: {  	s2 =	sld [smem:$0x3FD9]  }
0x89: {  	s3 =	sld [smem:$0x3FFE];
	_ =	sdelay $0x1  }
0x8a: {  	s1 =	srdreg.scid  }
0x8b: {  	s0 =	sand.u32 $0x1, s1  }
0x8c: {  	s16 =	sshll.u32 s0, $0xA;
	s2 =	sadd.s32 s3, s2  }
0x8d: {  	s2 =	sadd.s32 s2, s16  }
0x8e: {  	[smem:$0x3FB5] =	sst s2  }
0x8f: {  	_ = 	snop  }
0x90: {  	(tm) =	ssettm $0x1  }
0x91: {  	s17 =	sld [smem:$0x3FFB];
	_ =	sdelay $0x3  }
0x92: {  	_ =	strace s17  }
0x93: {  	s2 =	sld [smem:$0x3FFC];
	_ =	sdelay $0x3  }
0x94: {  	_ =	strace s2  }
0x95: {  	s2 =	sld [smem:$0x3FFD];
	_ =	sdelay $0x3  }
0x96: {  	_ =	strace s2  }
0x97: {  	_ =	strace $0x8FFFFFFF  }
0x98: {  	s18 =	sld [smem:$0x3FDB];
	_ =	sdelay $0x1  }
0x99: {  	s19 =	simm.s32 $_scs_section_size  }
0x9a: {  	s4 =	simm.s32 $_size__tile_overlayer_lowered;
	s5 =	simm.s32 $_tile_overlayer_lowered  }
0x9b: {  	s22 =	simm.s32 $0x1BFF;
	s21 =	sshll.u32 s5, $0x1;
	s2 =	sadd.s32 s19, s18  }
0x9c: {  	s6 =	simm.s32 $0x0;
	s20 =	sshll.u32 s4, $0x1;
	s4 =	sadd.s32 s21, s2  }
0x9d: {  	[timem:s6], [sflag:s22] =	dma.local [hbm:s4], s20  }
0x9e: {  	_ =	swait.ge [sflag:s22], s20  }
0x9f: {  	s3 =	ssub.s32 $0x0, s20;
	[sflag:s22] =	ssyncset.done $0x0  }
0xa0: {  	[sflag:s22] =	ssyncadd.s32 s3;
	_ =	sdelay $0x1  }
0xa1: {  	s23 =	simm.s32 $0x1B8B  }
0xa2: {  	_ =	swait.ge [sflag:s23], $0x1  }
0xa3: {  	[sflag:s23] =	ssyncset.done $0x0  }
0xa4: {  	s25 =	simm.s32 $0x1B8E;
	s24 =	sld [smem:$0x3FFE];
	[sflag:s23] =	ssyncadd.s32 $0xFFFFFFFF  }
0xa5: {  	s26 =	simm.s32 $execute0_lowered;
	[smem:$0x3FD2] =	sst s25  }
0xa6: {  	s4 =	sshll.u32 s26, $0x1;
	_ =	strace $0x80000049;
	[dreg:$0x1] =	wrdreg $0xFFFFFFFF  }
0xa7: {  	s28 =	simm.s32 $_size_execute0_lowered;
	s2 =	sadd.s32 s2, s4;
	[dreg:$0x0] =	wrdreg $0x0  }
0xa8: {  	s4 =	sshll.u32 s28, $0x1;
	[dreg:$0x2] =	wrdreg s2  }
0xa9: {  	[dreg:$0x3] =	wrdreg s4  }
0xaa: {  	[dreg:$0x4] =	wrdreg $0xC0  }
0xab: {  	_ =	task [dreg:s6], $0x5FFFF  }
0xac: {  	[dreg:$0x1] =	wrdreg $0xFFFFFFFF  }
0xad: {  	[dreg:$0x0] =	wrdreg $0x60  }
0xae: {  	[dreg:$0x2] =	wrdreg s24  }
0xaf: {  	[dreg:$0x3] =	wrdreg $0x0  }
0xb0: {  	[dreg:$0x4] =	wrdreg $0x9  }
0xb1: {  	_ =	task.clear_ibuf [dreg:s6], $0x5FFFF;
	_ =	strace $0x90000049  }
0xb2: {  	s29 =	simm.s32 $0x9;
	_ =	strace $0x8000004B  }
0xb3: {  	_ =	swait.ge [sflag:s29], $0x1  }
0xb4: {  	[sflag:s29] =	ssyncadd.s32 $0xFFFFFFFF  }
0xb5: {  	_ =	strace $0x9000004B  }
0xb6: {  	_ =	sfence  }
0xb7: {  	s30 =	sld [smem:$0x0];
	_ =	sdelay $0x2  }
0xb8: {  	s31 =	sshll.u32 s1, $0xD;
	s1 =	sshrl.u32 s1, $0x2  }
0xb9: {  	s3 =	sand.u32 $0x4000, s31;
	s1 =	sadd.s32 s1, s30  }
0xba: {  	s0 =	sor.u32 s3, s0;
	s1 =	sshll.u32 s1, $0x11  }
0xbb: {  	s0 =	sor.u32 s1, s0  }
0xbc: {  	s0 =	sadd.s32 $0x8F2B, s0  }
0xbd: {  	[sflag:s0] =	ssyncadd.remote.s32 $0x1  }
0xbe: {  	_ =	sfence.sel $0xFFFF  }
0xbf: {  	[dreg:$0x0] =	wrdreg $0xFFFFFFFF;
	(pc) =	sbr.abs _section_cstart, $3  }
0xc0: {  	[dreg:$0x1] =	wrdreg $0xFFFFFFFF  }
0xc1: {  	_ =	task.clear_ibuf [dreg:s6], $0x2FFFF;
	_ =	strace $0x9FFFFFFF  }
0xc2: {  	(tm) =	ssettm $0x7FFFFFFF  }
0xc3: {  	_ =	shalt  }
tec
execute0_lowered:
.L_overlay_start_1:
0x0: {  	(tag) =	ssettag $0x1  }
0x1: {  	s0 =	srdreg.scid  }
0x2: {  	s1 =	rddreg [dreg:$0x0];
	s12 =	stileid.u32  }
0x3: {  	s2 =	rddreg [dreg:$0x1];
	s0 =	sand.u32 $0x1, s0;
	s8 =	smul.u32 $0x14000, s12  }
0x4: {  	s4 =	sadd.s32 $0x1C600, s1;
	s9 =	sadd.s32 $0x12600, s1;
	s11 =	smul.u32 $0x50000, s12  }
0x5: {  	s3 =	sshll.u32 s0, $0x4;
	s7 =	smul.u32 $0x140000, s0;
	s26 =	ssub.s32 $0x2, s0  }
0x6: {  	s5 =	sor.u32 s12, s3;
	s3 =	simm.s32 $0x0;
	s10 =	sshrl.u32 s26, $0x1  }
0x7: {  	s6 =	smul.u32 $0x500, s5;
	[smem:$0x7FF] =	sst s3;
	s7 =	sadd.s32 s8, s7  }
0x8: {  	s5 =	smul.u32 $0x2800, s5;
	s8 =	ssub.s32 s26, s10;
	s7 =	sshrl.u32 s7, $0x3  }
0x9: {  	_ =	strace $0x8000004A;
	s6 =	sadd.s32 s6, s1;
	s1 =	sadd.s32 s7, s1  }
0xa: {  	s7 =	sshrl.u32 s11, $0x2;
	s11 =	smul.u32 $0x2800, s12;
	s12 =	smax.u32 s8, $0x1  }
0xb: {  	s5 =	sshrl.u32 s5, $0x3;
	s6 =	sadd.s32 $0x8600, s6;
	[dreg:$0x9] =	wrdreg s12  }
0xc: {  	s5 =	sadd.s32 s9, s5;
	[dreg:$0x3] =	wrdreg s6  }
0xd: {  	s1 =	sadd.s32 $0x44600, s1;
	[dreg:$0x4] =	wrdreg s5  }
0xe: {  	s18 =	sadd.s32 s7, s2;
	[dreg:$0x8] =	wrdreg s1  }
0xf: {  	s10 =	sadd.s32 $0x8, s5;
	[dreg:$0x5] =	wrdreg s18  }
0x10: {  	s28 =	simm.s32 $0x16A00;
	s5 =	sadd.s32 $0x10, s5;
	[dreg:$0x6] =	wrdreg s10  }
0x11: {  	s29 =	simm.s32 $0x16800;
	s13 =	sadd.s32 $0x2000, s18;
	[dreg:$0x7] =	wrdreg s5  }
0x12: {  	s30 =	simm.s32 $0x40;
	s14 =	sadd.s32 $0x4000, s18;
	[dreg:$0xa] =	wrdreg s13  }
0x13: {  	s31 =	simm.s32 $0x16880;
	s15 =	sadd.s32 $0x6000, s18;
	[dreg:$0xb] =	wrdreg s14  }
0x14: {  	s0 =	smul.u32 $0x28000, s0;
	s16 =	sadd.s32 $0x8000, s18;
	[dreg:$0xc] =	wrdreg s15  }
0x15: {  	s8 =	simm.s32 $0x1;
	s17 =	sadd.s32 $0xA000, s18;
	[dreg:$0xd] =	wrdreg s16  }
0x16: {  	s7 =	simm.s32 $0x14000;
	s19 =	sadd.s32 $0xC000, s18;
	[dreg:$0xe] =	wrdreg s17  }
0x17: {  	s12 =	simm.s32 $0x2;
	s21 =	sadd.s32 $0xE000, s18;
	[dreg:$0xf] =	wrdreg s19  }
0x18: {  	s0 =	sadd.s32 s11, s0;
	s22 =	sadd.s32 $0x10000, s18;
	[dreg:$0x10] =	wrdreg s21  }
0x19: {  	s23 =	sadd.s32 $0x12000, s18;
	s11 =	simm.s32 $0x1CA00;
	[dreg:$0x11] =	wrdreg s22  }
0x1a: {  	s20 =	sor.u32 $0x180, s0;
	[dreg:$0x12] =	wrdreg s23;
	s24 =	sor.u32 $0x140, s0  }
0x1b: {  	s25 =	sor.u32 $0xC0, s0;
	s0 =	sor.u32 $0x100, s0;
	s5 =	simm.s32 $0x1AA00  }
0x1c: {  	s10 =	simm.s32 $0x16980;
	s13 =	simm.s32 $0xA;
	s14 =	simm.s32 $0x5  }
0x1d: {  	s15 =	simm.s32 $0x4;
	s16 =	simm.s32 $0xC;
	s17 =	simm.s32 $0x7  }
0x1e: {  	s19 =	simm.s32 $0x0;
	s1 =	sshrl.u32 s20, $0x3;
	s26 =	sshrl.u32 s25, $0x3  }
.Ltmp0:
0x1f: {  	s0 =	sshrl.u32 s0, $0x3;
	s1 =	sadd.s32 s1, s9;
	(pc) =	sbr.rel .LBB2_1-.Ltmp0, $4  }
0x20: {  	s0 =	sadd.s32 s0, s9;
	[dreg:$0x13] =	wrdreg s1;
	s1 =	sshrl.u32 s24, $0x3  }
0x21: {  	[dreg:$0x16] =	wrdreg s0;
	s0 =	simm.s32 $0x18A00;
	s1 =	sadd.s32 s1, s9  }
0x22: {  	[dreg:$0x14] =	wrdreg s1;
	s1 =	sadd.s32 s26, s9;
	s26 =	simm.s32 $0xD  }
0x23: {  	v0 =	vimm.f32 $0.0e+00;
	s9 =	simm.s32 $0x9;
	[dreg:$0x15] =	wrdreg s1;
	s1 =	simm.s32 $0x16900  }
.LBB2_6:
0x24: {  	s6 =	simm.s32 $0x8  }
0x25: {  	_ =	swait.ge [sflag:s6], $0x2000  }
0x26: {  	[sflag:s6] =	ssyncset.done $0x0  }
0x27: {  	[sflag:s6] =	ssyncadd.s32 $0xFFFFE000  }
0x28: {  	s23 =	stileid.u32;
	[bflag:$0x0] =	sbarrier.arrive $0xFFFF  }
0x29: {  	s6 =	sshll.u32 s23, $0x6;
	s18 =	rddreg [dreg:$0x5]  }
0x2a: {  	s6 =	sor.u32 $0x1C0D, s6;
	s19 =	rddreg [dreg:$0x8];
	s7 =	sshrl.u32 s18, $0x3  }
0x2b: {  	[hbm:s19], [sflag:s6] =	dma.local [spmem:s7], $0x2800  }
0x2c: {  	_ =	swait.ge [sflag:s26], $0x2800  }
0x2d: {  	s24 =	rddreg [dreg:$0x17]  }
0x2e: {  	s25 =	rddreg [dreg:$0x9];
	s19 =	sadd.s32 $0x1, s24  }
0x2f: {  	p0 =	sne.s32 s19, s25  }
.Ltmp1:
0x30: {  	_ = 	snop;
	(pc) =	sbr.rel @!p0 .LBB2_7-.Ltmp1, $3  }
0x31: {  	_ =	sdelay $0x1  }
0x32: {  	[sflag:s26] =	ssyncset.done $0x0  }
0x33: {  	s7 =	simm.s32 $0x14000;
	[sflag:s26] =	ssyncadd.s32 $0xFFFFD800  }
.LBB2_1:
0x34: {  	[dreg:$0x17] =	wrdreg s19  }
0x35: {  	s6 =	rddreg [dreg:$0x3]  }
0x36: {  	[tilespmem:s7], [sflag:$0xD] =	stream.linear.gather [hbm4b:s6+s3], $0x2800, $0x38;
	[tilespmem:$0x1EA00] =	vst v63  }
0x37: {  	_ =	swait.ge [sflag:s26], $0x2800  }
0x38: {  	[sflag:s26] =	ssyncset.done $0x0  }
0x39: {  	s19 =	simm.s32 $0x0;
	s22 =	simm.s32 $0x200;
	[sflag:s26] =	ssyncadd.s32 $0xFFFFD800  }
.LBB2_2:
0x3a: {  	p0 =	sne.s32 s22, $0x7E00;
	[tilespmem:s19+$0x16A70] =	vst v0  }
0x3b: {  	[tilespmem:s19+$0x16A00] =	vst v0  }
0x3c: {  	[tilespmem:s19+$0x16A10] =	vst v0  }
.Ltmp2:
0x3d: {  	[tilespmem:s19+$0x16A20] =	vst v0;
	(pc) =	sbr.rel @p0 .LBB2_2-.Ltmp2, $4  }
0x3e: {  	[tilespmem:s19+$0x16A30] =	vst v0  }
0x3f: {  	[tilespmem:s19+$0x16A40] =	vst v0  }
0x40: {  	[tilespmem:s19+$0x16A50] =	vst v0  }
0x41: {  	[tilespmem:s19+$0x16A60] =	vst v0;
	s19 =	sshra.s32 s22, $0x2;
	s22 =	sadd.s32 $0x200, s22  }
0x42: {  	[tilespmem:s19+$0x16A70] =	vst v0  }
0x43: {  	[tilespmem:s19+$0x16A00] =	vst v0  }
0x44: {  	[tilespmem:s19+$0x16A10] =	vst v0  }
0x45: {  	[tilespmem:s19+$0x16A20] =	vst v0  }
0x46: {  	[tilespmem:s19+$0x16A30] =	vst v0  }
0x47: {  	[tilespmem:s19+$0x16A40] =	vst v0  }
0x48: {  	[tilespmem:s19+$0x16A50] =	vst v0  }
0x49: {  	[tilespmem:s19+$0x16A60] =	vst v0  }
0x4a: {  	[spmem:s18] =	stream.linear.scatter [tilespmem:s28], [sflag:$0xD], $0x2000, $0x38;
	[tilespmem:$0x1EA00] =	vst v63  }
0x4b: {  	_ =	swait.ge [sflag:s26], $0x2000  }
0x4c: {  	[sflag:s26] =	ssyncset.done $0x0  }
0x4d: {  	s6 =	rddreg [dreg:$0xa];
	[sflag:s26] =	ssyncadd.s32 $0xFFFFE000  }
0x4e: {  	[spmem:s6] =	stream.linear.scatter [tilespmem:s28], [sflag:$0xD], $0x2000, $0x38;
	[tilespmem:$0x1EA00] =	vst v63  }
0x4f: {  	_ =	swait.ge [sflag:s26], $0x2000  }
0x50: {  	[sflag:s26] =	ssyncset.done $0x0  }
0x51: {  	s22 =	rddreg [dreg:$0xb];
	[sflag:s26] =	ssyncadd.s32 $0xFFFFE000  }
0x52: {  	[spmem:s22] =	stream.linear.scatter [tilespmem:s28], [sflag:$0xD], $0x2000, $0x38;
	[tilespmem:$0x1EA00] =	vst v63  }
0x53: {  	_ =	swait.ge [sflag:s26], $0x2000  }
0x54: {  	[sflag:s26] =	ssyncset.done $0x0  }
0x55: {  	s23 =	rddreg [dreg:$0xc];
	[sflag:s26] =	ssyncadd.s32 $0xFFFFE000  }
0x56: {  	[spmem:s23] =	stream.linear.scatter [tilespmem:s28], [sflag:$0xD], $0x2000, $0x38;
	[tilespmem:$0x1EA00] =	vst v63  }
0x57: {  	_ =	swait.ge [sflag:s26], $0x2000  }
0x58: {  	[sflag:s26] =	ssyncset.done $0x0  }
0x59: {  	s24 =	rddreg [dreg:$0xd];
	[sflag:s26] =	ssyncadd.s32 $0xFFFFE000  }
0x5a: {  	[spmem:s24] =	stream.linear.scatter [tilespmem:s28], [sflag:$0xD], $0x2000, $0x38;
	[tilespmem:$0x1EA00] =	vst v63  }
0x5b: {  	_ =	swait.ge [sflag:s26], $0x2000  }
0x5c: {  	[sflag:s26] =	ssyncset.done $0x0  }
0x5d: {  	s25 =	rddreg [dreg:$0xe];
	[sflag:s26] =	ssyncadd.s32 $0xFFFFE000  }
0x5e: {  	[spmem:s25] =	stream.linear.scatter [tilespmem:s28], [sflag:$0xD], $0x2000, $0x38;
	[tilespmem:$0x1EA00] =	vst v63  }
0x5f: {  	_ =	swait.ge [sflag:s26], $0x2000  }
0x60: {  	[sflag:s26] =	ssyncset.done $0x0  }
0x61: {  	s18 =	rddreg [dreg:$0xf];
	[sflag:s26] =	ssyncadd.s32 $0xFFFFE000  }
0x62: {  	[spmem:s18] =	stream.linear.scatter [tilespmem:s28], [sflag:$0xD], $0x2000, $0x38;
	[tilespmem:$0x1EA00] =	vst v63  }
0x63: {  	_ =	swait.ge [sflag:s26], $0x2000  }
0x64: {  	[sflag:s26] =	ssyncset.done $0x0  }
0x65: {  	s19 =	rddreg [dreg:$0x10];
	[sflag:s26] =	ssyncadd.s32 $0xFFFFE000  }
0x66: {  	[spmem:s19] =	stream.linear.scatter [tilespmem:s28], [sflag:$0xD], $0x2000, $0x38;
	[tilespmem:$0x1EA00] =	vst v63  }
0x67: {  	_ =	swait.ge [sflag:s26], $0x2000  }
0x68: {  	[sflag:s26] =	ssyncset.done $0x0  }
0x69: {  	s20 =	rddreg [dreg:$0x11];
	[sflag:s26] =	ssyncadd.s32 $0xFFFFE000  }
0x6a: {  	[spmem:s20] =	stream.linear.scatter [tilespmem:s28], [sflag:$0xD], $0x2000, $0x38;
	[tilespmem:$0x1EA00] =	vst v63  }
0x6b: {  	_ =	swait.ge [sflag:s26], $0x2000  }
0x6c: {  	[sflag:s26] =	ssyncset.done $0x0  }
0x6d: {  	s21 =	rddreg [dreg:$0x12];
	[sflag:s26] =	ssyncadd.s32 $0xFFFFE000  }
0x6e: {  	[spmem:s21] =	stream.linear.scatter [tilespmem:s28], [sflag:$0xD], $0x2000, $0x38;
	[tilespmem:$0x1EA00] =	vst v63  }
0x6f: {  	_ =	swait.ge [sflag:s26], $0x2000  }
0x70: {  	[sflag:s26] =	ssyncset.done $0x0  }
0x71: {  	[sflag:s26] =	ssyncadd.s32 $0xFFFFE000  }
0x72: {  	[bflag:$0x0] =	sbarrier.arrive $0xFFFF  }
0x73: {  	s22 =	rddreg [dreg:$0x4]  }
0x74: {  	s19 =	simm.s32 $0x0;
	s23 =	rddreg [dreg:$0x6]  }
0x75: {  	[tilespmem:s29], [sflag:$0x9] =	stream.linear.gather [hbm4b:s22+s19], $0x40, $0x38;
	[tilespmem:$0x1EA00] =	vst v63  }
0x76: {  	s25 =	rddreg [dreg:$0x7]  }
0x77: {  	[tilespmem:s28], [sflag:$0x1] =	stream.indirect.gather [hbm4b:s4+s30], $0x80, s7, s30, $0xb8;
	[tilespmem:$0x1EA00] =	vst v63  }
0x78: {  	s22 =	rddreg [dreg:$0x14]  }
0x79: {  	[tilespmem:s31], [sflag:$0xA] =	stream.linear.gather [hbm4b:s23+s19], $0x40, $0x38;
	[tilespmem:$0x1EA00] =	vst v63  }
0x7a: {  	s24 =	simm.s32 $0x14040;
	s23 =	rddreg [dreg:$0x15]  }
0x7b: {  	[tilespmem:s0], [sflag:$0x2] =	stream.indirect.gather [hbm4b:s4+s30], $0x80, s24, s30, $0xb8;
	[tilespmem:$0x1EA00] =	vst v63  }
0x7c: {  	s24 =	rddreg [dreg:$0x16]  }
0x7d: {  	[tilespmem:s1], [sflag:$0xB] =	stream.linear.gather [hbm4b:s25+s19], $0x40, $0x38;
	[tilespmem:$0x1EA00] =	vst v63  }
0x7e: {  	s25 =	rddreg [dreg:$0x13]  }
.LBB2_4:
0x7f: {  	s21 =	sshra.s32 s19, $0x2  }
0x80: {  	s20 =	sadd.s32 $0x14080, s21  }
0x81: {  	[tilespmem:s5], [sflag:$0x3] =	stream.indirect.gather [hbm4b:s4+s30], $0x80, s20, s30, $0xb8;
	[tilespmem:$0x1EA00] =	vst v63  }
0x82: {  	_ =	swait.ge [sflag:s8], $0x2000  }
0x83: {  	[sflag:s8] =	ssyncset.done $0x0  }
0x84: {  	[sflag:s8] =	ssyncadd.s32 $0xFFFFE000  }
0x85: {  	_ =	swait.ge [sflag:s9], $0x40  }
0x86: {  	p0 =	seq.s32 s19, $0x0;
	[sflag:s9] =	ssyncset.done $0x0  }
0x87: {  	s20 =	simm.s32 @!p0 $0x8;
	[sflag:s9] =	ssyncadd.s32 $0xFFFFFFC0  }
0x88: {  	[spmem:s2] =	stream.indirect.scatter.add.f32 [tilespmem:s28], [sflag:$0x5], $0x80, s29, s30, $0xb8;
	[tilespmem:$0x1EA00] =	vst v63  }
0x89: {  	_ =	swait.ge @!p0 [sflag:s20], $0x2000  }
0x8a: {  	[sflag:s20] =	ssyncset.done @!p0 $0x0  }
0x8b: {  	[sflag:s20] =	ssyncadd.s32 @!p0 $0xFFFFE000  }
0x8c: {  	[tilespmem:s10], [sflag:$0xC] =	stream.linear.gather [hbm4b:s23+s3], $0x40, $0x38;
	[tilespmem:$0x1EA00] =	vst v63  }
0x8d: {  	s21 =	sadd.s32 $0x140C0, s21  }
0x8e: {  	[tilespmem:s11], [sflag:$0x4] =	stream.indirect.gather [hbm4b:s4+s30], $0x80, s21, s30, $0xb8;
	[tilespmem:$0x1EA00] =	vst v63  }
0x8f: {  	_ =	swait.ge [sflag:s12], $0x2000  }
0x90: {  	[sflag:s12] =	ssyncset.done $0x0  }
0x91: {  	[sflag:s12] =	ssyncadd.s32 $0xFFFFE000  }
0x92: {  	_ =	swait.ge [sflag:s13], $0x40  }
0x93: {  	[sflag:s13] =	ssyncset.done $0x0  }
0x94: {  	[sflag:s13] =	ssyncadd.s32 $0xFFFFFFC0  }
0x95: {  	[spmem:s2] =	stream.indirect.scatter.add.f32 [tilespmem:s0], [sflag:$0x6], $0x80, s31, s30, $0xb8;
	[tilespmem:$0x1EA00] =	vst v63  }
0x96: {  	_ =	swait.ge [sflag:s14], $0x2000  }
0x97: {  	p0 =	seq.s32 s19, $0x9C00;
	[sflag:s14] =	ssyncset.done $0x0  }
0x98: {  	s20 =	simm.s32 @p0 $0x3;
	[sflag:s14] =	ssyncadd.s32 $0xFFFFE000  }
0x99: {  	_ =	swait.ge @p0 [sflag:s20], $0x2000  }
0x9a: {  	[sflag:s20] =	ssyncset.done @p0 $0x0  }
0x9b: {  	[sflag:s20] =	ssyncadd.s32 @p0 $0xFFFFE000;
	s20 =	simm.s32 @p0 $0xB  }
0x9c: {  	_ =	swait.ge @p0 [sflag:s20], $0x40  }
0x9d: {  	s6 =	simm.s32 @p0 $0x1AA00;
	[sflag:s20] =	ssyncset.done @p0 $0x0  }
0x9e: {  	s21 =	simm.s32 @p0 $0x16900;
	[sflag:s20] =	ssyncadd.s32 @p0 $0xFFFFFFC0;
	s20 =	simm.s32 @p0 $0x40  }
0x9f: {  	[spmem:s2] =	stream.indirect.scatter.add.f32 @p0 [tilespmem:s6], [sflag:$0x7], $0x80, s21, s20, $0xb8;
	[tilespmem:$0x1EA00] =	vst v63  }
0xa0: {  	s6 =	simm.s32 @p0 $0x6  }
0xa1: {  	_ =	swait.ge @p0 [sflag:s6], $0x2000  }
0xa2: {  	[sflag:s6] =	ssyncset.done @p0 $0x0  }
0xa3: {  	s20 =	simm.s32 @!p0 $0x16800;
	[sflag:s6] =	ssyncadd.s32 @p0 $0xFFFFE000;
	s6 =	simm.s32 @!p0 $0x0  }
0xa4: {  	[tilespmem:s20], [sflag:$0x9] =	stream.linear.gather @!p0 [hbm4b:s24+s6], $0x40, $0x38;
	[tilespmem:$0x1EA00] =	vst v63  }
0xa5: {  	s20 =	sshra.s32 @!p0 s19, $0x2  }
0xa6: {  	s7 =	simm.s32 @!p0 $0x40;
	s18 =	simm.s32 @!p0 $0x16A00;
	s21 =	sadd.s32 @!p0 $0x14100, s20  }
0xa7: {  	[tilespmem:s18], [sflag:$0x1] =	stream.indirect.gather @!p0 [hbm4b:s4+s7], $0x80, s21, s7, $0xb8;
	[tilespmem:$0x1EA00] =	vst v63  }
0xa8: {  	s18 =	simm.s32 @!p0 $0x3  }
0xa9: {  	_ =	swait.ge @!p0 [sflag:s18], $0x2000  }
0xaa: {  	[sflag:s18] =	ssyncset.done @!p0 $0x0  }
0xab: {  	[sflag:s18] =	ssyncadd.s32 @!p0 $0xFFFFE000;
	s18 =	simm.s32 @!p0 $0xB  }
0xac: {  	_ =	swait.ge @!p0 [sflag:s18], $0x40  }
0xad: {  	[sflag:s18] =	ssyncset.done @!p0 $0x0  }
0xae: {  	s21 =	simm.s32 @!p0 $0x1AA00;
	[sflag:s18] =	ssyncadd.s32 @!p0 $0xFFFFFFC0;
	s18 =	simm.s32 @!p0 $0x16900  }
0xaf: {  	[spmem:s2] =	stream.indirect.scatter.add.f32 @!p0 [tilespmem:s21], [sflag:$0x7], $0x80, s18, s7, $0xb8;
	[tilespmem:$0x1EA00] =	vst v63  }
0xb0: {  	s18 =	simm.s32 @!p0 $0x6  }
0xb1: {  	_ =	swait.ge @!p0 [sflag:s18], $0x2000  }
0xb2: {  	[sflag:s18] =	ssyncset.done @!p0 $0x0  }
0xb3: {  	[sflag:s18] =	ssyncadd.s32 @!p0 $0xFFFFE000;
	s18 =	simm.s32 @!p0 $0x16880  }
0xb4: {  	[tilespmem:s18], [sflag:$0xA] =	stream.linear.gather @!p0 [hbm4b:s22+s6], $0x40, $0x38;
	[tilespmem:$0x1EA00] =	vst v63  }
0xb5: {  	s6 =	sadd.s32 @!p0 $0x14140, s20;
	s18 =	simm.s32 @!p0 $0x18A00  }
0xb6: {  	[tilespmem:s18], [sflag:$0x2] =	stream.indirect.gather @!p0 [hbm4b:s4+s7], $0x80, s6, s7, $0xb8;
	[tilespmem:$0x1EA00] =	vst v63  }
0xb7: {  	_ =	swait.ge [sflag:s15], $0x2000  }
0xb8: {  	[sflag:s15] =	ssyncset.done $0x0  }
0xb9: {  	[sflag:s15] =	ssyncadd.s32 $0xFFFFE000  }
0xba: {  	_ =	swait.ge [sflag:s16], $0x40  }
0xbb: {  	[sflag:s16] =	ssyncset.done $0x0  }
.Ltmp3:
0xbc: {  	[sflag:s16] =	ssyncadd.s32 $0xFFFFFFC0;
	(pc) =	sbr.rel @p0 .LBB2_6-.Ltmp3, $4  }
0xbd: {  	[spmem:s2] =	stream.indirect.scatter.add.f32 [tilespmem:s11], [sflag:$0x8], $0x80, s10, s30, $0xb8;
	[tilespmem:$0x1EA00] =	vst v63  }
0xbe: {  	_ =	swait.ge [sflag:s17], $0x2000  }
0xbf: {  	[sflag:s17] =	ssyncset.done $0x0  }
0xc0: {  	[sflag:s17] =	ssyncadd.s32 $0xFFFFE000  }
.Ltmp4:
0xc1: {  	(pc) =	sbr.rel .LBB2_4-.Ltmp4, $4  }
0xc2: {  	_ = 	snop  }
0xc3: {  	[tilespmem:s1], [sflag:$0xB] =	stream.linear.gather [hbm4b:s25+s3], $0x40, $0x38;
	[tilespmem:$0x1EA00] =	vst v63  }
0xc4: {  	s19 =	sadd.s32 $0x400, s19;
	s25 =	sadd.s32 $0x20, s25  }
0xc5: {  	s22 =	sadd.s32 $0x20, s22;
	s23 =	sadd.s32 $0x20, s23;
	s24 =	sadd.s32 $0x20, s24  }
.LBB2_7:
0xc6: {  	_ =	sfence.sel $0x180000  }
0xc7: {  	[bflag:$0x0] =	sbarrier.arrive $0xFFFF  }
0xc8: {  	_ =	strace $0x9000004A  }
0xc9: {  	s0 =	stileid.u32;
	[bflag:$0x2] =	sbarrier.arrive $0xFFFF  }
0xca: {  	p0 =	sne.s32 s0, $0x0;
	s0 =	rddreg [dreg:$0x2]  }
0xcb: {  	s0 =	sadd.s32 @!p0 $0x100000, s0  }
0xcc: {  	[sflag:s0] =	ssyncadd.tile.s32 @!p0 $0x1;
	_ =	shalt  }
.Lfunc_end2:
_tile_overlayer_lowered:
.L_overlay_start_2:
0xcd: {  	(tag) =	ssettag $0x2  }
0xce: {  	s0 =	rddreg [dreg:$0x0];
	s2 =	stileid.u32  }
0xcf: {  	s1 =	rddreg [dreg:$0x1];
	p0 =	sne.s32 s2, $0x0  }
0xd0: {  	s3 =	rddreg [dreg:$0x2];
	[bflag:$0x3] =	sbarrier.arrive $0xFFFF;
	s2 =	simm.s32 @!p0 $0x1C0D  }
0xd1: {  	[timem:s3], [sflag:s2] =	dma.local @!p0 [hbm:s0], s1  }
0xd2: {  	s0 =	simm.s32 @!p0 $0xD  }
0xd3: {  	_ =	swait.ge @!p0 [sflag:s0], s1  }
0xd4: {  	s1 =	ssub.s32 @!p0 $0x0, s1;
	[sflag:s0] =	ssyncset.done @!p0 $0x0  }
0xd5: {  	[sflag:s0] =	ssyncadd.s32 @!p0 s1  }
0xd6: {  	[bflag:$0x3] =	sbarrier.arrive $0xFFFF  }
0xd7: {  	_ =	shalt  }

// kernel: kernel.14.cloned.1.call-start
scs
__scs_entry_jumppad:
0x0: {  	(pc) =	sbr.rel $0x88, $3  }
0x1: {  	(tag) =	ssettag $0x0;
	lr =	simm.s32 $0x1  }
0x2: {  	[smem:$0x3F8E] =	sst lr;
	_ =	strace $0xD0000000  }
0x3: {  	_ = 	snop  }
0x4: {  	_ = 	snop  }
0x5: {  	_ = 	snop  }
0x6: {  	_ = 	snop  }
0x7: {  	_ = 	snop  }
__scs_overlays_trampoline_lowered:
0x8: {  	[smem:$0x3F9D] =	sst s0  }
0x9: {  	[smem:$0x3F9E] =	sst s1  }
0xa: {  	[smem:$0x3F9F] =	sst s2  }
0xb: {  	[smem:$0x3FA0] =	sst s3  }
0xc: {  	[smem:$0x3FA1] =	sst s4  }
0xd: {  	[smem:$0x3FA2] =	sst s5  }
0xe: {  	[smem:$0x3FA3] =	sst s6  }
0xf: {  	[smem:$0x3FA4] =	sst s7  }
0x10: {  	[smem:$0x3FA5] =	sst s8  }
0x11: {  	[smem:$0x3FA6] =	sst s9;
	s0 =	simm.s32 @!p0 $0x0  }
0x12: {  	s1 =	sld [smem:$0x3F8C];
	s0 =	simm.s32 @p0 $0x1  }
0x13: {  	[smem:$0x3FA7] =	sst s0;
	s0 =	simm.s32 @!p1 $0x0  }
0x14: {  	s2 =	sld [smem:$0x3F8B];
	s0 =	simm.s32 @p1 $0x1  }
0x15: {  	[smem:$0x3FA8] =	sst s0;
	s0 =	simm.s32 @!p2 $0x0  }
0x16: {  	s3 =	sld [smem:$0x3FDB];
	s0 =	simm.s32 @p2 $0x1  }
0x17: {  	s4 =	simm.s32 $0x1BF5;
	[smem:$0x3FAA] =	sst s0  }
0x18: {  	s0 =	sld [smem:$0x3F8D];
	_ =	swait.ge [sflag:s4], $0x0  }
0x19: {  	s7 =	sld [smem:$0x3F8E]  }
0x1a: {  	s8 =	sadd.s32 $0xFFFFE003, lr  }
0x1b: {  	s9 =	sadd.s32 $0xFFFFFEF7, lr;
	s5 =	simm.s32 $0xFFFFFFFF;
	p2 =	slt.u32 s8, $0xFFFFF086  }
0x1c: {  	p1 =	slt.u32 s9, $0xF7A;
	s5 =	simm.s32 @!p2 $0x0  }
0x1d: {  	s5 =	simm.s32 @p1 $0x1;
	p0 =	seq.s32 s7, s2  }
0x1e: {  	s7 =	smul.u32 @!p0 $0xF7A, s2;
	p2 =	seq.s32 @!p0 s5, $0x0  }
0x1f: {  	s9 =	smul.u32 $0xF7A, s1;
	s8 =	simm.s32 @!p0 $0x1BF5;
	p2 =	por !p2, p0  }
0x20: {  	[sflag:s8] =	ssyncset.s32 @!p0 $0xFFFFF086;
	s6 =	sadd.s32 @!p0 s3, s7;
	s7 =	simm.s32 @!p0 $0x108  }
0x21: {  	s3 =	sadd.s32 s3, s9;
	s6 =	sadd.s32 @!p0 $0x88, s6;
	s7 =	simm.s32 @p2 $0x1082  }
0x22: {  	[simem:s7], [sflag:s8] =	dma.local @!p0 [hbm:s6], $0xF7A  }
0x23: {  	s9 =	sor.u32 $0xD0000000, s2;
	s6 =	simm.s32 $0x108;
	_ =	swait.ge @!p0 [sflag:s8], $0x0  }
0x24: {  	s3 =	sadd.s32 $0x88, s3;
	s6 =	simm.s32 @!p1 $0x1082;
	[sflag:s4] =	ssyncset.s32 $0xFFFFF086  }
0x25: {  	[simem:s6], [sflag:s4] =	dma.local [hbm:s3], $0xF7A  }
0x26: {  	[smem:$0x3F8E] =	sst s1;
	(tag) =	ssettag s2;
	_ =	strace s9  }
0x27: {  	s1 =	sld [smem:$0x3F9E]  }
0x28: {  	s2 =	sld [smem:$0x3F9F]  }
0x29: {  	s4 =	sld [smem:$0x3FA1]  }
0x2a: {  	p0 =	seq.s32 s5, $0x0;
	s5 =	sld [smem:$0x3FA2]  }
0x2b: {  	s6 =	sld [smem:$0x3FA3]  }
0x2c: {  	s7 =	sld [smem:$0x3FA4]  }
0x2d: {  	s3 =	simm.s32 $0x108;
	s8 =	sld [smem:$0x3FA5]  }
0x2e: {  	s3 =	simm.s32 @!p0 $0x1082;
	s9 =	sld [smem:$0x3FA6]  }
0x2f: {  	lr =	sadd.s32 s0, s3;
	s0 =	sld [smem:$0x3F9D]  }
0x30: {  	s3 =	sld [smem:$0x3FA0]  }
0x31: {  	[smem:$0x3FA9] =	sst s10  }
0x32: {  	s10 =	sld [smem:$0x3FA7];
	_ =	sdelay $0x3  }
0x33: {  	p0 =	seq.s32 s10, $0x1;
	s10 =	sld [smem:$0x3FA9];
	_ =	sdelay $0x3  }
0x34: {  	[smem:$0x3FA9] =	sst s10  }
0x35: {  	s10 =	sld [smem:$0x3FA8];
	_ =	sdelay $0x3  }
0x36: {  	p1 =	seq.s32 s10, $0x1;
	s10 =	sld [smem:$0x3FA9];
	_ =	sdelay $0x3  }
0x37: {  	[smem:$0x3FA9] =	sst s10  }
0x38: {  	s10 =	sld [smem:$0x3FAA]  }
0x39: {  	_ = 	snop;
	(pc) =	sbr.ind lr, $3  }
0x3a: {  	_ = 	snop  }
0x3b: {  	_ = 	snop  }
0x3c: {  	p2 =	seq.s32 s10, $0x1;
	s10 =	sld [smem:$0x3FA9]  }
0x3d: {  	_ =	shalt  }
0x3e: {  	_ =	shalt  }
0x3f: {  	_ =	shalt  }
0x40: {  	_ =	shalt  }
0x41: {  	_ =	shalt  }
0x42: {  	_ =	shalt  }
0x43: {  	_ =	shalt  }
0x44: {  	_ =	shalt  }
0x45: {  	_ =	shalt  }
0x46: {  	_ =	shalt  }
0x47: {  	_ =	shalt  }
0x48: {  	_ =	shalt  }
0x49: {  	_ =	shalt  }
0x4a: {  	_ =	shalt  }
0x4b: {  	_ =	shalt  }
0x4c: {  	_ =	shalt  }
0x4d: {  	_ =	shalt  }
0x4e: {  	_ =	shalt  }
0x4f: {  	_ =	shalt  }
0x50: {  	_ =	shalt  }
0x51: {  	_ =	shalt  }
0x52: {  	_ =	shalt  }
0x53: {  	_ =	shalt  }
0x54: {  	_ =	shalt  }
0x55: {  	_ =	shalt  }
0x56: {  	_ =	shalt  }
0x57: {  	_ =	shalt  }
0x58: {  	_ =	shalt  }
0x59: {  	_ =	shalt  }
0x5a: {  	_ =	shalt  }
0x5b: {  	_ =	shalt  }
0x5c: {  	_ =	shalt  }
0x5d: {  	_ =	shalt  }
0x5e: {  	_ =	shalt  }
0x5f: {  	_ =	shalt  }
0x60: {  	_ =	shalt  }
0x61: {  	_ =	shalt  }
0x62: {  	_ =	shalt  }
0x63: {  	_ =	shalt  }
0x64: {  	_ =	shalt  }
0x65: {  	_ =	shalt  }
0x66: {  	_ =	shalt  }
0x67: {  	_ =	shalt  }
0x68: {  	_ =	shalt  }
0x69: {  	_ =	shalt  }
0x6a: {  	_ =	shalt  }
0x6b: {  	_ =	shalt  }
0x6c: {  	_ =	shalt  }
0x6d: {  	_ =	shalt  }
0x6e: {  	_ =	shalt  }
0x6f: {  	_ =	shalt  }
0x70: {  	_ =	shalt  }
0x71: {  	_ =	shalt  }
0x72: {  	_ =	shalt  }
0x73: {  	_ =	shalt  }
0x74: {  	_ =	shalt  }
0x75: {  	_ =	shalt  }
0x76: {  	_ =	shalt  }
0x77: {  	_ =	shalt  }
0x78: {  	_ =	shalt  }
0x79: {  	_ =	shalt  }
0x7a: {  	_ =	shalt  }
0x7b: {  	_ =	shalt  }
0x7c: {  	_ =	shalt  }
0x7d: {  	_ =	shalt  }
0x7e: {  	_ =	shalt  }
0x7f: {  	_ =	shalt  }
0x80: {  	_ =	shalt  }
0x81: {  	_ =	shalt  }
0x82: {  	_ =	shalt  }
0x83: {  	_ =	shalt  }
0x84: {  	_ =	shalt  }
0x85: {  	_ =	shalt  }
0x86: {  	_ =	shalt  }
0x87: {  	_ =	shalt  }
.Lfunc_end0:
.L_simem_size_0:
called_computation.2_lowered:
.L_overlay_start_0:
0x88: {  	s2 =	sld [smem:$0x3FD9]  }
0x89: {  	s3 =	sld [smem:$0x3FFE];
	_ =	sdelay $0x1  }
0x8a: {  	s1 =	srdreg.scid  }
0x8b: {  	s0 =	sand.u32 $0x1, s1  }
0x8c: {  	s16 =	sshll.u32 s0, $0xA;
	s2 =	sadd.s32 s3, s2  }
0x8d: {  	s2 =	sadd.s32 s2, s16  }
0x8e: {  	[smem:$0x3FB5] =	sst s2  }
0x8f: {  	_ = 	snop  }
0x90: {  	(tm) =	ssettm $0x1  }
0x91: {  	s17 =	sld [smem:$0x3FFB];
	_ =	sdelay $0x3  }
0x92: {  	_ =	strace s17  }
0x93: {  	s2 =	sld [smem:$0x3FFC];
	_ =	sdelay $0x3  }
0x94: {  	_ =	strace s2  }
0x95: {  	s2 =	sld [smem:$0x3FFD];
	_ =	sdelay $0x3  }
0x96: {  	_ =	strace s2  }
0x97: {  	_ =	strace $0x8FFFFFFF  }
0x98: {  	s18 =	sld [smem:$0x3FDB];
	_ =	sdelay $0x1  }
0x99: {  	s19 =	simm.s32 $_scs_section_size  }
0x9a: {  	s4 =	simm.s32 $_size__tile_overlayer_lowered;
	s5 =	simm.s32 $_tile_overlayer_lowered  }
0x9b: {  	s22 =	simm.s32 $0x1BFF;
	s21 =	sshll.u32 s5, $0x1;
	s2 =	sadd.s32 s19, s18  }
0x9c: {  	s6 =	simm.s32 $0x0;
	s20 =	sshll.u32 s4, $0x1;
	s4 =	sadd.s32 s21, s2  }
0x9d: {  	[timem:s6], [sflag:s22] =	dma.local [hbm:s4], s20  }
0x9e: {  	_ =	swait.ge [sflag:s22], s20  }
0x9f: {  	s3 =	ssub.s32 $0x0, s20;
	[sflag:s22] =	ssyncset.done $0x0  }
0xa0: {  	[sflag:s22] =	ssyncadd.s32 s3;
	_ =	sdelay $0x1  }
0xa1: {  	s23 =	simm.s32 $0x1B8B  }
0xa2: {  	_ =	swait.ge [sflag:s23], $0x1  }
0xa3: {  	[sflag:s23] =	ssyncset.done $0x0  }
0xa4: {  	s25 =	simm.s32 $0x1B8E;
	s24 =	sld [smem:$0x3FFE];
	[sflag:s23] =	ssyncadd.s32 $0xFFFFFFFF  }
0xa5: {  	s26 =	simm.s32 $execute0_lowered;
	[smem:$0x3FD2] =	sst s25  }
0xa6: {  	s4 =	sshll.u32 s26, $0x1;
	_ =	strace $0x8000004C;
	[dreg:$0x1] =	wrdreg $0xFFFFFFFF  }
0xa7: {  	s28 =	simm.s32 $_size_execute0_lowered;
	s2 =	sadd.s32 s2, s4;
	[dreg:$0x0] =	wrdreg $0x0  }
0xa8: {  	s4 =	sshll.u32 s28, $0x1;
	[dreg:$0x2] =	wrdreg s2  }
0xa9: {  	[dreg:$0x3] =	wrdreg s4  }
0xaa: {  	[dreg:$0x4] =	wrdreg $0xC0  }
0xab: {  	_ =	task [dreg:s6], $0x5FFFF  }
0xac: {  	[dreg:$0x1] =	wrdreg $0xFFFFFFFF  }
0xad: {  	[dreg:$0x0] =	wrdreg $0x60  }
0xae: {  	[dreg:$0x2] =	wrdreg s24  }
0xaf: {  	[dreg:$0x3] =	wrdreg $0x0  }
0xb0: {  	[dreg:$0x4] =	wrdreg $0x9  }
0xb1: {  	_ =	task.clear_ibuf [dreg:s6], $0x5FFFF;
	_ =	strace $0x9000004C  }
0xb2: {  	s29 =	simm.s32 $0x9;
	_ =	strace $0x8000004E  }
0xb3: {  	_ =	swait.ge [sflag:s29], $0x1  }
0xb4: {  	[sflag:s29] =	ssyncadd.s32 $0xFFFFFFFF  }
0xb5: {  	_ =	strace $0x9000004E  }
0xb6: {  	_ =	sfence  }
0xb7: {  	s30 =	sld [smem:$0x0];
	_ =	sdelay $0x2  }
0xb8: {  	s31 =	sshll.u32 s1, $0xD;
	s1 =	sshrl.u32 s1, $0x2  }
0xb9: {  	s3 =	sand.u32 $0x4000, s31;
	s1 =	sadd.s32 s1, s30  }
0xba: {  	s0 =	sor.u32 s3, s0;
	s1 =	sshll.u32 s1, $0x11  }
0xbb: {  	s0 =	sor.u32 s1, s0  }
0xbc: {  	s0 =	sadd.s32 $0x8F2B, s0  }
0xbd: {  	[sflag:s0] =	ssyncadd.remote.s32 $0x1  }
0xbe: {  	_ =	sfence.sel $0xFFFF  }
0xbf: {  	[dreg:$0x0] =	wrdreg $0xFFFFFFFF;
	(pc) =	sbr.abs _section_cstart, $3  }
0xc0: {  	[dreg:$0x1] =	wrdreg $0xFFFFFFFF  }
0xc1: {  	_ =	task.clear_ibuf [dreg:s6], $0x2FFFF;
	_ =	strace $0x9FFFFFFF  }
0xc2: {  	(tm) =	ssettm $0x7FFFFFFF  }
0xc3: {  	_ =	shalt  }
tec
execute0_lowered:
.L_overlay_start_1:
0x0: {  	(tag) =	ssettag $0x1  }
0x1: {  	s0 =	srdreg.scid  }
0x2: {  	s1 =	rddreg [dreg:$0x0];
	s12 =	stileid.u32  }
0x3: {  	s2 =	rddreg [dreg:$0x1];
	s0 =	sand.u32 $0x1, s0;
	s8 =	smul.u32 $0x14000, s12  }
0x4: {  	s4 =	sadd.s32 $0x1C600, s1;
	s9 =	sadd.s32 $0x12600, s1;
	s11 =	smul.u32 $0x50000, s12  }
0x5: {  	s3 =	sshll.u32 s0, $0x4;
	s7 =	smul.u32 $0x140000, s0;
	s26 =	ssub.s32 $0x2, s0  }
0x6: {  	s5 =	sor.u32 s12, s3;
	s3 =	simm.s32 $0x0;
	s10 =	sshrl.u32 s26, $0x1  }
0x7: {  	s6 =	smul.u32 $0x500, s5;
	[smem:$0x7FF] =	sst s3;
	s7 =	sadd.s32 s8, s7  }
0x8: {  	s5 =	smul.u32 $0x2800, s5;
	s8 =	ssub.s32 s26, s10;
	s7 =	sshrl.u32 s7, $0x3  }
0x9: {  	_ =	strace $0x8000004D;
	s6 =	sadd.s32 s6, s1;
	s1 =	sadd.s32 s7, s1  }
0xa: {  	s7 =	sshrl.u32 s11, $0x2;
	s11 =	smul.u32 $0x2800, s12;
	s12 =	smax.u32 s8, $0x1  }
0xb: {  	s5 =	sshrl.u32 s5, $0x3;
	s6 =	sadd.s32 $0x8600, s6;
	[dreg:$0x9] =	wrdreg s12  }
0xc: {  	s5 =	sadd.s32 s9, s5;
	[dreg:$0x3] =	wrdreg s6  }
0xd: {  	s1 =	sadd.s32 $0x44600, s1;
	[dreg:$0x4] =	wrdreg s5  }
0xe: {  	s18 =	sadd.s32 s7, s2;
	[dreg:$0x8] =	wrdreg s1  }
0xf: {  	s10 =	sadd.s32 $0x8, s5;
	[dreg:$0x5] =	wrdreg s18  }
0x10: {  	s28 =	simm.s32 $0x16A00;
	s5 =	sadd.s32 $0x10, s5;
	[dreg:$0x6] =	wrdreg s10  }
0x11: {  	s29 =	simm.s32 $0x16800;
	s13 =	sadd.s32 $0x2000, s18;
	[dreg:$0x7] =	wrdreg s5  }
0x12: {  	s30 =	simm.s32 $0x40;
	s14 =	sadd.s32 $0x4000, s18;
	[dreg:$0xa] =	wrdreg s13  }
0x13: {  	s31 =	simm.s32 $0x16880;
	s15 =	sadd.s32 $0x6000, s18;
	[dreg:$0xb] =	wrdreg s14  }
0x14: {  	s0 =	smul.u32 $0x28000, s0;
	s16 =	sadd.s32 $0x8000, s18;
	[dreg:$0xc] =	wrdreg s15  }
0x15: {  	s8 =	simm.s32 $0x1;
	s17 =	sadd.s32 $0xA000, s18;
	[dreg:$0xd] =	wrdreg s16  }
0x16: {  	s7 =	simm.s32 $0x14000;
	s19 =	sadd.s32 $0xC000, s18;
	[dreg:$0xe] =	wrdreg s17  }
0x17: {  	s12 =	simm.s32 $0x2;
	s21 =	sadd.s32 $0xE000, s18;
	[dreg:$0xf] =	wrdreg s19  }
0x18: {  	s0 =	sadd.s32 s11, s0;
	s22 =	sadd.s32 $0x10000, s18;
	[dreg:$0x10] =	wrdreg s21  }
0x19: {  	s23 =	sadd.s32 $0x12000, s18;
	s11 =	simm.s32 $0x1CA00;
	[dreg:$0x11] =	wrdreg s22  }
0x1a: {  	s20 =	sor.u32 $0x180, s0;
	[dreg:$0x12] =	wrdreg s23;
	s24 =	sor.u32 $0x140, s0  }
0x1b: {  	s25 =	sor.u32 $0xC0, s0;
	s0 =	sor.u32 $0x100, s0;
	s5 =	simm.s32 $0x1AA00  }
0x1c: {  	s10 =	simm.s32 $0x16980;
	s13 =	simm.s32 $0xA;
	s14 =	simm.s32 $0x5  }
0x1d: {  	s15 =	simm.s32 $0x4;
	s16 =	simm.s32 $0xC;
	s17 =	simm.s32 $0x7  }
0x1e: {  	s19 =	simm.s32 $0x0;
	s1 =	sshrl.u32 s20, $0x3;
	s26 =	sshrl.u32 s25, $0x3  }
.Ltmp0:
0x1f: {  	s0 =	sshrl.u32 s0, $0x3;
	s1 =	sadd.s32 s1, s9;
	(pc) =	sbr.rel .LBB2_1-.Ltmp0, $4  }
0x20: {  	s0 =	sadd.s32 s0, s9;
	[dreg:$0x13] =	wrdreg s1;
	s1 =	sshrl.u32 s24, $0x3  }
0x21: {  	[dreg:$0x16] =	wrdreg s0;
	s0 =	simm.s32 $0x18A00;
	s1 =	sadd.s32 s1, s9  }
0x22: {  	[dreg:$0x14] =	wrdreg s1;
	s1 =	sadd.s32 s26, s9;
	s26 =	simm.s32 $0xD  }
0x23: {  	v0 =	vimm.f32 $0.0e+00;
	s9 =	simm.s32 $0x9;
	[dreg:$0x15] =	wrdreg s1;
	s1 =	simm.s32 $0x16900  }
.LBB2_6:
0x24: {  	s6 =	simm.s32 $0x8  }
0x25: {  	_ =	swait.ge [sflag:s6], $0x2000  }
0x26: {  	[sflag:s6] =	ssyncset.done $0x0  }
0x27: {  	[sflag:s6] =	ssyncadd.s32 $0xFFFFE000  }
0x28: {  	s23 =	stileid.u32;
	[bflag:$0x0] =	sbarrier.arrive $0xFFFF  }
0x29: {  	s6 =	sshll.u32 s23, $0x6;
	s18 =	rddreg [dreg:$0x5]  }
0x2a: {  	s6 =	sor.u32 $0x1C0D, s6;
	s19 =	rddreg [dreg:$0x8];
	s7 =	sshrl.u32 s18, $0x3  }
0x2b: {  	[hbm:s19], [sflag:s6] =	dma.local [spmem:s7], $0x2800  }
0x2c: {  	_ =	swait.ge [sflag:s26], $0x2800  }
0x2d: {  	s24 =	rddreg [dreg:$0x17]  }
0x2e: {  	s25 =	rddreg [dreg:$0x9];
	s19 =	sadd.s32 $0x1, s24  }
0x2f: {  	p0 =	sne.s32 s19, s25  }
.Ltmp1:
0x30: {  	_ = 	snop;
	(pc) =	sbr.rel @!p0 .LBB2_7-.Ltmp1, $3  }
0x31: {  	_ =	sdelay $0x1  }
0x32: {  	[sflag:s26] =	ssyncset.done $0x0  }
0x33: {  	s7 =	simm.s32 $0x14000;
	[sflag:s26] =	ssyncadd.s32 $0xFFFFD800  }
.LBB2_1:
0x34: {  	[dreg:$0x17] =	wrdreg s19  }
0x35: {  	s6 =	rddreg [dreg:$0x3]  }
0x36: {  	[tilespmem:s7], [sflag:$0xD] =	stream.linear.gather [hbm4b:s6+s3], $0x2800, $0x38;
	[tilespmem:$0x1EA00] =	vst v63  }
0x37: {  	_ =	swait.ge [sflag:s26], $0x2800  }
0x38: {  	[sflag:s26] =	ssyncset.done $0x0  }
0x39: {  	s19 =	simm.s32 $0x0;
	s22 =	simm.s32 $0x200;
	[sflag:s26] =	ssyncadd.s32 $0xFFFFD800  }
.LBB2_2:
0x3a: {  	p0 =	sne.s32 s22, $0x7E00;
	[tilespmem:s19+$0x16A70] =	vst v0  }
0x3b: {  	[tilespmem:s19+$0x16A00] =	vst v0  }
0x3c: {  	[tilespmem:s19+$0x16A10] =	vst v0  }
.Ltmp2:
0x3d: {  	[tilespmem:s19+$0x16A20] =	vst v0;
	(pc) =	sbr.rel @p0 .LBB2_2-.Ltmp2, $4  }
0x3e: {  	[tilespmem:s19+$0x16A30] =	vst v0  }
0x3f: {  	[tilespmem:s19+$0x16A40] =	vst v0  }
0x40: {  	[tilespmem:s19+$0x16A50] =	vst v0  }
0x41: {  	[tilespmem:s19+$0x16A60] =	vst v0;
	s19 =	sshra.s32 s22, $0x2;
	s22 =	sadd.s32 $0x200, s22  }
0x42: {  	[tilespmem:s19+$0x16A70] =	vst v0  }
0x43: {  	[tilespmem:s19+$0x16A00] =	vst v0  }
0x44: {  	[tilespmem:s19+$0x16A10] =	vst v0  }
0x45: {  	[tilespmem:s19+$0x16A20] =	vst v0  }
0x46: {  	[tilespmem:s19+$0x16A30] =	vst v0  }
0x47: {  	[tilespmem:s19+$0x16A40] =	vst v0  }
0x48: {  	[tilespmem:s19+$0x16A50] =	vst v0  }
0x49: {  	[tilespmem:s19+$0x16A60] =	vst v0  }
0x4a: {  	[spmem:s18] =	stream.linear.scatter [tilespmem:s28], [sflag:$0xD], $0x2000, $0x38;
	[tilespmem:$0x1EA00] =	vst v63  }
0x4b: {  	_ =	swait.ge [sflag:s26], $0x2000  }
0x4c: {  	[sflag:s26] =	ssyncset.done $0x0  }
0x4d: {  	s6 =	rddreg [dreg:$0xa];
	[sflag:s26] =	ssyncadd.s32 $0xFFFFE000  }
0x4e: {  	[spmem:s6] =	stream.linear.scatter [tilespmem:s28], [sflag:$0xD], $0x2000, $0x38;
	[tilespmem:$0x1EA00] =	vst v63  }
0x4f: {  	_ =	swait.ge [sflag:s26], $0x2000  }
0x50: {  	[sflag:s26] =	ssyncset.done $0x0  }
0x51: {  	s22 =	rddreg [dreg:$0xb];
	[sflag:s26] =	ssyncadd.s32 $0xFFFFE000  }
0x52: {  	[spmem:s22] =	stream.linear.scatter [tilespmem:s28], [sflag:$0xD], $0x2000, $0x38;
	[tilespmem:$0x1EA00] =	vst v63  }
0x53: {  	_ =	swait.ge [sflag:s26], $0x2000  }
0x54: {  	[sflag:s26] =	ssyncset.done $0x0  }
0x55: {  	s23 =	rddreg [dreg:$0xc];
	[sflag:s26] =	ssyncadd.s32 $0xFFFFE000  }
0x56: {  	[spmem:s23] =	stream.linear.scatter [tilespmem:s28], [sflag:$0xD], $0x2000, $0x38;
	[tilespmem:$0x1EA00] =	vst v63  }
0x57: {  	_ =	swait.ge [sflag:s26], $0x2000  }
0x58: {  	[sflag:s26] =	ssyncset.done $0x0  }
0x59: {  	s24 =	rddreg [dreg:$0xd];
	[sflag:s26] =	ssyncadd.s32 $0xFFFFE000  }
0x5a: {  	[spmem:s24] =	stream.linear.scatter [tilespmem:s28], [sflag:$0xD], $0x2000, $0x38;
	[tilespmem:$0x1EA00] =	vst v63  }
0x5b: {  	_ =	swait.ge [sflag:s26], $0x2000  }
0x5c: {  	[sflag:s26] =	ssyncset.done $0x0  }
0x5d: {  	s25 =	rddreg [dreg:$0xe];
	[sflag:s26] =	ssyncadd.s32 $0xFFFFE000  }
0x5e: {  	[spmem:s25] =	stream.linear.scatter [tilespmem:s28], [sflag:$0xD], $0x2000, $0x38;
	[tilespmem:$0x1EA00] =	vst v63  }
0x5f: {  	_ =	swait.ge [sflag:s26], $0x2000  }
0x60: {  	[sflag:s26] =	ssyncset.done $0x0  }
0x61: {  	s18 =	rddreg [dreg:$0xf];
	[sflag:s26] =	ssyncadd.s32 $0xFFFFE000  }
0x62: {  	[spmem:s18] =	stream.linear.scatter [tilespmem:s28], [sflag:$0xD], $0x2000, $0x38;
	[tilespmem:$0x1EA00] =	vst v63  }
0x63: {  	_ =	swait.ge [sflag:s26], $0x2000  }
0x64: {  	[sflag:s26] =	ssyncset.done $0x0  }
0x65: {  	s19 =	rddreg [dreg:$0x10];
	[sflag:s26] =	ssyncadd.s32 $0xFFFFE000  }
0x66: {  	[spmem:s19] =	stream.linear.scatter [tilespmem:s28], [sflag:$0xD], $0x2000, $0x38;
	[tilespmem:$0x1EA00] =	vst v63  }
0x67: {  	_ =	swait.ge [sflag:s26], $0x2000  }
0x68: {  	[sflag:s26] =	ssyncset.done $0x0  }
0x69: {  	s20 =	rddreg [dreg:$0x11];
	[sflag:s26] =	ssyncadd.s32 $0xFFFFE000  }
0x6a: {  	[spmem:s20] =	stream.linear.scatter [tilespmem:s28], [sflag:$0xD], $0x2000, $0x38;
	[tilespmem:$0x1EA00] =	vst v63  }
0x6b: {  	_ =	swait.ge [sflag:s26], $0x2000  }
0x6c: {  	[sflag:s26] =	ssyncset.done $0x0  }
0x6d: {  	s21 =	rddreg [dreg:$0x12];
	[sflag:s26] =	ssyncadd.s32 $0xFFFFE000  }
0x6e: {  	[spmem:s21] =	stream.linear.scatter [tilespmem:s28], [sflag:$0xD], $0x2000, $0x38;
	[tilespmem:$0x1EA00] =	vst v63  }
0x6f: {  	_ =	swait.ge [sflag:s26], $0x2000  }
0x70: {  	[sflag:s26] =	ssyncset.done $0x0  }
0x71: {  	[sflag:s26] =	ssyncadd.s32 $0xFFFFE000  }
0x72: {  	[bflag:$0x0] =	sbarrier.arrive $0xFFFF  }
0x73: {  	s22 =	rddreg [dreg:$0x4]  }
0x74: {  	s19 =	simm.s32 $0x0;
	s23 =	rddreg [dreg:$0x6]  }
0x75: {  	[tilespmem:s29], [sflag:$0x9] =	stream.linear.gather [hbm4b:s22+s19], $0x40, $0x38;
	[tilespmem:$0x1EA00] =	vst v63  }
0x76: {  	s25 =	rddreg [dreg:$0x7]  }
0x77: {  	[tilespmem:s28], [sflag:$0x1] =	stream.indirect.gather [hbm4b:s4+s30], $0x80, s7, s30, $0xb8;
	[tilespmem:$0x1EA00] =	vst v63  }
0x78: {  	s22 =	rddreg [dreg:$0x14]  }
0x79: {  	[tilespmem:s31], [sflag:$0xA] =	stream.linear.gather [hbm4b:s23+s19], $0x40, $0x38;
	[tilespmem:$0x1EA00] =	vst v63  }
0x7a: {  	s24 =	simm.s32 $0x14040;
	s23 =	rddreg [dreg:$0x15]  }
0x7b: {  	[tilespmem:s0], [sflag:$0x2] =	stream.indirect.gather [hbm4b:s4+s30], $0x80, s24, s30, $0xb8;
	[tilespmem:$0x1EA00] =	vst v63  }
0x7c: {  	s24 =	rddreg [dreg:$0x16]  }
0x7d: {  	[tilespmem:s1], [sflag:$0xB] =	stream.linear.gather [hbm4b:s25+s19], $0x40, $0x38;
	[tilespmem:$0x1EA00] =	vst v63  }
0x7e: {  	s25 =	rddreg [dreg:$0x13]  }
.LBB2_4:
0x7f: {  	s21 =	sshra.s32 s19, $0x2  }
0x80: {  	s20 =	sadd.s32 $0x14080, s21  }
0x81: {  	[tilespmem:s5], [sflag:$0x3] =	stream.indirect.gather [hbm4b:s4+s30], $0x80, s20, s30, $0xb8;
	[tilespmem:$0x1EA00] =	vst v63  }
0x82: {  	_ =	swait.ge [sflag:s8], $0x2000  }
0x83: {  	[sflag:s8] =	ssyncset.done $0x0  }
0x84: {  	[sflag:s8] =	ssyncadd.s32 $0xFFFFE000  }
0x85: {  	_ =	swait.ge [sflag:s9], $0x40  }
0x86: {  	p0 =	seq.s32 s19, $0x0;
	[sflag:s9] =	ssyncset.done $0x0  }
0x87: {  	s20 =	simm.s32 @!p0 $0x8;
	[sflag:s9] =	ssyncadd.s32 $0xFFFFFFC0  }
0x88: {  	[spmem:s2] =	stream.indirect.scatter.add.f32 [tilespmem:s28], [sflag:$0x5], $0x80, s29, s30, $0xb8;
	[tilespmem:$0x1EA00] =	vst v63  }
0x89: {  	_ =	swait.ge @!p0 [sflag:s20], $0x2000  }
0x8a: {  	[sflag:s20] =	ssyncset.done @!p0 $0x0  }
0x8b: {  	[sflag:s20] =	ssyncadd.s32 @!p0 $0xFFFFE000  }
0x8c: {  	[tilespmem:s10], [sflag:$0xC] =	stream.linear.gather [hbm4b:s23+s3], $0x40, $0x38;
	[tilespmem:$0x1EA00] =	vst v63  }
0x8d: {  	s21 =	sadd.s32 $0x140C0, s21  }
0x8e: {  	[tilespmem:s11], [sflag:$0x4] =	stream.indirect.gather [hbm4b:s4+s30], $0x80, s21, s30, $0xb8;
	[tilespmem:$0x1EA00] =	vst v63  }
0x8f: {  	_ =	swait.ge [sflag:s12], $0x2000  }
0x90: {  	[sflag:s12] =	ssyncset.done $0x0  }
0x91: {  	[sflag:s12] =	ssyncadd.s32 $0xFFFFE000  }
0x92: {  	_ =	swait.ge [sflag:s13], $0x40  }
0x93: {  	[sflag:s13] =	ssyncset.done $0x0  }
0x94: {  	[sflag:s13] =	ssyncadd.s32 $0xFFFFFFC0  }
0x95: {  	[spmem:s2] =	stream.indirect.scatter.add.f32 [tilespmem:s0], [sflag:$0x6], $0x80, s31, s30, $0xb8;
	[tilespmem:$0x1EA00] =	vst v63  }
0x96: {  	_ =	swait.ge [sflag:s14], $0x2000  }
0x97: {  	p0 =	seq.s32 s19, $0x9C00;
	[sflag:s14] =	ssyncset.done $0x0  }
0x98: {  	s20 =	simm.s32 @p0 $0x3;
	[sflag:s14] =	ssyncadd.s32 $0xFFFFE000  }
0x99: {  	_ =	swait.ge @p0 [sflag:s20], $0x2000  }
0x9a: {  	[sflag:s20] =	ssyncset.done @p0 $0x0  }
0x9b: {  	[sflag:s20] =	ssyncadd.s32 @p0 $0xFFFFE000;
	s20 =	simm.s32 @p0 $0xB  }
0x9c: {  	_ =	swait.ge @p0 [sflag:s20], $0x40  }
0x9d: {  	s6 =	simm.s32 @p0 $0x1AA00;
	[sflag:s20] =	ssyncset.done @p0 $0x0  }
0x9e: {  	s21 =	simm.s32 @p0 $0x16900;
	[sflag:s20] =	ssyncadd.s32 @p0 $0xFFFFFFC0;
	s20 =	simm.s32 @p0 $0x40  }
0x9f: {  	[spmem:s2] =	stream.indirect.scatter.add.f32 @p0 [tilespmem:s6], [sflag:$0x7], $0x80, s21, s20, $0xb8;
	[tilespmem:$0x1EA00] =	vst v63  }
0xa0: {  	s6 =	simm.s32 @p0 $0x6  }
0xa1: {  	_ =	swait.ge @p0 [sflag:s6], $0x2000  }
0xa2: {  	[sflag:s6] =	ssyncset.done @p0 $0x0  }
0xa3: {  	s20 =	simm.s32 @!p0 $0x16800;
	[sflag:s6] =	ssyncadd.s32 @p0 $0xFFFFE000;
	s6 =	simm.s32 @!p0 $0x0  }
0xa4: {  	[tilespmem:s20], [sflag:$0x9] =	stream.linear.gather @!p0 [hbm4b:s24+s6], $0x40, $0x38;
	[tilespmem:$0x1EA00] =	vst v63  }
0xa5: {  	s20 =	sshra.s32 @!p0 s19, $0x2  }
0xa6: {  	s7 =	simm.s32 @!p0 $0x40;
	s18 =	simm.s32 @!p0 $0x16A00;
	s21 =	sadd.s32 @!p0 $0x14100, s20  }
0xa7: {  	[tilespmem:s18], [sflag:$0x1] =	stream.indirect.gather @!p0 [hbm4b:s4+s7], $0x80, s21, s7, $0xb8;
	[tilespmem:$0x1EA00] =	vst v63  }
0xa8: {  	s18 =	simm.s32 @!p0 $0x3  }
0xa9: {  	_ =	swait.ge @!p0 [sflag:s18], $0x2000  }
0xaa: {  	[sflag:s18] =	ssyncset.done @!p0 $0x0  }
0xab: {  	[sflag:s18] =	ssyncadd.s32 @!p0 $0xFFFFE000;
	s18 =	simm.s32 @!p0 $0xB  }
0xac: {  	_ =	swait.ge @!p0 [sflag:s18], $0x40  }
0xad: {  	[sflag:s18] =	ssyncset.done @!p0 $0x0  }
0xae: {  	s21 =	simm.s32 @!p0 $0x1AA00;
	[sflag:s18] =	ssyncadd.s32 @!p0 $0xFFFFFFC0;
	s18 =	simm.s32 @!p0 $0x16900  }
0xaf: {  	[spmem:s2] =	stream.indirect.scatter.add.f32 @!p0 [tilespmem:s21], [sflag:$0x7], $0x80, s18, s7, $0xb8;
	[tilespmem:$0x1EA00] =	vst v63  }
0xb0: {  	s18 =	simm.s32 @!p0 $0x6  }
0xb1: {  	_ =	swait.ge @!p0 [sflag:s18], $0x2000  }
0xb2: {  	[sflag:s18] =	ssyncset.done @!p0 $0x0  }
0xb3: {  	[sflag:s18] =	ssyncadd.s32 @!p0 $0xFFFFE000;
	s18 =	simm.s32 @!p0 $0x16880  }
0xb4: {  	[tilespmem:s18], [sflag:$0xA] =	stream.linear.gather @!p0 [hbm4b:s22+s6], $0x40, $0x38;
	[tilespmem:$0x1EA00] =	vst v63  }
0xb5: {  	s6 =	sadd.s32 @!p0 $0x14140, s20;
	s18 =	simm.s32 @!p0 $0x18A00  }
0xb6: {  	[tilespmem:s18], [sflag:$0x2] =	stream.indirect.gather @!p0 [hbm4b:s4+s7], $0x80, s6, s7, $0xb8;
	[tilespmem:$0x1EA00] =	vst v63  }
0xb7: {  	_ =	swait.ge [sflag:s15], $0x2000  }
0xb8: {  	[sflag:s15] =	ssyncset.done $0x0  }
0xb9: {  	[sflag:s15] =	ssyncadd.s32 $0xFFFFE000  }
0xba: {  	_ =	swait.ge [sflag:s16], $0x40  }
0xbb: {  	[sflag:s16] =	ssyncset.done $0x0  }
.Ltmp3:
0xbc: {  	[sflag:s16] =	ssyncadd.s32 $0xFFFFFFC0;
	(pc) =	sbr.rel @p0 .LBB2_6-.Ltmp3, $4  }
0xbd: {  	[spmem:s2] =	stream.indirect.scatter.add.f32 [tilespmem:s11], [sflag:$0x8], $0x80, s10, s30, $0xb8;
	[tilespmem:$0x1EA00] =	vst v63  }
0xbe: {  	_ =	swait.ge [sflag:s17], $0x2000  }
0xbf: {  	[sflag:s17] =	ssyncset.done $0x0  }
0xc0: {  	[sflag:s17] =	ssyncadd.s32 $0xFFFFE000  }
.Ltmp4:
0xc1: {  	(pc) =	sbr.rel .LBB2_4-.Ltmp4, $4  }
0xc2: {  	_ = 	snop  }
0xc3: {  	[tilespmem:s1], [sflag:$0xB] =	stream.linear.gather [hbm4b:s25+s3], $0x40, $0x38;
	[tilespmem:$0x1EA00] =	vst v63  }
0xc4: {  	s19 =	sadd.s32 $0x400, s19;
	s25 =	sadd.s32 $0x20, s25  }
0xc5: {  	s22 =	sadd.s32 $0x20, s22;
	s23 =	sadd.s32 $0x20, s23;
	s24 =	sadd.s32 $0x20, s24  }
.LBB2_7:
0xc6: {  	_ =	sfence.sel $0x180000  }
0xc7: {  	[bflag:$0x0] =	sbarrier.arrive $0xFFFF  }
0xc8: {  	_ =	strace $0x9000004D  }
0xc9: {  	s0 =	stileid.u32;
	[bflag:$0x2] =	sbarrier.arrive $0xFFFF  }
0xca: {  	p0 =	sne.s32 s0, $0x0;
	s0 =	rddreg [dreg:$0x2]  }
0xcb: {  	s0 =	sadd.s32 @!p0 $0x100000, s0  }
0xcc: {  	[sflag:s0] =	ssyncadd.tile.s32 @!p0 $0x1;
	_ =	shalt  }
.Lfunc_end2:
_tile_overlayer_lowered:
.L_overlay_start_2:
0xcd: {  	(tag) =	ssettag $0x2  }
0xce: {  	s0 =	rddreg [dreg:$0x0];
	s2 =	stileid.u32  }
0xcf: {  	s1 =	rddreg [dreg:$0x1];
	p0 =	sne.s32 s2, $0x0  }
0xd0: {  	s3 =	rddreg [dreg:$0x2];
	[bflag:$0x3] =	sbarrier.arrive $0xFFFF;
	s2 =	simm.s32 @!p0 $0x1C0D  }
0xd1: {  	[timem:s3], [sflag:s2] =	dma.local @!p0 [hbm:s0], s1  }
0xd2: {  	s0 =	simm.s32 @!p0 $0xD  }
0xd3: {  	_ =	swait.ge @!p0 [sflag:s0], s1  }
0xd4: {  	s1 =	ssub.s32 @!p0 $0x0, s1;
	[sflag:s0] =	ssyncset.done @!p0 $0x0  }
0xd5: {  	[sflag:s0] =	ssyncadd.s32 @!p0 s1  }
0xd6: {  	[bflag:$0x3] =	sbarrier.arrive $0xFFFF  }
0xd7: {  	_ =	shalt  }

// kernel: kernel.8.cloned.1.call-start
scs
__scs_entry_jumppad:
0x0: {  	(pc) =	sbr.rel $0x88, $3  }
0x1: {  	(tag) =	ssettag $0x0;
	lr =	simm.s32 $0x1  }
0x2: {  	[smem:$0x3F8E] =	sst lr;
	_ =	strace $0xD0000000  }
0x3: {  	_ = 	snop  }
0x4: {  	_ = 	snop  }
0x5: {  	_ = 	snop  }
0x6: {  	_ = 	snop  }
0x7: {  	_ = 	snop  }
__scs_overlays_trampoline_lowered:
0x8: {  	[smem:$0x3F9D] =	sst s0  }
0x9: {  	[smem:$0x3F9E] =	sst s1  }
0xa: {  	[smem:$0x3F9F] =	sst s2  }
0xb: {  	[smem:$0x3FA0] =	sst s3  }
0xc: {  	[smem:$0x3FA1] =	sst s4  }
0xd: {  	[smem:$0x3FA2] =	sst s5  }
0xe: {  	[smem:$0x3FA3] =	sst s6  }
0xf: {  	[smem:$0x3FA4] =	sst s7  }
0x10: {  	[smem:$0x3FA5] =	sst s8  }
0x11: {  	[smem:$0x3FA6] =	sst s9;
	s0 =	simm.s32 @!p0 $0x0  }
0x12: {  	s1 =	sld [smem:$0x3F8C];
	s0 =	simm.s32 @p0 $0x1  }
0x13: {  	[smem:$0x3FA7] =	sst s0;
	s0 =	simm.s32 @!p1 $0x0  }
0x14: {  	s2 =	sld [smem:$0x3F8B];
	s0 =	simm.s32 @p1 $0x1  }
0x15: {  	[smem:$0x3FA8] =	sst s0;
	s0 =	simm.s32 @!p2 $0x0  }
0x16: {  	s3 =	sld [smem:$0x3FDB];
	s0 =	simm.s32 @p2 $0x1  }
0x17: {  	s4 =	simm.s32 $0x1BF5;
	[smem:$0x3FAA] =	sst s0  }
0x18: {  	s0 =	sld [smem:$0x3F8D];
	_ =	swait.ge [sflag:s4], $0x0  }
0x19: {  	s7 =	sld [smem:$0x3F8E]  }
0x1a: {  	s8 =	sadd.s32 $0xFFFFE003, lr  }
0x1b: {  	s9 =	sadd.s32 $0xFFFFFEF7, lr;
	s5 =	simm.s32 $0xFFFFFFFF;
	p2 =	slt.u32 s8, $0xFFFFF086  }
0x1c: {  	p1 =	slt.u32 s9, $0xF7A;
	s5 =	simm.s32 @!p2 $0x0  }
0x1d: {  	s5 =	simm.s32 @p1 $0x1;
	p0 =	seq.s32 s7, s2  }
0x1e: {  	s7 =	smul.u32 @!p0 $0xF7A, s2;
	p2 =	seq.s32 @!p0 s5, $0x0  }
0x1f: {  	s9 =	smul.u32 $0xF7A, s1;
	s8 =	simm.s32 @!p0 $0x1BF5;
	p2 =	por !p2, p0  }
0x20: {  	[sflag:s8] =	ssyncset.s32 @!p0 $0xFFFFF086;
	s6 =	sadd.s32 @!p0 s3, s7;
	s7 =	simm.s32 @!p0 $0x108  }
0x21: {  	s3 =	sadd.s32 s3, s9;
	s6 =	sadd.s32 @!p0 $0x88, s6;
	s7 =	simm.s32 @p2 $0x1082  }
0x22: {  	[simem:s7], [sflag:s8] =	dma.local @!p0 [hbm:s6], $0xF7A  }
0x23: {  	s9 =	sor.u32 $0xD0000000, s2;
	s6 =	simm.s32 $0x108;
	_ =	swait.ge @!p0 [sflag:s8], $0x0  }
0x24: {  	s3 =	sadd.s32 $0x88, s3;
	s6 =	simm.s32 @!p1 $0x1082;
	[sflag:s4] =	ssyncset.s32 $0xFFFFF086  }
0x25: {  	[simem:s6], [sflag:s4] =	dma.local [hbm:s3], $0xF7A  }
0x26: {  	[smem:$0x3F8E] =	sst s1;
	(tag) =	ssettag s2;
	_ =	strace s9  }
0x27: {  	s1 =	sld [smem:$0x3F9E]  }
0x28: {  	s2 =	sld [smem:$0x3F9F]  }
0x29: {  	s4 =	sld [smem:$0x3FA1]  }
0x2a: {  	p0 =	seq.s32 s5, $0x0;
	s5 =	sld [smem:$0x3FA2]  }
0x2b: {  	s6 =	sld [smem:$0x3FA3]  }
0x2c: {  	s7 =	sld [smem:$0x3FA4]  }
0x2d: {  	s3 =	simm.s32 $0x108;
	s8 =	sld [smem:$0x3FA5]  }
0x2e: {  	s3 =	simm.s32 @!p0 $0x1082;
	s9 =	sld [smem:$0x3FA6]  }
0x2f: {  	lr =	sadd.s32 s0, s3;
	s0 =	sld [smem:$0x3F9D]  }
0x30: {  	s3 =	sld [smem:$0x3FA0]  }
0x31: {  	[smem:$0x3FA9] =	sst s10  }
0x32: {  	s10 =	sld [smem:$0x3FA7];
	_ =	sdelay $0x3  }
0x33: {  	p0 =	seq.s32 s10, $0x1;
	s10 =	sld [smem:$0x3FA9];
	_ =	sdelay $0x3  }
0x34: {  	[smem:$0x3FA9] =	sst s10  }
0x35: {  	s10 =	sld [smem:$0x3FA8];
	_ =	sdelay $0x3  }
0x36: {  	p1 =	seq.s32 s10, $0x1;
	s10 =	sld [smem:$0x3FA9];
	_ =	sdelay $0x3  }
0x37: {  	[smem:$0x3FA9] =	sst s10  }
0x38: {  	s10 =	sld [smem:$0x3FAA]  }
0x39: {  	_ = 	snop;
	(pc) =	sbr.ind lr, $3  }
0x3a: {  	_ = 	snop  }
0x3b: {  	_ = 	snop  }
0x3c: {  	p2 =	seq.s32 s10, $0x1;
	s10 =	sld [smem:$0x3FA9]  }
0x3d: {  	_ =	shalt  }
0x3e: {  	_ =	shalt  }
0x3f: {  	_ =	shalt  }
0x40: {  	_ =	shalt  }
0x41: {  	_ =	shalt  }
0x42: {  	_ =	shalt  }
0x43: {  	_ =	shalt  }
0x44: {  	_ =	shalt  }
0x45: {  	_ =	shalt  }
0x46: {  	_ =	shalt  }
0x47: {  	_ =	shalt  }
0x48: {  	_ =	shalt  }
0x49: {  	_ =	shalt  }
0x4a: {  	_ =	shalt  }
0x4b: {  	_ =	shalt  }
0x4c: {  	_ =	shalt  }
0x4d: {  	_ =	shalt  }
0x4e: {  	_ =	shalt  }
0x4f: {  	_ =	shalt  }
0x50: {  	_ =	shalt  }
0x51: {  	_ =	shalt  }
0x52: {  	_ =	shalt  }
0x53: {  	_ =	shalt  }
0x54: {  	_ =	shalt  }
0x55: {  	_ =	shalt  }
0x56: {  	_ =	shalt  }
0x57: {  	_ =	shalt  }
0x58: {  	_ =	shalt  }
0x59: {  	_ =	shalt  }
0x5a: {  	_ =	shalt  }
0x5b: {  	_ =	shalt  }
0x5c: {  	_ =	shalt  }
0x5d: {  	_ =	shalt  }
0x5e: {  	_ =	shalt  }
0x5f: {  	_ =	shalt  }
0x60: {  	_ =	shalt  }
0x61: {  	_ =	shalt  }
0x62: {  	_ =	shalt  }
0x63: {  	_ =	shalt  }
0x64: {  	_ =	shalt  }
0x65: {  	_ =	shalt  }
0x66: {  	_ =	shalt  }
0x67: {  	_ =	shalt  }
0x68: {  	_ =	shalt  }
0x69: {  	_ =	shalt  }
0x6a: {  	_ =	shalt  }
0x6b: {  	_ =	shalt  }
0x6c: {  	_ =	shalt  }
0x6d: {  	_ =	shalt  }
0x6e: {  	_ =	shalt  }
0x6f: {  	_ =	shalt  }
0x70: {  	_ =	shalt  }
0x71: {  	_ =	shalt  }
0x72: {  	_ =	shalt  }
0x73: {  	_ =	shalt  }
0x74: {  	_ =	shalt  }
0x75: {  	_ =	shalt  }
0x76: {  	_ =	shalt  }
0x77: {  	_ =	shalt  }
0x78: {  	_ =	shalt  }
0x79: {  	_ =	shalt  }
0x7a: {  	_ =	shalt  }
0x7b: {  	_ =	shalt  }
0x7c: {  	_ =	shalt  }
0x7d: {  	_ =	shalt  }
0x7e: {  	_ =	shalt  }
0x7f: {  	_ =	shalt  }
0x80: {  	_ =	shalt  }
0x81: {  	_ =	shalt  }
0x82: {  	_ =	shalt  }
0x83: {  	_ =	shalt  }
0x84: {  	_ =	shalt  }
0x85: {  	_ =	shalt  }
0x86: {  	_ =	shalt  }
0x87: {  	_ =	shalt  }
.Lfunc_end0:
.L_simem_size_0:
called_computation_lowered:
.L_overlay_start_0:
0x88: {  	s2 =	sld [smem:$0x3FD9]  }
0x89: {  	s3 =	sld [smem:$0x3FFE];
	_ =	sdelay $0x1  }
0x8a: {  	s1 =	srdreg.scid  }
0x8b: {  	s0 =	sand.u32 $0x1, s1  }
0x8c: {  	s17 =	sshll.u32 s0, $0xA;
	s2 =	sadd.s32 s3, s2  }
0x8d: {  	s2 =	sadd.s32 s2, s17  }
0x8e: {  	[smem:$0x3FB5] =	sst s2  }
0x8f: {  	_ = 	snop  }
0x90: {  	s2 =	sld [smem:$0x3FC6]  }
0x91: {  	s18 =	sld [smem:$0x3FD0];
	(tm) =	ssettm $0x1  }
0x92: {  	s4 =	sld [smem:$0x3FFB];
	_ =	sdelay $0x3  }
0x93: {  	_ =	strace s4  }
0x94: {  	s4 =	sld [smem:$0x3FFC];
	_ =	sdelay $0x3  }
0x95: {  	_ =	strace s4  }
0x96: {  	s4 =	sld [smem:$0x3FFD];
	_ =	sdelay $0x3  }
0x97: {  	_ =	strace s4  }
0x98: {  	_ =	strace $0x8FFFFFFF  }
0x99: {  	s19 =	sld [smem:$0x3FDB];
	_ =	sdelay $0x1  }
0x9a: {  	s5 =	simm.s32 $_scs_section_size  }
0x9b: {  	s6 =	simm.s32 $_size__tile_overlayer_lowered;
	s7 =	simm.s32 $_tile_overlayer_lowered  }
0x9c: {  	s22 =	simm.s32 $0x1BFF;
	s21 =	sshll.u32 s7, $0x1;
	s4 =	sadd.s32 s5, s19  }
0x9d: {  	s8 =	simm.s32 $0x0;
	s20 =	sshll.u32 s6, $0x1;
	s6 =	sadd.s32 s21, s4  }
0x9e: {  	[timem:s8], [sflag:s22] =	dma.local [hbm:s6], s20  }
0x9f: {  	_ =	swait.ge [sflag:s22], s20  }
0xa0: {  	s5 =	ssub.s32 $0x0, s20;
	[sflag:s22] =	ssyncset.done $0x0  }
0xa1: {  	[sflag:s22] =	ssyncadd.s32 s5;
	_ =	sdelay $0x1  }
0xa2: {  	s23 =	simm.s32 $0x1B8B  }
0xa3: {  	_ =	swait.ge [sflag:s23], $0x1  }
0xa4: {  	[sflag:s23] =	ssyncset.done $0x0  }
0xa5: {  	s25 =	simm.s32 $0x1B8E;
	s24 =	sld [smem:$0x3FFE];
	[sflag:s23] =	ssyncadd.s32 $0xFFFFFFFF  }
0xa6: {  	s26 =	simm.s32 $execute0_lowered;
	[smem:$0x3FD2] =	sst s25  }
0xa7: {  	s6 =	sshll.u32 s26, $0x1;
	_ =	strace $0x80000046;
	[dreg:$0x1] =	wrdreg $0xFFFFFFFF  }
0xa8: {  	s28 =	simm.s32 $_size_execute0_lowered;
	s4 =	sadd.s32 s4, s6;
	[dreg:$0x0] =	wrdreg $0x0  }
0xa9: {  	s6 =	sshll.u32 s28, $0x1;
	[dreg:$0x2] =	wrdreg s4  }
0xaa: {  	[dreg:$0x3] =	wrdreg s6  }
0xab: {  	[dreg:$0x4] =	wrdreg $0xC0  }
0xac: {  	_ =	task [dreg:s8], $0x5FFFF  }
0xad: {  	[dreg:$0x1] =	wrdreg $0xFFFFFFFF  }
0xae: {  	[dreg:$0x0] =	wrdreg $0x60  }
0xaf: {  	[dreg:$0x2] =	wrdreg s24  }
0xb0: {  	[dreg:$0x3] =	wrdreg s2  }
0xb1: {  	[dreg:$0x4] =	wrdreg s18  }
0xb2: {  	[dreg:$0x5] =	wrdreg $0x9  }
0xb3: {  	_ =	task.clear_ibuf [dreg:s8], $0x6FFFF;
	_ =	strace $0x90000046  }
0xb4: {  	s29 =	simm.s32 $0x9;
	_ =	strace $0x80000048  }
0xb5: {  	_ =	swait.ge [sflag:s29], $0x1  }
0xb6: {  	[sflag:s29] =	ssyncadd.s32 $0xFFFFFFFF  }
0xb7: {  	_ =	strace $0x90000048  }
0xb8: {  	_ =	sfence  }
0xb9: {  	s30 =	sld [smem:$0x0];
	_ =	sdelay $0x2  }
0xba: {  	s31 =	sshll.u32 s1, $0xD;
	s1 =	sshrl.u32 s1, $0x2  }
0xbb: {  	s3 =	sand.u32 $0x4000, s31;
	s1 =	sadd.s32 s1, s30  }
0xbc: {  	s0 =	sor.u32 s3, s0;
	s1 =	sshll.u32 s1, $0x11  }
0xbd: {  	s0 =	sor.u32 s1, s0  }
0xbe: {  	s0 =	sadd.s32 $0x8F2B, s0  }
0xbf: {  	[sflag:s0] =	ssyncadd.remote.s32 $0x1  }
0xc0: {  	_ =	sfence.sel $0xFFFF  }
0xc1: {  	[dreg:$0x0] =	wrdreg $0xFFFFFFFF;
	(pc) =	sbr.abs _section_cstart, $3  }
0xc2: {  	[dreg:$0x1] =	wrdreg $0xFFFFFFFF  }
0xc3: {  	_ =	task.clear_ibuf [dreg:s8], $0x2FFFF;
	_ =	strace $0x9FFFFFFF  }
0xc4: {  	(tm) =	ssettm $0x7FFFFFFF  }
0xc5: {  	_ =	shalt  }
tec
execute0_lowered:
.L_overlay_start_1:
0x0: {  	(tag) =	ssettag $0x1  }
0x1: {  	s6 =	rddreg [dreg:$0x0]  }
0x2: {  	s2 =	rddreg [dreg:$0x1]  }
0x3: {  	s0 =	srdreg.scid;
	s3 =	rddreg [dreg:$0x2]  }
0x4: {  	s1 =	stileid.u32;
	s4 =	simm.s32 $0x0;
	s14 =	simm.s32 $0x1  }
0x5: {  	s15 =	simm.s32 $0x2;
	s17 =	simm.s32 $0x400;
	s18 =	simm.s32 $0x4  }
0x6: {  	s19 =	simm.s32 $0x0;
	s7 =	sand.u32 $0x1, s0;
	s0 =	rddreg [dreg:$0x3]  }
0x7: {  	[smem:$0x7FF] =	sst s4;
	s26 =	sshll.u32 s1, $0x7;
	s11 =	sadd.s32 $0x12600, s6  }
0x8: {  	s12 =	smul.u32 $0x2800, s1;
	s5 =	sshll.u32 s7, $0x4;
	_ =	strace $0x80000047  }
0x9: {  	s28 =	smul.u32 $0x28000, s7;
	s7 =	ssub.s32 $0x2, s7;
	s16 =	sor.u32 s1, s5  }
0xa: {  	s29 =	sshrl.u32 s7, $0x1;
	s5 =	sshrl.u32 s16, $0x3;
	s10 =	smul.u32 $0x2800, s16  }
0xb: {  	s9 =	sand.u32 $0x380, s26;
	s13 =	ssub.s32 s7, s29;
	s8 =	smul.u32 $0x14000, s5  }
0xc: {  	p0 =	sne.s32 s16, $0x0;
	s16 =	simm.s32 $0x80;
	s5 =	sadd.s32 $0x4600, s6  }
0xd: {  	s10 =	sshrl.u32 s10, $0x3;
	s8 =	sor.u32 s9, s8;
	s9 =	sadd.s32 s12, s28  }
.Ltmp0:
0xe: {  	s12 =	simm.s32 $0x2800;
	s8 =	sshrl.u32 s8, $0x3;
	(pc) =	sbr.rel .LBB2_1-.Ltmp0, $4  }
0xf: {  	s30 =	sor.u32 $0x600, s9;
	s9 =	sor.u32 $0x400, s9;
	s8 =	sadd.s32 s8, s6  }
0x10: {  	s6 =	sadd.s32 s11, s10;
	s10 =	sshrl.u32 s30, $0x3;
	s31 =	sshrl.u32 s9, $0x3  }
0x11: {  	s9 =	smax.u32 s13, $0x1;
	s13 =	simm.s32 $0x2A00;
	s7 =	sadd.s32 $0x40, s6  }
0x12: {  	v0 =	vimm.f32 $0.0e+00;
	v1 =	vimm.f32 $1.000000000e+00;
	s8 =	sadd.s32 $0x1C600, s8;
	s10 =	sadd.s32 s10, s11;
	s11 =	sadd.s32 s31, s11  }
.LBB2_6:
0x13: {  	[hbm4b:s8+s16] =	stream.strided.scatter [tilespmem:s4], [sflag:$0x4], $0x2800, s17, s16, $0x38;
	[tilespmem:$0x4C80] =	vst v63  }
0x14: {  	_ =	swait.ge [sflag:s18], $0x2800  }
0x15: {  	s20 =	simm.s32 @!p0 $0x0;
	[sflag:s18] =	ssyncset.done $0x0  }
0x16: {  	s21 =	simm.s32 @!p0 $0x2C00;
	s22 =	simm.s32 @!p0 $0x4;
	[sflag:s18] =	ssyncadd.s32 $0xFFFFD800  }
0x17: {  	[tilespmem:s21], [sflag:$0x4] =	stream.linear.gather @!p0 [hbm4b:s2+s20], $0x80, $0x38;
	[tilespmem:$0x4C80] =	vst v63  }
0x18: {  	_ =	swait.ge @!p0 [sflag:s22], $0x80  }
0x19: {  	[sflag:s22] =	ssyncset.done @!p0 $0x0  }
0x1a: {  	s23 =	simm.s32 @!p0 $0x40;
	s24 =	simm.s32 @!p0 $0x2C80;
	[sflag:s22] =	ssyncadd.s32 @!p0 $0xFFFFFF80  }
0x1b: {  	[tilespmem:s24], [sflag:$0x3] =	stream.indirect.gather @!p0 [hbm4b:s5+s23], $0x80, s21, s23, $0xb8;
	[tilespmem:$0x4C80] =	vst v63  }
0x1c: {  	s21 =	simm.s32 @!p0 $0x3  }
0x1d: {  	s19 =	sadd.s32 $0x1, s19;
	_ =	swait.ge @!p0 [sflag:s21], $0x2000  }
0x1e: {  	p1 =	sne.s32 s19, s9;
	[sflag:s21] =	ssyncset.done @!p0 $0x0  }
.Ltmp1:
0x1f: {  	[sflag:s21] =	ssyncadd.s32 @!p0 $0xFFFFE000;
	(pc) =	sbr.rel @!p1 .LBB2_7-.Ltmp1, $4  }
0x20: {  	[hbm4b:s3+s20] =	stream.linear.scatter @!p0 [tilespmem:s24], [sflag:$0x4], $0x2000, $0x38;
	[tilespmem:$0x4C80] =	vst v63  }
0x21: {  	_ =	swait.ge @!p0 [sflag:s22], $0x2000  }
0x22: {  	[sflag:s22] =	ssyncset.done @!p0 $0x0  }
0x23: {  	[sflag:s22] =	ssyncadd.s32 @!p0 $0xFFFFE000  }
.LBB2_1:
0x24: {  	[tilespmem:s12], [sflag:$0x1] =	stream.linear.gather [hbm4b:s6+s4], $0x200, $0x38;
	[tilespmem:$0x4C80] =	vst v63  }
0x25: {  	s20 =	simm.s32 $0x0  }
0x26: {  	[tilespmem:s13], [sflag:$0x2] =	stream.linear.gather [hbm4b:s7+s4], $0x200, $0x38;
	[tilespmem:$0x4C80] =	vst v63  }
.LBB2_2:
0x27: {  	p1 =	sne.s32 s20, $0x9FC0  }
.Ltmp2:
0x28: {  	_ = 	snop;
	(pc) =	sbr.rel @p1 .LBB2_2-.Ltmp2, $3  }
0x29: {  	_ =	sdelay $0x1  }
0x2a: {  	s21 =	sshra.s32 s20, $0x2  }
0x2b: {  	s20 =	sadd.s32 $0x40, s20;
	[tilespmem:s21+$0x0] =	vst v0  }
0x2c: {  	s20 =	simm.s32 $0x0  }
.LBB2_4:
0x2d: {  	_ =	swait.ge [sflag:s14], $0x200  }
0x2e: {  	[sflag:s14] =	ssyncset.done $0x0  }
0x2f: {  	[sflag:s14] =	ssyncadd.s32 $0xFFFFFE00  }
0x30: {  	v2 =	vld [tilespmem:$0x2800];
	_ =	sdelay $0x7  }
0x31: {  	[tilespmem:v2+s4+$0x0] =	vst.idx.add.f32.msk $0xffff, v1  }
0x32: {  	v2 =	vld [tilespmem:$0x2810];
	_ =	sdelay $0x7  }
0x33: {  	[tilespmem:v2+s4+$0x0] =	vst.idx.add.f32.msk $0xffff, v1  }
0x34: {  	v2 =	vld [tilespmem:$0x2820];
	_ =	sdelay $0x7  }
0x35: {  	[tilespmem:v2+s4+$0x0] =	vst.idx.add.f32.msk $0xffff, v1  }
0x36: {  	v2 =	vld [tilespmem:$0x2830];
	_ =	sdelay $0x7  }
0x37: {  	[tilespmem:v2+s4+$0x0] =	vst.idx.add.f32.msk $0xffff, v1  }
0x38: {  	v2 =	vld [tilespmem:$0x2840];
	_ =	sdelay $0x7  }
0x39: {  	[tilespmem:v2+s4+$0x0] =	vst.idx.add.f32.msk $0xffff, v1  }
0x3a: {  	v2 =	vld [tilespmem:$0x2850];
	_ =	sdelay $0x7  }
0x3b: {  	[tilespmem:v2+s4+$0x0] =	vst.idx.add.f32.msk $0xffff, v1  }
0x3c: {  	v2 =	vld [tilespmem:$0x2860];
	_ =	sdelay $0x7  }
0x3d: {  	[tilespmem:v2+s4+$0x0] =	vst.idx.add.f32.msk $0xffff, v1  }
0x3e: {  	v2 =	vld [tilespmem:$0x2870];
	_ =	sdelay $0x7  }
0x3f: {  	[tilespmem:v2+s4+$0x0] =	vst.idx.add.f32.msk $0xffff, v1  }
0x40: {  	v2 =	vld [tilespmem:$0x2880];
	_ =	sdelay $0x7  }
0x41: {  	[tilespmem:v2+s4+$0x0] =	vst.idx.add.f32.msk $0xffff, v1  }
0x42: {  	v2 =	vld [tilespmem:$0x2890];
	_ =	sdelay $0x7  }
0x43: {  	[tilespmem:v2+s4+$0x0] =	vst.idx.add.f32.msk $0xffff, v1  }
0x44: {  	v2 =	vld [tilespmem:$0x28A0];
	_ =	sdelay $0x7  }
0x45: {  	[tilespmem:v2+s4+$0x0] =	vst.idx.add.f32.msk $0xffff, v1  }
0x46: {  	v2 =	vld [tilespmem:$0x28B0];
	_ =	sdelay $0x7  }
0x47: {  	[tilespmem:v2+s4+$0x0] =	vst.idx.add.f32.msk $0xffff, v1  }
0x48: {  	v2 =	vld [tilespmem:$0x28C0];
	_ =	sdelay $0x7  }
0x49: {  	[tilespmem:v2+s4+$0x0] =	vst.idx.add.f32.msk $0xffff, v1  }
0x4a: {  	v2 =	vld [tilespmem:$0x28D0];
	_ =	sdelay $0x7  }
0x4b: {  	[tilespmem:v2+s4+$0x0] =	vst.idx.add.f32.msk $0xffff, v1  }
0x4c: {  	v2 =	vld [tilespmem:$0x28E0];
	_ =	sdelay $0x7  }
0x4d: {  	[tilespmem:v2+s4+$0x0] =	vst.idx.add.f32.msk $0xffff, v1  }
0x4e: {  	v2 =	vld [tilespmem:$0x28F0];
	_ =	sdelay $0x7  }
0x4f: {  	[tilespmem:v2+s4+$0x0] =	vst.idx.add.f32.msk $0xffff, v1  }
0x50: {  	v2 =	vld [tilespmem:$0x2900];
	_ =	sdelay $0x7  }
0x51: {  	[tilespmem:v2+s4+$0x0] =	vst.idx.add.f32.msk $0xffff, v1  }
0x52: {  	v2 =	vld [tilespmem:$0x2910];
	_ =	sdelay $0x7  }
0x53: {  	[tilespmem:v2+s4+$0x0] =	vst.idx.add.f32.msk $0xffff, v1  }
0x54: {  	v2 =	vld [tilespmem:$0x2920];
	_ =	sdelay $0x7  }
0x55: {  	[tilespmem:v2+s4+$0x0] =	vst.idx.add.f32.msk $0xffff, v1  }
0x56: {  	v2 =	vld [tilespmem:$0x2930];
	_ =	sdelay $0x7  }
0x57: {  	[tilespmem:v2+s4+$0x0] =	vst.idx.add.f32.msk $0xffff, v1  }
0x58: {  	v2 =	vld [tilespmem:$0x2940];
	_ =	sdelay $0x7  }
0x59: {  	[tilespmem:v2+s4+$0x0] =	vst.idx.add.f32.msk $0xffff, v1  }
0x5a: {  	v2 =	vld [tilespmem:$0x2950];
	_ =	sdelay $0x7  }
0x5b: {  	[tilespmem:v2+s4+$0x0] =	vst.idx.add.f32.msk $0xffff, v1  }
0x5c: {  	v2 =	vld [tilespmem:$0x2960];
	_ =	sdelay $0x7  }
0x5d: {  	[tilespmem:v2+s4+$0x0] =	vst.idx.add.f32.msk $0xffff, v1  }
0x5e: {  	v2 =	vld [tilespmem:$0x2970];
	_ =	sdelay $0x7  }
0x5f: {  	[tilespmem:v2+s4+$0x0] =	vst.idx.add.f32.msk $0xffff, v1  }
0x60: {  	v2 =	vld [tilespmem:$0x2980];
	_ =	sdelay $0x7  }
0x61: {  	[tilespmem:v2+s4+$0x0] =	vst.idx.add.f32.msk $0xffff, v1  }
0x62: {  	v2 =	vld [tilespmem:$0x2990];
	_ =	sdelay $0x7  }
0x63: {  	[tilespmem:v2+s4+$0x0] =	vst.idx.add.f32.msk $0xffff, v1  }
0x64: {  	v2 =	vld [tilespmem:$0x29A0];
	_ =	sdelay $0x7  }
0x65: {  	[tilespmem:v2+s4+$0x0] =	vst.idx.add.f32.msk $0xffff, v1  }
0x66: {  	v2 =	vld [tilespmem:$0x29B0];
	_ =	sdelay $0x7  }
0x67: {  	[tilespmem:v2+s4+$0x0] =	vst.idx.add.f32.msk $0xffff, v1  }
0x68: {  	v2 =	vld [tilespmem:$0x29C0];
	_ =	sdelay $0x7  }
0x69: {  	[tilespmem:v2+s4+$0x0] =	vst.idx.add.f32.msk $0xffff, v1  }
0x6a: {  	v2 =	vld [tilespmem:$0x29D0];
	_ =	sdelay $0x7  }
0x6b: {  	[tilespmem:v2+s4+$0x0] =	vst.idx.add.f32.msk $0xffff, v1  }
0x6c: {  	v2 =	vld [tilespmem:$0x29E0];
	_ =	sdelay $0x7  }
0x6d: {  	[tilespmem:v2+s4+$0x0] =	vst.idx.add.f32.msk $0xffff, v1  }
0x6e: {  	v2 =	vld [tilespmem:$0x29F0];
	_ =	sdelay $0x6  }
0x6f: {  	p1 =	seq.s32 s20, $0x480  }
0x70: {  	s21 =	sadd.s32 @!p1 s20, s11;
	s22 =	simm.s32 @!p1 $0x0;
	s23 =	simm.s32 @!p1 $0x2800;
	[tilespmem:v2+s4+$0x0] =	vst.idx.add.f32.msk $0xffff, v1  }
0x71: {  	[tilespmem:s23], [sflag:$0x1] =	stream.linear.gather @!p1 [hbm4b:s21+s22], $0x200, $0x38;
	[tilespmem:$0x4C80] =	vst v63  }
0x72: {  	_ =	swait.ge [sflag:s15], $0x200  }
0x73: {  	[sflag:s15] =	ssyncset.done $0x0  }
0x74: {  	[sflag:s15] =	ssyncadd.s32 $0xFFFFFE00  }
0x75: {  	v2 =	vld [tilespmem:$0x2A00];
	_ =	sdelay $0x7  }
0x76: {  	[tilespmem:v2+s4+$0x0] =	vst.idx.add.f32.msk $0xffff, v1  }
0x77: {  	v2 =	vld [tilespmem:$0x2A10];
	_ =	sdelay $0x7  }
0x78: {  	[tilespmem:v2+s4+$0x0] =	vst.idx.add.f32.msk $0xffff, v1  }
0x79: {  	v2 =	vld [tilespmem:$0x2A20];
	_ =	sdelay $0x7  }
0x7a: {  	[tilespmem:v2+s4+$0x0] =	vst.idx.add.f32.msk $0xffff, v1  }
0x7b: {  	v2 =	vld [tilespmem:$0x2A30];
	_ =	sdelay $0x7  }
0x7c: {  	[tilespmem:v2+s4+$0x0] =	vst.idx.add.f32.msk $0xffff, v1  }
0x7d: {  	v2 =	vld [tilespmem:$0x2A40];
	_ =	sdelay $0x7  }
0x7e: {  	[tilespmem:v2+s4+$0x0] =	vst.idx.add.f32.msk $0xffff, v1  }
0x7f: {  	v2 =	vld [tilespmem:$0x2A50];
	_ =	sdelay $0x7  }
0x80: {  	[tilespmem:v2+s4+$0x0] =	vst.idx.add.f32.msk $0xffff, v1  }
0x81: {  	v2 =	vld [tilespmem:$0x2A60];
	_ =	sdelay $0x7  }
0x82: {  	[tilespmem:v2+s4+$0x0] =	vst.idx.add.f32.msk $0xffff, v1  }
0x83: {  	v2 =	vld [tilespmem:$0x2A70];
	_ =	sdelay $0x7  }
0x84: {  	[tilespmem:v2+s4+$0x0] =	vst.idx.add.f32.msk $0xffff, v1  }
0x85: {  	v2 =	vld [tilespmem:$0x2A80];
	_ =	sdelay $0x7  }
0x86: {  	[tilespmem:v2+s4+$0x0] =	vst.idx.add.f32.msk $0xffff, v1  }
0x87: {  	v2 =	vld [tilespmem:$0x2A90];
	_ =	sdelay $0x7  }
0x88: {  	[tilespmem:v2+s4+$0x0] =	vst.idx.add.f32.msk $0xffff, v1  }
0x89: {  	v2 =	vld [tilespmem:$0x2AA0];
	_ =	sdelay $0x7  }
0x8a: {  	[tilespmem:v2+s4+$0x0] =	vst.idx.add.f32.msk $0xffff, v1  }
0x8b: {  	v2 =	vld [tilespmem:$0x2AB0];
	_ =	sdelay $0x7  }
0x8c: {  	[tilespmem:v2+s4+$0x0] =	vst.idx.add.f32.msk $0xffff, v1  }
0x8d: {  	v2 =	vld [tilespmem:$0x2AC0];
	_ =	sdelay $0x7  }
0x8e: {  	[tilespmem:v2+s4+$0x0] =	vst.idx.add.f32.msk $0xffff, v1  }
0x8f: {  	v2 =	vld [tilespmem:$0x2AD0];
	_ =	sdelay $0x7  }
0x90: {  	[tilespmem:v2+s4+$0x0] =	vst.idx.add.f32.msk $0xffff, v1  }
0x91: {  	v2 =	vld [tilespmem:$0x2AE0];
	_ =	sdelay $0x7  }
0x92: {  	[tilespmem:v2+s4+$0x0] =	vst.idx.add.f32.msk $0xffff, v1  }
0x93: {  	v2 =	vld [tilespmem:$0x2AF0];
	_ =	sdelay $0x7  }
0x94: {  	[tilespmem:v2+s4+$0x0] =	vst.idx.add.f32.msk $0xffff, v1  }
0x95: {  	v2 =	vld [tilespmem:$0x2B00];
	_ =	sdelay $0x7  }
0x96: {  	[tilespmem:v2+s4+$0x0] =	vst.idx.add.f32.msk $0xffff, v1  }
0x97: {  	v2 =	vld [tilespmem:$0x2B10];
	_ =	sdelay $0x7  }
0x98: {  	[tilespmem:v2+s4+$0x0] =	vst.idx.add.f32.msk $0xffff, v1  }
0x99: {  	v2 =	vld [tilespmem:$0x2B20];
	_ =	sdelay $0x7  }
0x9a: {  	[tilespmem:v2+s4+$0x0] =	vst.idx.add.f32.msk $0xffff, v1  }
0x9b: {  	v2 =	vld [tilespmem:$0x2B30];
	_ =	sdelay $0x7  }
0x9c: {  	[tilespmem:v2+s4+$0x0] =	vst.idx.add.f32.msk $0xffff, v1  }
0x9d: {  	v2 =	vld [tilespmem:$0x2B40];
	_ =	sdelay $0x7  }
0x9e: {  	[tilespmem:v2+s4+$0x0] =	vst.idx.add.f32.msk $0xffff, v1  }
0x9f: {  	v2 =	vld [tilespmem:$0x2B50];
	_ =	sdelay $0x7  }
0xa0: {  	[tilespmem:v2+s4+$0x0] =	vst.idx.add.f32.msk $0xffff, v1  }
0xa1: {  	v2 =	vld [tilespmem:$0x2B60];
	_ =	sdelay $0x7  }
0xa2: {  	[tilespmem:v2+s4+$0x0] =	vst.idx.add.f32.msk $0xffff, v1  }
0xa3: {  	v2 =	vld [tilespmem:$0x2B70];
	_ =	sdelay $0x7  }
0xa4: {  	[tilespmem:v2+s4+$0x0] =	vst.idx.add.f32.msk $0xffff, v1  }
0xa5: {  	v2 =	vld [tilespmem:$0x2B80];
	_ =	sdelay $0x7  }
0xa6: {  	[tilespmem:v2+s4+$0x0] =	vst.idx.add.f32.msk $0xffff, v1  }
0xa7: {  	v2 =	vld [tilespmem:$0x2B90];
	_ =	sdelay $0x7  }
0xa8: {  	[tilespmem:v2+s4+$0x0] =	vst.idx.add.f32.msk $0xffff, v1  }
0xa9: {  	v2 =	vld [tilespmem:$0x2BA0];
	_ =	sdelay $0x7  }
0xaa: {  	[tilespmem:v2+s4+$0x0] =	vst.idx.add.f32.msk $0xffff, v1  }
0xab: {  	v2 =	vld [tilespmem:$0x2BB0];
	_ =	sdelay $0x7  }
0xac: {  	[tilespmem:v2+s4+$0x0] =	vst.idx.add.f32.msk $0xffff, v1  }
0xad: {  	v2 =	vld [tilespmem:$0x2BC0];
	_ =	sdelay $0x7  }
0xae: {  	[tilespmem:v2+s4+$0x0] =	vst.idx.add.f32.msk $0xffff, v1  }
0xaf: {  	v2 =	vld [tilespmem:$0x2BD0];
	_ =	sdelay $0x7  }
0xb0: {  	[tilespmem:v2+s4+$0x0] =	vst.idx.add.f32.msk $0xffff, v1  }
0xb1: {  	v2 =	vld [tilespmem:$0x2BE0];
	_ =	sdelay $0x7  }
0xb2: {  	[tilespmem:v2+s4+$0x0] =	vst.idx.add.f32.msk $0xffff, v1  }
0xb3: {  	v2 =	vld [tilespmem:$0x2BF0];
	_ =	sdelay $0x3  }
.Ltmp3:
0xb4: {  	_ = 	snop;
	(pc) =	sbr.rel @p1 .LBB2_6-.Ltmp3, $2  }
0xb5: {  	_ =	sdelay $0x2  }
0xb6: {  	[tilespmem:v2+s4+$0x0] =	vst.idx.add.f32.msk $0xffff, v1  }
.Ltmp4:
0xb7: {  	(pc) =	sbr.rel .LBB2_4-.Ltmp4, $3  }
0xb8: {  	_ =	sdelay $0x1  }
0xb9: {  	s21 =	sadd.s32 s20, s10;
	s20 =	sadd.s32 $0x80, s20  }
0xba: {  	[tilespmem:s13], [sflag:$0x2] =	stream.linear.gather [hbm4b:s21+s4], $0x200, $0x38;
	[tilespmem:$0x4C80] =	vst v63  }
.LBB2_7:
0xbb: {  	_ =	sfence.sel $0x180000  }
0xbc: {  	[bflag:$0x0] =	sbarrier.arrive $0xFFFF  }
0xbd: {  	p0 =	sne.s32 s1, $0x0;
	_ =	strace $0x90000047  }
0xbe: {  	s0 =	sadd.s32 @!p0 $0x100000, s0;
	[bflag:$0x2] =	sbarrier.arrive $0xFFFF  }
0xbf: {  	[sflag:s0] =	ssyncadd.tile.s32 @!p0 $0x1;
	_ =	shalt  }
.Lfunc_end2:
_tile_overlayer_lowered:
.L_overlay_start_2:
0xc0: {  	(tag) =	ssettag $0x2  }
0xc1: {  	s0 =	rddreg [dreg:$0x0];
	s2 =	stileid.u32  }
0xc2: {  	s1 =	rddreg [dreg:$0x1];
	p0 =	sne.s32 s2, $0x0  }
0xc3: {  	s3 =	rddreg [dreg:$0x2];
	[bflag:$0x3] =	sbarrier.arrive $0xFFFF;
	s2 =	simm.s32 @!p0 $0x1C04  }
0xc4: {  	[timem:s3], [sflag:s2] =	dma.local @!p0 [hbm:s0], s1  }
0xc5: {  	s0 =	simm.s32 @!p0 $0x4  }
0xc6: {  	_ =	swait.ge @!p0 [sflag:s0], s1  }
0xc7: {  	s1 =	ssub.s32 @!p0 $0x0, s1;
	[sflag:s0] =	ssyncset.done @!p0 $0x0  }
0xc8: {  	[sflag:s0] =	ssyncadd.s32 @!p0 s1  }
0xc9: {  	[bflag:$0x3] =	sbarrier.arrive $0xFFFF  }
0xca: {  	_ =	shalt  }

</sc_bundles>
